<compile_context>
chip_gen: v7x
topology: tpu7x:2x2x1
jax: 0.10.2.dev20260603
libtpu: 0.0.44.dev20260713+nightly
codegen_flags: <defaults>
</compile_context>

<pallas_src>
import functools

import jax
import jax.numpy as jnp
from jax import lax
from jax.experimental import pallas as pl
from jax.experimental.pallas import tpu as pltpu
from jax.experimental.pallas import tpu_sc as plsc

N = 10000
E = 320000
NCORE = 2
NSUB = 16
EPT = E // (NCORE * NSUB)
BATCH = 80
NB = EPT // BATCH
N_PAD = 10240
ROWS_PT = N_PAD // NSUB
NBK = 400


def _sc_mesh():
    return plsc.VectorSubcoreMesh(
        core_axis_name="c", subcore_axis_name="s",
        num_cores=NCORE, num_subcores=NSUB)


def _degree_sc(dst_r, ones, zfill):

    @functools.partial(
        pl.kernel,
        out_type=jax.ShapeDtypeStruct((NCORE, N_PAD, 128), jnp.float32),
        mesh=_sc_mesh(),
        scratch_types=[
            pltpu.VMEM((NB, BATCH), jnp.int32),
            pltpu.VMEM((BATCH, 128), jnp.float32),
            pltpu.VMEM_SHARED((N_PAD, 128), jnp.float32),
        ],
    )
    def k(dst_hbm, ones_hbm, zeros_hbm, out_hbm, didx, onesb, acc):
        cid = lax.axis_index("c")
        sid = lax.axis_index("s")
        pltpu.sync_copy(dst_hbm.at[cid, sid], didx)
        pltpu.sync_copy(ones_hbm, onesb)
        pltpu.sync_copy(zeros_hbm, acc.at[pl.ds(sid * ROWS_PT, ROWS_PT)])
        plsc.subcore_barrier()

        def body(b, carry):
            pltpu.sync_copy(onesb, acc.at[didx.at[b]], add=True)
            return carry

        lax.fori_loop(0, NB, body, 0)
        plsc.subcore_barrier()
        sl = pl.ds(sid * ROWS_PT, ROWS_PT)
        pltpu.sync_copy(acc.at[sl], out_hbm.at[cid, sl])

    return k(dst_r, ones, zfill)


def _scatter_sc(nchunk, fc):

    @functools.partial(
        pl.kernel,
        out_type=jax.ShapeDtypeStruct((NCORE, nchunk, N_PAD, fc), jnp.float32),
        mesh=_sc_mesh(),
        scratch_types=[
            pltpu.VMEM((EPT,), jnp.int32),
            pltpu.VMEM((NB, BATCH), jnp.int32),
            pltpu.VMEM((2, BATCH, fc), jnp.float32),
            pltpu.VMEM_SHARED((N_PAD, fc), jnp.float32),
            pltpu.SemaphoreType.DMA,
        ],
    )
    def k(xws_hbm, src_hbm, dst_hbm, zeros_hbm, out_hbm, sidx, didx, ring,
          acc, gsem):
        cid = lax.axis_index("c")
        sid = lax.axis_index("s")
        pltpu.sync_copy(src_hbm.at[cid, sid], sidx)
        pltpu.sync_copy(dst_hbm.at[cid, sid], didx)

        for chunk in range(nchunk):
            tab = xws_hbm.at[chunk]
            pltpu.sync_copy(zeros_hbm, acc.at[pl.ds(sid * ROWS_PT, ROWS_PT)])
            plsc.subcore_barrier()

            pltpu.async_copy(tab.at[sidx.at[pl.ds(0, BATCH)]], ring.at[0],
                             gsem)

            def step(b, carry):
                p = lax.rem(b, 2)

                @pl.when(b + 1 < NB)
                def _():
                    pltpu.async_copy(
                        tab.at[sidx.at[pl.ds((b + 1) * BATCH, BATCH)]],
                        ring.at[1 - p], gsem)

                pltpu.make_async_copy(
                    tab.at[sidx.at[pl.ds(b * BATCH, BATCH)]], ring.at[p],
                    gsem).wait()
                pltpu.sync_copy(ring.at[p], acc.at[didx.at[b]], add=True)
                return carry

            lax.fori_loop(0, NB, step, 0)
            plsc.subcore_barrier()
            sl = pl.ds(sid * ROWS_PT, ROWS_PT)
            pltpu.sync_copy(acc.at[sl], out_hbm.at[cid, chunk, sl])

    return k


def _layer1_tc(x, W1, degp, nchunk, fc):

    def body(x_ref, w_ref, d_ref, o_ref, dv_ref):
        d = d_ref[0, :, 0:1] + d_ref[1, :, 0:1] + 1.0
        dv = 1.0 / jnp.sqrt(d)
        dv_ref[...] = dv
        xb = x_ref[...]
        for c in range(nchunk):
            o_ref[c] = jnp.dot(xb, w_ref[:, pl.ds(c * fc, fc)],
                               preferred_element_type=jnp.float32) * dv

    return pl.pallas_call(
        body,
        grid=(N // NBK,),
        in_specs=[
            pl.BlockSpec((NBK, x.shape[1]), lambda i: (i, 0)),
            pl.BlockSpec((x.shape[1], nchunk * fc), lambda i: (0, 0)),
            pl.BlockSpec((NCORE, NBK, 128), lambda i: (0, i, 0)),
        ],
        out_specs=[
            pl.BlockSpec((nchunk, NBK, fc), lambda i: (0, i, 0)),
            pl.BlockSpec((NBK, 1), lambda i: (i, 0)),
        ],
        out_shape=[
            jax.ShapeDtypeStruct((nchunk, N, fc), jnp.float32),
            jax.ShapeDtypeStruct((N, 1), jnp.float32),
        ],
    )(x, W1, degp)


def _mid_tc(accp, xws, W, b, dinv, nc_in, fc_in, nc_out, fc_out):

    def body(a_ref, x_ref, w_ref, b_ref, dv_ref, o_ref):
        dv = dv_ref[...]
        hs = []
        for c in range(nc_in):
            t = dv * (a_ref[0, c] + a_ref[1, c] + x_ref[c]) \
                + b_ref[0, pl.ds(c * fc_in, fc_in)][None, :]
            hs.append(jnp.clip(t, 0.0, 6.0))
        h = jnp.concatenate(hs, axis=1) if nc_in > 1 else hs[0]
        for c in range(nc_out):
            o_ref[c] = jnp.dot(h, w_ref[:, pl.ds(c * fc_out, fc_out)],
                               preferred_element_type=jnp.float32) * dv

    return pl.pallas_call(
        body,
        grid=(N // NBK,),
        in_specs=[
            pl.BlockSpec((NCORE, nc_in, NBK, fc_in), lambda i: (0, 0, i, 0)),
            pl.BlockSpec((nc_in, NBK, fc_in), lambda i: (0, i, 0)),
            pl.BlockSpec((nc_in * fc_in, nc_out * fc_out), lambda i: (0, 0)),
            pl.BlockSpec((1, nc_in * fc_in), lambda i: (0, 0)),
            pl.BlockSpec((NBK, 1), lambda i: (i, 0)),
        ],
        out_specs=pl.BlockSpec((nc_out, NBK, fc_out), lambda i: (0, i, 0)),
        out_shape=jax.ShapeDtypeStruct((nc_out, N, fc_out), jnp.float32),
    )(accp, xws, W, b, dinv)


def _final_tc(accp, xws, b3p, dinv, Wcp, bcp, fc_in):

    def body(a_ref, x_ref, b_ref, dv_ref, w_ref, bc_ref, o_ref):
        dv = dv_ref[...]
        t = dv * (a_ref[0, 0] + a_ref[1, 0] + x_ref[0]) + b_ref[0][None, :]
        h = jnp.clip(t, 0.0, 6.0)
        o = jnp.dot(h, w_ref[...], preferred_element_type=jnp.float32) \
            + bc_ref[0][None, :]
        o_ref[...] = 1.0 / (1.0 + jnp.exp(-o))

    return pl.pallas_call(
        body,
        grid=(N // NBK,),
        in_specs=[
            pl.BlockSpec((NCORE, 1, NBK, fc_in), lambda i: (0, 0, i, 0)),
            pl.BlockSpec((1, NBK, fc_in), lambda i: (0, i, 0)),
            pl.BlockSpec((1, fc_in), lambda i: (0, 0)),
            pl.BlockSpec((NBK, 1), lambda i: (i, 0)),
            pl.BlockSpec((fc_in, 128), lambda i: (0, 0)),
            pl.BlockSpec((1, 128), lambda i: (0, 0)),
        ],
        out_specs=pl.BlockSpec((NBK, 128), lambda i: (i, 0)),
        out_shape=jax.ShapeDtypeStruct((N, 128), jnp.float32),
    )(accp, xws, b3p, dinv, Wcp, bcp)


def kernel(x, intra_layer_edges, cross_layer_edges, W1, b1, W2, b2, W3, b3,
           Wc, bc):
    edges = jnp.concatenate([intra_layer_edges, cross_layer_edges], axis=0)
    src = edges[:, 0].reshape(NCORE, NSUB, EPT)
    dst = edges[:, 1].reshape(NCORE, NSUB, NB, BATCH)
    zfill = jnp.zeros((ROWS_PT, 128), jnp.float32)
    ones = jnp.ones((BATCH, 128), jnp.float32)

    degp = _degree_sc(dst, ones, zfill)

    xws1, dinv = _layer1_tc(x, W1, degp, 4, 128)
    acc1 = _scatter_sc(4, 128)(xws1, src, dst, zfill)

    b1r = b1.reshape(1, 512)
    xws2 = _mid_tc(acc1, xws1, W2, b1r, dinv, 4, 128, 2, 128)
    acc2 = _scatter_sc(2, 128)(xws2, src, dst, zfill)

    W3p = jnp.pad(W3, ((0, 0), (0, 76)))
    b2r = b2.reshape(1, 256)
    xws3 = _mid_tc(acc2, xws2, W3p, b2r, dinv, 2, 128, 1, 128)
    acc3 = _scatter_sc(1, 128)(xws3, src, dst, zfill)

    b3p = jnp.pad(b3, (0, 76)).reshape(1, 128)
    Wcp = jnp.pad(Wc, ((0, 76), (0, 125)))
    bcp = jnp.pad(bc, (0, 125)).reshape(1, 128)
    out_full = _final_tc(acc3, xws3, b3p, dinv, Wcp, bcp, 128)
    out = out_full[:, :3]
    return (out, intra_layer_edges, cross_layer_edges)

# --- scband reference (transcript-rebuilt; emitter-appended) ---
"""Pipeline reference for scband-mara-45921790328877 (READ-ONLY COPY).

The authoritative reference and input builder live on the scoring server;
editing this copy changes nothing except your own understanding.
"""

import jax, jax.numpy as jnp
import numpy as np

N_NODES = 10000

def _gcn_conv(x, W, b, src, dst, n):
    # PyG GCNConv: linear transform, add self-loops, symmetric normalization, scatter-add, bias
    xw = x @ W
    loop = jnp.arange(n, dtype=src.dtype)
    src2 = jnp.concatenate([src, loop])
    dst2 = jnp.concatenate([dst, loop])
    deg = jnp.zeros((n,), dtype=xw.dtype).at[dst2].add(1.0)
    dinv = jnp.where(deg > 0, 1.0 / jnp.sqrt(deg), 0.0)
    norm = dinv[src2] * dinv[dst2]
    msg = xw[src2] * norm[:, None]
    out = jnp.zeros((n, W.shape[1]), dtype=xw.dtype).at[dst2].add(msg)
    return out + b

def _relu6(x):
    return jnp.clip(x, 0.0, 6.0)

def setup_inputs(seed: int = 0) -> dict:
    key = jax.random.key(seed)
    ks = jax.random.split(key, 12)
    x = jax.random.normal(ks[0], (N_NODES, 128), dtype=jnp.float32)
    intra = jax.random.randint(ks[1], (160000, 2), 0, N_NODES, dtype=jnp.int32)
    cross = jax.random.randint(ks[2], (160000, 2), 0, N_NODES, dtype=jnp.int32)
    W1 = jax.random.normal(ks[3], (128, 512), dtype=jnp.float32) * 0.05
    b1 = jnp.zeros((512,), dtype=jnp.float32)
    W2 = jax.random.normal(ks[4], (512, 256), dtype=jnp.float32) * 0.05
    b2 = jnp.zeros((256,), dtype=jnp.float32)
    W3 = jax.random.normal(ks[5], (256, 52), dtype=jnp.float32) * 0.05
    b3 = jnp.zeros((52,), dtype=jnp.float32)
    Wc = jax.random.normal(ks[6], (52, 3), dtype=jnp.float32) * 0.1
    bc = jnp.zeros((3,), dtype=jnp.float32)
    return {"x": x, "intra_layer_edges": intra, "cross_layer_edges": cross,
            "W1": W1, "b1": b1, "W2": W2, "b2": b2, "W3": W3, "b3": b3,
            "Wc": Wc, "bc": bc}

def reference(x, intra_layer_edges, cross_layer_edges, W1, b1, W2, b2, W3, b3, Wc, bc):
    n = x.shape[0]
    # simplification_strategy='DE', stages='once', DE_p=0.0 -> DropEdge is identity
    edge_index = jnp.concatenate([intra_layer_edges, cross_layer_edges], axis=0).T  # [2, E]
    src, dst = edge_index[0], edge_index[1]
    # dropout p=0.0 -> identity
    h = _relu6(_gcn_conv(x, W1, b1, src, dst, n))
    h = _relu6(_gcn_conv(h, W2, b2, src, dst, n))
    h = _relu6(_gcn_conv(h, W3, b3, src, dst, n))
    out = jax.nn.sigmoid(h @ Wc + bc)
    return (out, intra_layer_edges, cross_layer_edges)

if __name__ == "__main__":
    import jax
    _d = setup_inputs()
    print(jax.jit(kernel)(*tuple(_d.values())))

</pallas_src>

<mosaic_0001>
#map = affine_map<(d0, d1) -> (0, 0, 0)>
#map1 = affine_map<(d0, d1) -> (0, 0, 0, 0)>
#map2 = affine_map<(d0, d1) -> (0, 0)>
module attributes {stable_mosaic.version = 14 : i64} {
  func.func @k(%arg0: i32, %arg1: i32, %arg2: memref<4x10000x128xf32, #tpu.memory_space<hbm>>, %arg3: memref<2x16x10000xi32, #tpu.memory_space<hbm>>, %arg4: memref<2x16x125x80xi32, #tpu.memory_space<hbm>>, %arg5: memref<640x128xf32, #tpu.memory_space<hbm>>, %arg6: memref<2x4x10240x128xf32, #tpu.memory_space<hbm>>, %arg7: memref<10000xi32, #tpu.memory_space<vmem>>, %arg8: memref<125x80xi32, #tpu.memory_space<vmem>>, %arg9: memref<2x80x128xf32, #tpu.memory_space<vmem>>, %arg10: memref<10240x128xf32, #tpu.memory_space<vmem_shared>>, %arg11: memref<!tpu.dma_semaphore, #tpu.memory_space<semaphore_mem>>) attributes {dimension_semantics = [#tpu.dimension_semantics<core_parallel>, #tpu.dimension_semantics<subcore_parallel>], iteration_bounds = array<i64: 2, 16>, scalar_prefetch = 0 : i64, scratch_operands = 5 : i64, tpu.core_type = #tpu.core_type<sc_vector_subcore>, window_params = [{transform_indices = #map}, {transform_indices = #map}, {transform_indices = #map1}, {transform_indices = #map2}, {transform_indices = #map1}]} {
    "tpu.region"() ({
      %run_scoped3A_111 = tpu.sem_alloc : memref<!tpu.dma_semaphore, #tpu.memory_space<semaphore_mem>>
      %dma_start3A_112 = arith.constant 0 : i32
      %dma_start3A_113 = tpu.memref_slice %arg3[%arg0, %arg1, %dma_start3A_112] : memref<2x16x10000xi32, #tpu.memory_space<hbm>> -> memref<1x1x10000xi32, #tpu.memory_space<hbm>>
      %dma_start3A_114 = tpu.memref_squeeze %dma_start3A_113 : memref<1x1x10000xi32, #tpu.memory_space<hbm>> -> memref<10000xi32, #tpu.memory_space<hbm>>
      %dma_start3A_115 = arith.constant 0 : i32
      %dma_start3A_116 = tpu.memref_slice %arg3[%arg0, %arg1, %dma_start3A_115] : memref<2x16x10000xi32, #tpu.memory_space<hbm>> -> memref<1x1x10000xi32, #tpu.memory_space<hbm>>
      %dma_start3A_117 = tpu.memref_squeeze %dma_start3A_116 : memref<1x1x10000xi32, #tpu.memory_space<hbm>> -> memref<10000xi32, #tpu.memory_space<hbm>>
      tpu.enqueue_dma source(%dma_start3A_117 : memref<10000xi32, #tpu.memory_space<hbm>>) target(%arg7 : memref<10000xi32, #tpu.memory_space<vmem>>) target_semaphore(%run_scoped3A_111 : memref<!tpu.dma_semaphore, #tpu.memory_space<semaphore_mem>>)
      %dma_wait3A = arith.constant 0 : i32
      %dma_wait3A_118 = tpu.memref_slice %arg3[%arg0, %arg1, %dma_wait3A] : memref<2x16x10000xi32, #tpu.memory_space<hbm>> -> memref<1x1x10000xi32, #tpu.memory_space<hbm>>
      %dma_wait3A_119 = tpu.memref_squeeze %dma_wait3A_118 : memref<1x1x10000xi32, #tpu.memory_space<hbm>> -> memref<10000xi32, #tpu.memory_space<hbm>>
      %dma_wait3A_120 = arith.constant 0 : i32
      %dma_wait3A_121 = tpu.memref_slice %arg3[%arg0, %arg1, %dma_wait3A_120] : memref<2x16x10000xi32, #tpu.memory_space<hbm>> -> memref<1x1x10000xi32, #tpu.memory_space<hbm>>
      %dma_wait3A_122 = tpu.memref_squeeze %dma_wait3A_121 : memref<1x1x10000xi32, #tpu.memory_space<hbm>> -> memref<10000xi32, #tpu.memory_space<hbm>>
      tpu.wait_dma2 semaphore(%run_scoped3A_111 : memref<!tpu.dma_semaphore, #tpu.memory_space<semaphore_mem>>) src(%dma_wait3A_122 : memref<10000xi32, #tpu.memory_space<hbm>>) dst(%arg7 : memref<10000xi32, #tpu.memory_space<vmem>>)
      tpu.yield
    }) : () -> ()
    "tpu.region"() ({
      %run_scoped3A_111 = tpu.sem_alloc : memref<!tpu.dma_semaphore, #tpu.memory_space<semaphore_mem>>
      %dma_start3A_112 = arith.constant 0 : i32
      %dma_start3A_113 = arith.constant 0 : i32
      %dma_start3A_114 = tpu.memref_slice %arg4[%arg0, %arg1, %dma_start3A_112, %dma_start3A_113] : memref<2x16x125x80xi32, #tpu.memory_space<hbm>> -> memref<1x1x125x80xi32, #tpu.memory_space<hbm>>
      %dma_start3A_115 = tpu.memref_squeeze %dma_start3A_114 : memref<1x1x125x80xi32, #tpu.memory_space<hbm>> -> memref<125x80xi32, #tpu.memory_space<hbm>>
      %dma_start3A_116 = arith.constant 0 : i32
      %dma_start3A_117 = arith.constant 0 : i32
      %dma_start3A_118 = tpu.memref_slice %arg4[%arg0, %arg1, %dma_start3A_116, %dma_start3A_117] : memref<2x16x125x80xi32, #tpu.memory_space<hbm>> -> memref<1x1x125x80xi32, #tpu.memory_space<hbm>>
      %dma_start3A_119 = tpu.memref_squeeze %dma_start3A_118 : memref<1x1x125x80xi32, #tpu.memory_space<hbm>> -> memref<125x80xi32, #tpu.memory_space<hbm>>
      tpu.enqueue_dma source(%dma_start3A_119 : memref<125x80xi32, #tpu.memory_space<hbm>>) target(%arg8 : memref<125x80xi32, #tpu.memory_space<vmem>>) target_semaphore(%run_scoped3A_111 : memref<!tpu.dma_semaphore, #tpu.memory_space<semaphore_mem>>)
      %dma_wait3A = arith.constant 0 : i32
      %dma_wait3A_120 = arith.constant 0 : i32
      %dma_wait3A_121 = tpu.memref_slice %arg4[%arg0, %arg1, %dma_wait3A, %dma_wait3A_120] : memref<2x16x125x80xi32, #tpu.memory_space<hbm>> -> memref<1x1x125x80xi32, #tpu.memory_space<hbm>>
      %dma_wait3A_122 = tpu.memref_squeeze %dma_wait3A_121 : memref<1x1x125x80xi32, #tpu.memory_space<hbm>> -> memref<125x80xi32, #tpu.memory_space<hbm>>
      %dma_wait3A_123 = arith.constant 0 : i32
      %dma_wait3A_124 = arith.constant 0 : i32
      %dma_wait3A_125 = tpu.memref_slice %arg4[%arg0, %arg1, %dma_wait3A_123, %dma_wait3A_124] : memref<2x16x125x80xi32, #tpu.memory_space<hbm>> -> memref<1x1x125x80xi32, #tpu.memory_space<hbm>>
      %dma_wait3A_126 = tpu.memref_squeeze %dma_wait3A_125 : memref<1x1x125x80xi32, #tpu.memory_space<hbm>> -> memref<125x80xi32, #tpu.memory_space<hbm>>
      tpu.wait_dma2 semaphore(%run_scoped3A_111 : memref<!tpu.dma_semaphore, #tpu.memory_space<semaphore_mem>>) src(%dma_wait3A_126 : memref<125x80xi32, #tpu.memory_space<hbm>>) dst(%arg8 : memref<125x80xi32, #tpu.memory_space<vmem>>)
      tpu.yield
    }) : () -> ()
    %mul3A = arith.constant 640 : i32
    %mul3A_0 = arith.muli %arg1, %mul3A : i32
    "tpu.region"() ({
      %run_scoped3A_111 = tpu.sem_alloc : memref<!tpu.dma_semaphore, #tpu.memory_space<semaphore_mem>>
      %dma_start3A_112 = arith.constant 0 : i32
      %dma_start3A_113 = tpu.memref_slice %arg10[%mul3A_0, %dma_start3A_112] : memref<10240x128xf32, #tpu.memory_space<vmem_shared>> -> memref<640x128xf32, #tpu.memory_space<vmem_shared>>
      tpu.enqueue_dma source(%arg5 : memref<640x128xf32, #tpu.memory_space<hbm>>) target(%dma_start3A_113 : memref<640x128xf32, #tpu.memory_space<vmem_shared>>) target_semaphore(%run_scoped3A_111 : memref<!tpu.dma_semaphore, #tpu.memory_space<semaphore_mem>>)
      %dma_wait3A = arith.constant 0 : i32
      %dma_wait3A_114 = tpu.memref_slice %arg10[%mul3A_0, %dma_wait3A] : memref<10240x128xf32, #tpu.memory_space<vmem_shared>> -> memref<640x128xf32, #tpu.memory_space<vmem_shared>>
      tpu.wait_dma2 semaphore(%run_scoped3A_111 : memref<!tpu.dma_semaphore, #tpu.memory_space<semaphore_mem>>) src(%arg5 : memref<640x128xf32, #tpu.memory_space<hbm>>) dst(%dma_wait3A_114 : memref<640x128xf32, #tpu.memory_space<vmem_shared>>)
      tpu.yield
    }) : () -> ()
    %barrier3A = arith.constant 0 : index
    tpu.barrier barrier_id(%barrier3A)
    %dma_start3A = arith.constant 0 : i32
    %dma_start3A_1 = arith.constant 0 : i32
    %dma_start3A_2 = arith.constant 0 : i32
    %dma_start3A_3 = arith.constant 0 : i32
    %dma_start3A_4 = tpu.memref_slice %arg9[%dma_start3A_1, %dma_start3A_2, %dma_start3A_3] : memref<2x80x128xf32, #tpu.memory_space<vmem>> -> memref<1x80x128xf32, #tpu.memory_space<vmem>>
    %dma_start3A_5 = tpu.memref_squeeze %dma_start3A_4 : memref<1x80x128xf32, #tpu.memory_space<vmem>> -> memref<80x128xf32, #tpu.memory_space<vmem>>
    %dma_start3A_6 = arith.constant 0 : i32
    %dma_start3A_7 = tpu.memref_slice %arg7[%dma_start3A_6] : memref<10000xi32, #tpu.memory_space<vmem>> -> memref<80xi32, #tpu.memory_space<vmem>>
    %dma_start3A_8 = arith.constant 0 : i32
    %dma_start3A_9 = arith.constant 0 : i32
    %dma_start3A_10 = tpu.memref_slice %arg2[%dma_start3A, %dma_start3A_8, %dma_start3A_9] : memref<4x10000x128xf32, #tpu.memory_space<hbm>> -> memref<1x10000x128xf32, #tpu.memory_space<hbm>>
    %dma_start3A_11 = tpu.memref_squeeze %dma_start3A_10 : memref<1x10000x128xf32, #tpu.memory_space<hbm>> -> memref<10000x128xf32, #tpu.memory_space<hbm>>
    %dma_start3A_12 = arith.constant 0 : i32
    %dma_start3A_13 = arith.constant 0 : i32
    %dma_start3A_14 = tpu.memref_slice %dma_start3A_11[%dma_start3A_12, %dma_start3A_13] : memref<10000x128xf32, #tpu.memory_space<hbm>> -> memref<10000x128xf32, #tpu.memory_space<hbm>>
    tpu.enqueue_indirect_dma source(%dma_start3A_14 : memref<10000x128xf32, #tpu.memory_space<hbm>>) target(%dma_start3A_5 : memref<80x128xf32, #tpu.memory_space<vmem>>) offsets(%dma_start3A_7 : memref<80xi32, #tpu.memory_space<vmem>>) semaphore(%arg11 : memref<!tpu.dma_semaphore, #tpu.memory_space<semaphore_mem>>)
    %scan3A = arith.constant 0 : i32
    %scan3A_15 = arith.constant 0 : i32
    %scan3A_16 = arith.constant 0 : i32
    %scan3A_17 = arith.constant 125 : i32
    %scan3A_18 = arith.addi %scan3A_16, %scan3A_17 : i32
    %scan3A_19 = arith.constant 1 : i32
    scf.for %scan3A_111 = %scan3A_16 to %scan3A_18 step %scan3A_19  : i32 {
      %rem3A = arith.constant 2 : i32
      %rem3A_112 = arith.remsi %scan3A_111, %rem3A : i32
      %add3A = arith.constant 1 : i32
      %add3A_113 = arith.addi %scan3A_111, %add3A : i32
      %lt3A = arith.constant 125 : i32
      %lt3A_114 = arith.cmpi slt, %add3A_113, %lt3A : i32
      %convert_element_type3A = arith.extui %lt3A_114 : i1 to i32
      %cond3A = arith.constant 0 : i32
      %cond3A_115 = arith.cmpi ne, %convert_element_type3A, %cond3A : i32
      scf.if %cond3A_115 {
        %add3A_129 = arith.constant 1 : i32
        %add3A_130 = arith.addi %scan3A_111, %add3A_129 : i32
        %mul3A_131 = arith.constant 80 : i32
        %mul3A_132 = arith.muli %add3A_130, %mul3A_131 : i32
        %sub3A = arith.constant 1 : i32
        %sub3A_133 = arith.subi %sub3A, %rem3A_112 : i32
        %dma_start3A_134 = arith.constant 0 : i32
        %dma_start3A_135 = arith.constant 0 : i32
        %dma_start3A_136 = tpu.memref_slice %arg9[%sub3A_133, %dma_start3A_134, %dma_start3A_135] : memref<2x80x128xf32, #tpu.memory_space<vmem>> -> memref<1x80x128xf32, #tpu.memory_space<vmem>>
        %dma_start3A_137 = tpu.memref_squeeze %dma_start3A_136 : memref<1x80x128xf32, #tpu.memory_space<vmem>> -> memref<80x128xf32, #tpu.memory_space<vmem>>
        %dma_start3A_138 = tpu.memref_slice %arg7[%mul3A_132] : memref<10000xi32, #tpu.memory_space<vmem>> -> memref<80xi32, #tpu.memory_space<vmem>>
        %dma_start3A_139 = arith.constant 0 : i32
        %dma_start3A_140 = arith.constant 0 : i32
        %dma_start3A_141 = tpu.memref_slice %arg2[%scan3A_15, %dma_start3A_139, %dma_start3A_140] : memref<4x10000x128xf32, #tpu.memory_space<hbm>> -> memref<1x10000x128xf32, #tpu.memory_space<hbm>>
        %dma_start3A_142 = tpu.memref_squeeze %dma_start3A_141 : memref<1x10000x128xf32, #tpu.memory_space<hbm>> -> memref<10000x128xf32, #tpu.memory_space<hbm>>
        %dma_start3A_143 = arith.constant 0 : i32
        %dma_start3A_144 = arith.constant 0 : i32
        %dma_start3A_145 = tpu.memref_slice %dma_start3A_142[%dma_start3A_143, %dma_start3A_144] : memref<10000x128xf32, #tpu.memory_space<hbm>> -> memref<10000x128xf32, #tpu.memory_space<hbm>>
        tpu.enqueue_indirect_dma source(%dma_start3A_145 : memref<10000x128xf32, #tpu.memory_space<hbm>>) target(%dma_start3A_137 : memref<80x128xf32, #tpu.memory_space<vmem>>) offsets(%dma_start3A_138 : memref<80xi32, #tpu.memory_space<vmem>>) semaphore(%arg11 : memref<!tpu.dma_semaphore, #tpu.memory_space<semaphore_mem>>)
      } else {
      }
      %mul3A_116 = arith.constant 80 : i32
      %mul3A_117 = arith.muli %scan3A_111, %mul3A_116 : i32
      %dma_wait3A = arith.constant 0 : i32
      %dma_wait3A_118 = arith.constant 0 : i32
      %dma_wait3A_119 = tpu.memref_slice %arg9[%rem3A_112, %dma_wait3A, %dma_wait3A_118] : memref<2x80x128xf32, #tpu.memory_space<vmem>> -> memref<1x80x128xf32, #tpu.memory_space<vmem>>
      %dma_wait3A_120 = tpu.memref_squeeze %dma_wait3A_119 : memref<1x80x128xf32, #tpu.memory_space<vmem>> -> memref<80x128xf32, #tpu.memory_space<vmem>>
      %dma_wait3A_121 = tpu.memref_slice %arg7[%mul3A_117] : memref<10000xi32, #tpu.memory_space<vmem>> -> memref<80xi32, #tpu.memory_space<vmem>>
      %dma_wait3A_122 = arith.constant 0 : i32
      %dma_wait3A_123 = arith.constant 0 : i32
      %dma_wait3A_124 = tpu.memref_slice %arg2[%scan3A_15, %dma_wait3A_122, %dma_wait3A_123] : memref<4x10000x128xf32, #tpu.memory_space<hbm>> -> memref<1x10000x128xf32, #tpu.memory_space<hbm>>
      %dma_wait3A_125 = tpu.memref_squeeze %dma_wait3A_124 : memref<1x10000x128xf32, #tpu.memory_space<hbm>> -> memref<10000x128xf32, #tpu.memory_space<hbm>>
      %dma_wait3A_126 = arith.constant 0 : i32
      %dma_wait3A_127 = arith.constant 0 : i32
      %dma_wait3A_128 = tpu.memref_slice %dma_wait3A_125[%dma_wait3A_126, %dma_wait3A_127] : memref<10000x128xf32, #tpu.memory_space<hbm>> -> memref<10000x128xf32, #tpu.memory_space<hbm>>
      tpu.wait_indirect_dma semaphore(%arg11 : memref<!tpu.dma_semaphore, #tpu.memory_space<semaphore_mem>>) src(%dma_wait3A_128 : memref<10000x128xf32, #tpu.memory_space<hbm>>) dst(%dma_wait3A_120 : memref<80x128xf32, #tpu.memory_space<vmem>>)
      "tpu.region"() ({
        %run_scoped3A_129 = tpu.sem_alloc : memref<!tpu.dma_semaphore, #tpu.memory_space<semaphore_mem>>
        %dma_start3A_130 = arith.constant 0 : i32
        %dma_start3A_131 = arith.constant 0 : i32
        %dma_start3A_132 = tpu.memref_slice %arg9[%rem3A_112, %dma_start3A_130, %dma_start3A_131] : memref<2x80x128xf32, #tpu.memory_space<vmem>> -> memref<1x80x128xf32, #tpu.memory_space<vmem>>
        %dma_start3A_133 = tpu.memref_squeeze %dma_start3A_132 : memref<1x80x128xf32, #tpu.memory_space<vmem>> -> memref<80x128xf32, #tpu.memory_space<vmem>>
        %dma_start3A_134 = arith.constant 0 : i32
        %dma_start3A_135 = tpu.memref_slice %arg8[%scan3A_111, %dma_start3A_134] : memref<125x80xi32, #tpu.memory_space<vmem>> -> memref<1x80xi32, #tpu.memory_space<vmem>>
        %dma_start3A_136 = tpu.memref_squeeze %dma_start3A_135 : memref<1x80xi32, #tpu.memory_space<vmem>> -> memref<80xi32, #tpu.memory_space<vmem>>
        %dma_start3A_137 = arith.constant 0 : i32
        %dma_start3A_138 = arith.constant 0 : i32
        %dma_start3A_139 = tpu.memref_slice %arg10[%dma_start3A_137, %dma_start3A_138] : memref<10240x128xf32, #tpu.memory_space<vmem_shared>> -> memref<10240x128xf32, #tpu.memory_space<vmem_shared>>
        tpu.enqueue_indirect_dma source(%dma_start3A_133 : memref<80x128xf32, #tpu.memory_space<vmem>>) target(%dma_start3A_139 : memref<10240x128xf32, #tpu.memory_space<vmem_shared>>) offsets(%dma_start3A_136 : memref<80xi32, #tpu.memory_space<vmem>>) semaphore(%run_scoped3A_129 : memref<!tpu.dma_semaphore, #tpu.memory_space<semaphore_mem>>) {add = true}
        %dma_wait3A_140 = arith.constant 0 : i32
        %dma_wait3A_141 = arith.constant 0 : i32
        %dma_wait3A_142 = tpu.memref_slice %arg9[%rem3A_112, %dma_wait3A_140, %dma_wait3A_141] : memref<2x80x128xf32, #tpu.memory_space<vmem>> -> memref<1x80x128xf32, #tpu.memory_space<vmem>>
        %dma_wait3A_143 = tpu.memref_squeeze %dma_wait3A_142 : memref<1x80x128xf32, #tpu.memory_space<vmem>> -> memref<80x128xf32, #tpu.memory_space<vmem>>
        %dma_wait3A_144 = arith.constant 0 : i32
        %dma_wait3A_145 = tpu.memref_slice %arg8[%scan3A_111, %dma_wait3A_144] : memref<125x80xi32, #tpu.memory_space<vmem>> -> memref<1x80xi32, #tpu.memory_space<vmem>>
        %dma_wait3A_146 = tpu.memref_squeeze %dma_wait3A_145 : memref<1x80xi32, #tpu.memory_space<vmem>> -> memref<80xi32, #tpu.memory_space<vmem>>
        %dma_wait3A_147 = arith.constant 0 : i32
        %dma_wait3A_148 = arith.constant 0 : i32
        %dma_wait3A_149 = tpu.memref_slice %arg10[%dma_wait3A_147, %dma_wait3A_148] : memref<10240x128xf32, #tpu.memory_space<vmem_shared>> -> memref<10240x128xf32, #tpu.memory_space<vmem_shared>>
        tpu.wait_indirect_dma semaphore(%run_scoped3A_129 : memref<!tpu.dma_semaphore, #tpu.memory_space<semaphore_mem>>) src(%dma_wait3A_143 : memref<80x128xf32, #tpu.memory_space<vmem>>) dst(%dma_wait3A_149 : memref<10240x128xf32, #tpu.memory_space<vmem_shared>>)
        tpu.yield
      }) : () -> ()
    }
    %scan3A_20 = arith.constant 125 : i32
    %barrier3A_21 = arith.constant 0 : index
    tpu.barrier barrier_id(%barrier3A_21)
    %mul3A_22 = arith.constant 640 : i32
    %mul3A_23 = arith.muli %arg1, %mul3A_22 : i32
    %run_scoped3A = arith.constant 0 : i32
    "tpu.region"() ({
      %run_scoped3A_111 = tpu.sem_alloc : memref<!tpu.dma_semaphore, #tpu.memory_space<semaphore_mem>>
      %dma_start3A_112 = arith.constant 0 : i32
      %dma_start3A_113 = tpu.memref_slice %arg6[%arg0, %run_scoped3A, %mul3A_23, %dma_start3A_112] : memref<2x4x10240x128xf32, #tpu.memory_space<hbm>> -> memref<1x1x640x128xf32, #tpu.memory_space<hbm>>
      %dma_start3A_114 = tpu.memref_squeeze %dma_start3A_113 : memref<1x1x640x128xf32, #tpu.memory_space<hbm>> -> memref<640x128xf32, #tpu.memory_space<hbm>>
      %dma_start3A_115 = arith.constant 0 : i32
      %dma_start3A_116 = tpu.memref_slice %arg10[%mul3A_23, %dma_start3A_115] : memref<10240x128xf32, #tpu.memory_space<vmem_shared>> -> memref<640x128xf32, #tpu.memory_space<vmem_shared>>
      tpu.enqueue_dma source(%dma_start3A_116 : memref<640x128xf32, #tpu.memory_space<vmem_shared>>) target(%dma_start3A_114 : memref<640x128xf32, #tpu.memory_space<hbm>>) target_semaphore(%run_scoped3A_111 : memref<!tpu.dma_semaphore, #tpu.memory_space<semaphore_mem>>)
      %dma_wait3A = arith.constant 0 : i32
      %dma_wait3A_117 = tpu.memref_slice %arg6[%arg0, %run_scoped3A, %mul3A_23, %dma_wait3A] : memref<2x4x10240x128xf32, #tpu.memory_space<hbm>> -> memref<1x1x640x128xf32, #tpu.memory_space<hbm>>
      %dma_wait3A_118 = tpu.memref_squeeze %dma_wait3A_117 : memref<1x1x640x128xf32, #tpu.memory_space<hbm>> -> memref<640x128xf32, #tpu.memory_space<hbm>>
      %dma_wait3A_119 = arith.constant 0 : i32
      %dma_wait3A_120 = tpu.memref_slice %arg10[%mul3A_23, %dma_wait3A_119] : memref<10240x128xf32, #tpu.memory_space<vmem_shared>> -> memref<640x128xf32, #tpu.memory_space<vmem_shared>>
      tpu.wait_dma2 semaphore(%run_scoped3A_111 : memref<!tpu.dma_semaphore, #tpu.memory_space<semaphore_mem>>) src(%dma_wait3A_120 : memref<640x128xf32, #tpu.memory_space<vmem_shared>>) dst(%dma_wait3A_118 : memref<640x128xf32, #tpu.memory_space<hbm>>)
      tpu.yield
    }) : () -> ()
    %mul3A_24 = arith.constant 640 : i32
    %mul3A_25 = arith.muli %arg1, %mul3A_24 : i32
    "tpu.region"() ({
      %run_scoped3A_111 = tpu.sem_alloc : memref<!tpu.dma_semaphore, #tpu.memory_space<semaphore_mem>>
      %dma_start3A_112 = arith.constant 0 : i32
      %dma_start3A_113 = tpu.memref_slice %arg10[%mul3A_25, %dma_start3A_112] : memref<10240x128xf32, #tpu.memory_space<vmem_shared>> -> memref<640x128xf32, #tpu.memory_space<vmem_shared>>
      tpu.enqueue_dma source(%arg5 : memref<640x128xf32, #tpu.memory_space<hbm>>) target(%dma_start3A_113 : memref<640x128xf32, #tpu.memory_space<vmem_shared>>) target_semaphore(%run_scoped3A_111 : memref<!tpu.dma_semaphore, #tpu.memory_space<semaphore_mem>>)
      %dma_wait3A = arith.constant 0 : i32
      %dma_wait3A_114 = tpu.memref_slice %arg10[%mul3A_25, %dma_wait3A] : memref<10240x128xf32, #tpu.memory_space<vmem_shared>> -> memref<640x128xf32, #tpu.memory_space<vmem_shared>>
      tpu.wait_dma2 semaphore(%run_scoped3A_111 : memref<!tpu.dma_semaphore, #tpu.memory_space<semaphore_mem>>) src(%arg5 : memref<640x128xf32, #tpu.memory_space<hbm>>) dst(%dma_wait3A_114 : memref<640x128xf32, #tpu.memory_space<vmem_shared>>)
      tpu.yield
    }) : () -> ()
    %barrier3A_26 = arith.constant 0 : index
    tpu.barrier barrier_id(%barrier3A_26)
    %dma_start3A_27 = arith.constant 1 : i32
    %dma_start3A_28 = arith.constant 0 : i32
    %dma_start3A_29 = arith.constant 0 : i32
    %dma_start3A_30 = arith.constant 0 : i32
    %dma_start3A_31 = tpu.memref_slice %arg9[%dma_start3A_28, %dma_start3A_29, %dma_start3A_30] : memref<2x80x128xf32, #tpu.memory_space<vmem>> -> memref<1x80x128xf32, #tpu.memory_space<vmem>>
    %dma_start3A_32 = tpu.memref_squeeze %dma_start3A_31 : memref<1x80x128xf32, #tpu.memory_space<vmem>> -> memref<80x128xf32, #tpu.memory_space<vmem>>
    %dma_start3A_33 = arith.constant 0 : i32
    %dma_start3A_34 = tpu.memref_slice %arg7[%dma_start3A_33] : memref<10000xi32, #tpu.memory_space<vmem>> -> memref<80xi32, #tpu.memory_space<vmem>>
    %dma_start3A_35 = arith.constant 0 : i32
    %dma_start3A_36 = arith.constant 0 : i32
    %dma_start3A_37 = tpu.memref_slice %arg2[%dma_start3A_27, %dma_start3A_35, %dma_start3A_36] : memref<4x10000x128xf32, #tpu.memory_space<hbm>> -> memref<1x10000x128xf32, #tpu.memory_space<hbm>>
    %dma_start3A_38 = tpu.memref_squeeze %dma_start3A_37 : memref<1x10000x128xf32, #tpu.memory_space<hbm>> -> memref<10000x128xf32, #tpu.memory_space<hbm>>
    %dma_start3A_39 = arith.constant 0 : i32
    %dma_start3A_40 = arith.constant 0 : i32
    %dma_start3A_41 = tpu.memref_slice %dma_start3A_38[%dma_start3A_39, %dma_start3A_40] : memref<10000x128xf32, #tpu.memory_space<hbm>> -> memref<10000x128xf32, #tpu.memory_space<hbm>>
    tpu.enqueue_indirect_dma source(%dma_start3A_41 : memref<10000x128xf32, #tpu.memory_space<hbm>>) target(%dma_start3A_32 : memref<80x128xf32, #tpu.memory_space<vmem>>) offsets(%dma_start3A_34 : memref<80xi32, #tpu.memory_space<vmem>>) semaphore(%arg11 : memref<!tpu.dma_semaphore, #tpu.memory_space<semaphore_mem>>)
    %scan3A_42 = arith.constant 0 : i32
    %scan3A_43 = arith.constant 1 : i32
    %scan3A_44 = arith.constant 0 : i32
    %scan3A_45 = arith.constant 125 : i32
    %scan3A_46 = arith.addi %scan3A_44, %scan3A_45 : i32
    %scan3A_47 = arith.constant 1 : i32
    scf.for %scan3A_111 = %scan3A_44 to %scan3A_46 step %scan3A_47  : i32 {
      %rem3A = arith.constant 2 : i32
      %rem3A_112 = arith.remsi %scan3A_111, %rem3A : i32
      %add3A = arith.constant 1 : i32
      %add3A_113 = arith.addi %scan3A_111, %add3A : i32
      %lt3A = arith.constant 125 : i32
      %lt3A_114 = arith.cmpi slt, %add3A_113, %lt3A : i32
      %convert_element_type3A = arith.extui %lt3A_114 : i1 to i32
      %cond3A = arith.constant 0 : i32
      %cond3A_115 = arith.cmpi ne, %convert_element_type3A, %cond3A : i32
      scf.if %cond3A_115 {
        %add3A_129 = arith.constant 1 : i32
        %add3A_130 = arith.addi %scan3A_111, %add3A_129 : i32
        %mul3A_131 = arith.constant 80 : i32
        %mul3A_132 = arith.muli %add3A_130, %mul3A_131 : i32
        %sub3A = arith.constant 1 : i32
        %sub3A_133 = arith.subi %sub3A, %rem3A_112 : i32
        %dma_start3A_134 = arith.constant 0 : i32
        %dma_start3A_135 = arith.constant 0 : i32
        %dma_start3A_136 = tpu.memref_slice %arg9[%sub3A_133, %dma_start3A_134, %dma_start3A_135] : memref<2x80x128xf32, #tpu.memory_space<vmem>> -> memref<1x80x128xf32, #tpu.memory_space<vmem>>
        %dma_start3A_137 = tpu.memref_squeeze %dma_start3A_136 : memref<1x80x128xf32, #tpu.memory_space<vmem>> -> memref<80x128xf32, #tpu.memory_space<vmem>>
        %dma_start3A_138 = tpu.memref_slice %arg7[%mul3A_132] : memref<10000xi32, #tpu.memory_space<vmem>> -> memref<80xi32, #tpu.memory_space<vmem>>
        %dma_start3A_139 = arith.constant 0 : i32
        %dma_start3A_140 = arith.constant 0 : i32
        %dma_start3A_141 = tpu.memref_slice %arg2[%scan3A_43, %dma_start3A_139, %dma_start3A_140] : memref<4x10000x128xf32, #tpu.memory_space<hbm>> -> memref<1x10000x128xf32, #tpu.memory_space<hbm>>
        %dma_start3A_142 = tpu.memref_squeeze %dma_start3A_141 : memref<1x10000x128xf32, #tpu.memory_space<hbm>> -> memref<10000x128xf32, #tpu.memory_space<hbm>>
        %dma_start3A_143 = arith.constant 0 : i32
        %dma_start3A_144 = arith.constant 0 : i32
        %dma_start3A_145 = tpu.memref_slice %dma_start3A_142[%dma_start3A_143, %dma_start3A_144] : memref<10000x128xf32, #tpu.memory_space<hbm>> -> memref<10000x128xf32, #tpu.memory_space<hbm>>
        tpu.enqueue_indirect_dma source(%dma_start3A_145 : memref<10000x128xf32, #tpu.memory_space<hbm>>) target(%dma_start3A_137 : memref<80x128xf32, #tpu.memory_space<vmem>>) offsets(%dma_start3A_138 : memref<80xi32, #tpu.memory_space<vmem>>) semaphore(%arg11 : memref<!tpu.dma_semaphore, #tpu.memory_space<semaphore_mem>>)
      } else {
      }
      %mul3A_116 = arith.constant 80 : i32
      %mul3A_117 = arith.muli %scan3A_111, %mul3A_116 : i32
      %dma_wait3A = arith.constant 0 : i32
      %dma_wait3A_118 = arith.constant 0 : i32
      %dma_wait3A_119 = tpu.memref_slice %arg9[%rem3A_112, %dma_wait3A, %dma_wait3A_118] : memref<2x80x128xf32, #tpu.memory_space<vmem>> -> memref<1x80x128xf32, #tpu.memory_space<vmem>>
      %dma_wait3A_120 = tpu.memref_squeeze %dma_wait3A_119 : memref<1x80x128xf32, #tpu.memory_space<vmem>> -> memref<80x128xf32, #tpu.memory_space<vmem>>
      %dma_wait3A_121 = tpu.memref_slice %arg7[%mul3A_117] : memref<10000xi32, #tpu.memory_space<vmem>> -> memref<80xi32, #tpu.memory_space<vmem>>
      %dma_wait3A_122 = arith.constant 0 : i32
      %dma_wait3A_123 = arith.constant 0 : i32
      %dma_wait3A_124 = tpu.memref_slice %arg2[%scan3A_43, %dma_wait3A_122, %dma_wait3A_123] : memref<4x10000x128xf32, #tpu.memory_space<hbm>> -> memref<1x10000x128xf32, #tpu.memory_space<hbm>>
      %dma_wait3A_125 = tpu.memref_squeeze %dma_wait3A_124 : memref<1x10000x128xf32, #tpu.memory_space<hbm>> -> memref<10000x128xf32, #tpu.memory_space<hbm>>
      %dma_wait3A_126 = arith.constant 0 : i32
      %dma_wait3A_127 = arith.constant 0 : i32
      %dma_wait3A_128 = tpu.memref_slice %dma_wait3A_125[%dma_wait3A_126, %dma_wait3A_127] : memref<10000x128xf32, #tpu.memory_space<hbm>> -> memref<10000x128xf32, #tpu.memory_space<hbm>>
      tpu.wait_indirect_dma semaphore(%arg11 : memref<!tpu.dma_semaphore, #tpu.memory_space<semaphore_mem>>) src(%dma_wait3A_128 : memref<10000x128xf32, #tpu.memory_space<hbm>>) dst(%dma_wait3A_120 : memref<80x128xf32, #tpu.memory_space<vmem>>)
      "tpu.region"() ({
        %run_scoped3A_129 = tpu.sem_alloc : memref<!tpu.dma_semaphore, #tpu.memory_space<semaphore_mem>>
        %dma_start3A_130 = arith.constant 0 : i32
        %dma_start3A_131 = arith.constant 0 : i32
        %dma_start3A_132 = tpu.memref_slice %arg9[%rem3A_112, %dma_start3A_130, %dma_start3A_131] : memref<2x80x128xf32, #tpu.memory_space<vmem>> -> memref<1x80x128xf32, #tpu.memory_space<vmem>>
        %dma_start3A_133 = tpu.memref_squeeze %dma_start3A_132 : memref<1x80x128xf32, #tpu.memory_space<vmem>> -> memref<80x128xf32, #tpu.memory_space<vmem>>
        %dma_start3A_134 = arith.constant 0 : i32
        %dma_start3A_135 = tpu.memref_slice %arg8[%scan3A_111, %dma_start3A_134] : memref<125x80xi32, #tpu.memory_space<vmem>> -> memref<1x80xi32, #tpu.memory_space<vmem>>
        %dma_start3A_136 = tpu.memref_squeeze %dma_start3A_135 : memref<1x80xi32, #tpu.memory_space<vmem>> -> memref<80xi32, #tpu.memory_space<vmem>>
        %dma_start3A_137 = arith.constant 0 : i32
        %dma_start3A_138 = arith.constant 0 : i32
        %dma_start3A_139 = tpu.memref_slice %arg10[%dma_start3A_137, %dma_start3A_138] : memref<10240x128xf32, #tpu.memory_space<vmem_shared>> -> memref<10240x128xf32, #tpu.memory_space<vmem_shared>>
        tpu.enqueue_indirect_dma source(%dma_start3A_133 : memref<80x128xf32, #tpu.memory_space<vmem>>) target(%dma_start3A_139 : memref<10240x128xf32, #tpu.memory_space<vmem_shared>>) offsets(%dma_start3A_136 : memref<80xi32, #tpu.memory_space<vmem>>) semaphore(%run_scoped3A_129 : memref<!tpu.dma_semaphore, #tpu.memory_space<semaphore_mem>>) {add = true}
        %dma_wait3A_140 = arith.constant 0 : i32
        %dma_wait3A_141 = arith.constant 0 : i32
        %dma_wait3A_142 = tpu.memref_slice %arg9[%rem3A_112, %dma_wait3A_140, %dma_wait3A_141] : memref<2x80x128xf32, #tpu.memory_space<vmem>> -> memref<1x80x128xf32, #tpu.memory_space<vmem>>
        %dma_wait3A_143 = tpu.memref_squeeze %dma_wait3A_142 : memref<1x80x128xf32, #tpu.memory_space<vmem>> -> memref<80x128xf32, #tpu.memory_space<vmem>>
        %dma_wait3A_144 = arith.constant 0 : i32
        %dma_wait3A_145 = tpu.memref_slice %arg8[%scan3A_111, %dma_wait3A_144] : memref<125x80xi32, #tpu.memory_space<vmem>> -> memref<1x80xi32, #tpu.memory_space<vmem>>
        %dma_wait3A_146 = tpu.memref_squeeze %dma_wait3A_145 : memref<1x80xi32, #tpu.memory_space<vmem>> -> memref<80xi32, #tpu.memory_space<vmem>>
        %dma_wait3A_147 = arith.constant 0 : i32
        %dma_wait3A_148 = arith.constant 0 : i32
        %dma_wait3A_149 = tpu.memref_slice %arg10[%dma_wait3A_147, %dma_wait3A_148] : memref<10240x128xf32, #tpu.memory_space<vmem_shared>> -> memref<10240x128xf32, #tpu.memory_space<vmem_shared>>
        tpu.wait_indirect_dma semaphore(%run_scoped3A_129 : memref<!tpu.dma_semaphore, #tpu.memory_space<semaphore_mem>>) src(%dma_wait3A_143 : memref<80x128xf32, #tpu.memory_space<vmem>>) dst(%dma_wait3A_149 : memref<10240x128xf32, #tpu.memory_space<vmem_shared>>)
        tpu.yield
      }) : () -> ()
    }
    %scan3A_48 = arith.constant 125 : i32
    %barrier3A_49 = arith.constant 0 : index
    tpu.barrier barrier_id(%barrier3A_49)
    %mul3A_50 = arith.constant 640 : i32
    %mul3A_51 = arith.muli %arg1, %mul3A_50 : i32
    %run_scoped3A_52 = arith.constant 1 : i32
    "tpu.region"() ({
      %run_scoped3A_111 = tpu.sem_alloc : memref<!tpu.dma_semaphore, #tpu.memory_space<semaphore_mem>>
      %dma_start3A_112 = arith.constant 0 : i32
      %dma_start3A_113 = tpu.memref_slice %arg6[%arg0, %run_scoped3A_52, %mul3A_51, %dma_start3A_112] : memref<2x4x10240x128xf32, #tpu.memory_space<hbm>> -> memref<1x1x640x128xf32, #tpu.memory_space<hbm>>
      %dma_start3A_114 = tpu.memref_squeeze %dma_start3A_113 : memref<1x1x640x128xf32, #tpu.memory_space<hbm>> -> memref<640x128xf32, #tpu.memory_space<hbm>>
      %dma_start3A_115 = arith.constant 0 : i32
      %dma_start3A_116 = tpu.memref_slice %arg10[%mul3A_51, %dma_start3A_115] : memref<10240x128xf32, #tpu.memory_space<vmem_shared>> -> memref<640x128xf32, #tpu.memory_space<vmem_shared>>
      tpu.enqueue_dma source(%dma_start3A_116 : memref<640x128xf32, #tpu.memory_space<vmem_shared>>) target(%dma_start3A_114 : memref<640x128xf32, #tpu.memory_space<hbm>>) target_semaphore(%run_scoped3A_111 : memref<!tpu.dma_semaphore, #tpu.memory_space<semaphore_mem>>)
      %dma_wait3A = arith.constant 0 : i32
      %dma_wait3A_117 = tpu.memref_slice %arg6[%arg0, %run_scoped3A_52, %mul3A_51, %dma_wait3A] : memref<2x4x10240x128xf32, #tpu.memory_space<hbm>> -> memref<1x1x640x128xf32, #tpu.memory_space<hbm>>
      %dma_wait3A_118 = tpu.memref_squeeze %dma_wait3A_117 : memref<1x1x640x128xf32, #tpu.memory_space<hbm>> -> memref<640x128xf32, #tpu.memory_space<hbm>>
      %dma_wait3A_119 = arith.constant 0 : i32
      %dma_wait3A_120 = tpu.memref_slice %arg10[%mul3A_51, %dma_wait3A_119] : memref<10240x128xf32, #tpu.memory_space<vmem_shared>> -> memref<640x128xf32, #tpu.memory_space<vmem_shared>>
      tpu.wait_dma2 semaphore(%run_scoped3A_111 : memref<!tpu.dma_semaphore, #tpu.memory_space<semaphore_mem>>) src(%dma_wait3A_120 : memref<640x128xf32, #tpu.memory_space<vmem_shared>>) dst(%dma_wait3A_118 : memref<640x128xf32, #tpu.memory_space<hbm>>)
      tpu.yield
    }) : () -> ()
    %mul3A_53 = arith.constant 640 : i32
    %mul3A_54 = arith.muli %arg1, %mul3A_53 : i32
    "tpu.region"() ({
      %run_scoped3A_111 = tpu.sem_alloc : memref<!tpu.dma_semaphore, #tpu.memory_space<semaphore_mem>>
      %dma_start3A_112 = arith.constant 0 : i32
      %dma_start3A_113 = tpu.memref_slice %arg10[%mul3A_54, %dma_start3A_112] : memref<10240x128xf32, #tpu.memory_space<vmem_shared>> -> memref<640x128xf32, #tpu.memory_space<vmem_shared>>
      tpu.enqueue_dma source(%arg5 : memref<640x128xf32, #tpu.memory_space<hbm>>) target(%dma_start3A_113 : memref<640x128xf32, #tpu.memory_space<vmem_shared>>) target_semaphore(%run_scoped3A_111 : memref<!tpu.dma_semaphore, #tpu.memory_space<semaphore_mem>>)
      %dma_wait3A = arith.constant 0 : i32
      %dma_wait3A_114 = tpu.memref_slice %arg10[%mul3A_54, %dma_wait3A] : memref<10240x128xf32, #tpu.memory_space<vmem_shared>> -> memref<640x128xf32, #tpu.memory_space<vmem_shared>>
      tpu.wait_dma2 semaphore(%run_scoped3A_111 : memref<!tpu.dma_semaphore, #tpu.memory_space<semaphore_mem>>) src(%arg5 : memref<640x128xf32, #tpu.memory_space<hbm>>) dst(%dma_wait3A_114 : memref<640x128xf32, #tpu.memory_space<vmem_shared>>)
      tpu.yield
    }) : () -> ()
    %barrier3A_55 = arith.constant 0 : index
    tpu.barrier barrier_id(%barrier3A_55)
    %dma_start3A_56 = arith.constant 2 : i32
    %dma_start3A_57 = arith.constant 0 : i32
    %dma_start3A_58 = arith.constant 0 : i32
    %dma_start3A_59 = arith.constant 0 : i32
    %dma_start3A_60 = tpu.memref_slice %arg9[%dma_start3A_57, %dma_start3A_58, %dma_start3A_59] : memref<2x80x128xf32, #tpu.memory_space<vmem>> -> memref<1x80x128xf32, #tpu.memory_space<vmem>>
    %dma_start3A_61 = tpu.memref_squeeze %dma_start3A_60 : memref<1x80x128xf32, #tpu.memory_space<vmem>> -> memref<80x128xf32, #tpu.memory_space<vmem>>
    %dma_start3A_62 = arith.constant 0 : i32
    %dma_start3A_63 = tpu.memref_slice %arg7[%dma_start3A_62] : memref<10000xi32, #tpu.memory_space<vmem>> -> memref<80xi32, #tpu.memory_space<vmem>>
    %dma_start3A_64 = arith.constant 0 : i32
    %dma_start3A_65 = arith.constant 0 : i32
    %dma_start3A_66 = tpu.memref_slice %arg2[%dma_start3A_56, %dma_start3A_64, %dma_start3A_65] : memref<4x10000x128xf32, #tpu.memory_space<hbm>> -> memref<1x10000x128xf32, #tpu.memory_space<hbm>>
    %dma_start3A_67 = tpu.memref_squeeze %dma_start3A_66 : memref<1x10000x128xf32, #tpu.memory_space<hbm>> -> memref<10000x128xf32, #tpu.memory_space<hbm>>
    %dma_start3A_68 = arith.constant 0 : i32
    %dma_start3A_69 = arith.constant 0 : i32
    %dma_start3A_70 = tpu.memref_slice %dma_start3A_67[%dma_start3A_68, %dma_start3A_69] : memref<10000x128xf32, #tpu.memory_space<hbm>> -> memref<10000x128xf32, #tpu.memory_space<hbm>>
    tpu.enqueue_indirect_dma source(%dma_start3A_70 : memref<10000x128xf32, #tpu.memory_space<hbm>>) target(%dma_start3A_61 : memref<80x128xf32, #tpu.memory_space<vmem>>) offsets(%dma_start3A_63 : memref<80xi32, #tpu.memory_space<vmem>>) semaphore(%arg11 : memref<!tpu.dma_semaphore, #tpu.memory_space<semaphore_mem>>)
    %scan3A_71 = arith.constant 0 : i32
    %scan3A_72 = arith.constant 2 : i32
    %scan3A_73 = arith.constant 0 : i32
    %scan3A_74 = arith.constant 125 : i32
    %scan3A_75 = arith.addi %scan3A_73, %scan3A_74 : i32
    %scan3A_76 = arith.constant 1 : i32
    scf.for %scan3A_111 = %scan3A_73 to %scan3A_75 step %scan3A_76  : i32 {
      %rem3A = arith.constant 2 : i32
      %rem3A_112 = arith.remsi %scan3A_111, %rem3A : i32
      %add3A = arith.constant 1 : i32
      %add3A_113 = arith.addi %scan3A_111, %add3A : i32
      %lt3A = arith.constant 125 : i32
      %lt3A_114 = arith.cmpi slt, %add3A_113, %lt3A : i32
      %convert_element_type3A = arith.extui %lt3A_114 : i1 to i32
      %cond3A = arith.constant 0 : i32
      %cond3A_115 = arith.cmpi ne, %convert_element_type3A, %cond3A : i32
      scf.if %cond3A_115 {
        %add3A_129 = arith.constant 1 : i32
        %add3A_130 = arith.addi %scan3A_111, %add3A_129 : i32
        %mul3A_131 = arith.constant 80 : i32
        %mul3A_132 = arith.muli %add3A_130, %mul3A_131 : i32
        %sub3A = arith.constant 1 : i32
        %sub3A_133 = arith.subi %sub3A, %rem3A_112 : i32
        %dma_start3A_134 = arith.constant 0 : i32
        %dma_start3A_135 = arith.constant 0 : i32
        %dma_start3A_136 = tpu.memref_slice %arg9[%sub3A_133, %dma_start3A_134, %dma_start3A_135] : memref<2x80x128xf32, #tpu.memory_space<vmem>> -> memref<1x80x128xf32, #tpu.memory_space<vmem>>
        %dma_start3A_137 = tpu.memref_squeeze %dma_start3A_136 : memref<1x80x128xf32, #tpu.memory_space<vmem>> -> memref<80x128xf32, #tpu.memory_space<vmem>>
        %dma_start3A_138 = tpu.memref_slice %arg7[%mul3A_132] : memref<10000xi32, #tpu.memory_space<vmem>> -> memref<80xi32, #tpu.memory_space<vmem>>
        %dma_start3A_139 = arith.constant 0 : i32
        %dma_start3A_140 = arith.constant 0 : i32
        %dma_start3A_141 = tpu.memref_slice %arg2[%scan3A_72, %dma_start3A_139, %dma_start3A_140] : memref<4x10000x128xf32, #tpu.memory_space<hbm>> -> memref<1x10000x128xf32, #tpu.memory_space<hbm>>
        %dma_start3A_142 = tpu.memref_squeeze %dma_start3A_141 : memref<1x10000x128xf32, #tpu.memory_space<hbm>> -> memref<10000x128xf32, #tpu.memory_space<hbm>>
        %dma_start3A_143 = arith.constant 0 : i32
        %dma_start3A_144 = arith.constant 0 : i32
        %dma_start3A_145 = tpu.memref_slice %dma_start3A_142[%dma_start3A_143, %dma_start3A_144] : memref<10000x128xf32, #tpu.memory_space<hbm>> -> memref<10000x128xf32, #tpu.memory_space<hbm>>
        tpu.enqueue_indirect_dma source(%dma_start3A_145 : memref<10000x128xf32, #tpu.memory_space<hbm>>) target(%dma_start3A_137 : memref<80x128xf32, #tpu.memory_space<vmem>>) offsets(%dma_start3A_138 : memref<80xi32, #tpu.memory_space<vmem>>) semaphore(%arg11 : memref<!tpu.dma_semaphore, #tpu.memory_space<semaphore_mem>>)
      } else {
      }
      %mul3A_116 = arith.constant 80 : i32
      %mul3A_117 = arith.muli %scan3A_111, %mul3A_116 : i32
      %dma_wait3A = arith.constant 0 : i32
      %dma_wait3A_118 = arith.constant 0 : i32
      %dma_wait3A_119 = tpu.memref_slice %arg9[%rem3A_112, %dma_wait3A, %dma_wait3A_118] : memref<2x80x128xf32, #tpu.memory_space<vmem>> -> memref<1x80x128xf32, #tpu.memory_space<vmem>>
      %dma_wait3A_120 = tpu.memref_squeeze %dma_wait3A_119 : memref<1x80x128xf32, #tpu.memory_space<vmem>> -> memref<80x128xf32, #tpu.memory_space<vmem>>
      %dma_wait3A_121 = tpu.memref_slice %arg7[%mul3A_117] : memref<10000xi32, #tpu.memory_space<vmem>> -> memref<80xi32, #tpu.memory_space<vmem>>
      %dma_wait3A_122 = arith.constant 0 : i32
      %dma_wait3A_123 = arith.constant 0 : i32
      %dma_wait3A_124 = tpu.memref_slice %arg2[%scan3A_72, %dma_wait3A_122, %dma_wait3A_123] : memref<4x10000x128xf32, #tpu.memory_space<hbm>> -> memref<1x10000x128xf32, #tpu.memory_space<hbm>>
      %dma_wait3A_125 = tpu.memref_squeeze %dma_wait3A_124 : memref<1x10000x128xf32, #tpu.memory_space<hbm>> -> memref<10000x128xf32, #tpu.memory_space<hbm>>
      %dma_wait3A_126 = arith.constant 0 : i32
      %dma_wait3A_127 = arith.constant 0 : i32
      %dma_wait3A_128 = tpu.memref_slice %dma_wait3A_125[%dma_wait3A_126, %dma_wait3A_127] : memref<10000x128xf32, #tpu.memory_space<hbm>> -> memref<10000x128xf32, #tpu.memory_space<hbm>>
      tpu.wait_indirect_dma semaphore(%arg11 : memref<!tpu.dma_semaphore, #tpu.memory_space<semaphore_mem>>) src(%dma_wait3A_128 : memref<10000x128xf32, #tpu.memory_space<hbm>>) dst(%dma_wait3A_120 : memref<80x128xf32, #tpu.memory_space<vmem>>)
      "tpu.region"() ({
        %run_scoped3A_129 = tpu.sem_alloc : memref<!tpu.dma_semaphore, #tpu.memory_space<semaphore_mem>>
        %dma_start3A_130 = arith.constant 0 : i32
        %dma_start3A_131 = arith.constant 0 : i32
        %dma_start3A_132 = tpu.memref_slice %arg9[%rem3A_112, %dma_start3A_130, %dma_start3A_131] : memref<2x80x128xf32, #tpu.memory_space<vmem>> -> memref<1x80x128xf32, #tpu.memory_space<vmem>>
        %dma_start3A_133 = tpu.memref_squeeze %dma_start3A_132 : memref<1x80x128xf32, #tpu.memory_space<vmem>> -> memref<80x128xf32, #tpu.memory_space<vmem>>
        %dma_start3A_134 = arith.constant 0 : i32
        %dma_start3A_135 = tpu.memref_slice %arg8[%scan3A_111, %dma_start3A_134] : memref<125x80xi32, #tpu.memory_space<vmem>> -> memref<1x80xi32, #tpu.memory_space<vmem>>
        %dma_start3A_136 = tpu.memref_squeeze %dma_start3A_135 : memref<1x80xi32, #tpu.memory_space<vmem>> -> memref<80xi32, #tpu.memory_space<vmem>>
        %dma_start3A_137 = arith.constant 0 : i32
        %dma_start3A_138 = arith.constant 0 : i32
        %dma_start3A_139 = tpu.memref_slice %arg10[%dma_start3A_137, %dma_start3A_138] : memref<10240x128xf32, #tpu.memory_space<vmem_shared>> -> memref<10240x128xf32, #tpu.memory_space<vmem_shared>>
        tpu.enqueue_indirect_dma source(%dma_start3A_133 : memref<80x128xf32, #tpu.memory_space<vmem>>) target(%dma_start3A_139 : memref<10240x128xf32, #tpu.memory_space<vmem_shared>>) offsets(%dma_start3A_136 : memref<80xi32, #tpu.memory_space<vmem>>) semaphore(%run_scoped3A_129 : memref<!tpu.dma_semaphore, #tpu.memory_space<semaphore_mem>>) {add = true}
        %dma_wait3A_140 = arith.constant 0 : i32
        %dma_wait3A_141 = arith.constant 0 : i32
        %dma_wait3A_142 = tpu.memref_slice %arg9[%rem3A_112, %dma_wait3A_140, %dma_wait3A_141] : memref<2x80x128xf32, #tpu.memory_space<vmem>> -> memref<1x80x128xf32, #tpu.memory_space<vmem>>
        %dma_wait3A_143 = tpu.memref_squeeze %dma_wait3A_142 : memref<1x80x128xf32, #tpu.memory_space<vmem>> -> memref<80x128xf32, #tpu.memory_space<vmem>>
        %dma_wait3A_144 = arith.constant 0 : i32
        %dma_wait3A_145 = tpu.memref_slice %arg8[%scan3A_111, %dma_wait3A_144] : memref<125x80xi32, #tpu.memory_space<vmem>> -> memref<1x80xi32, #tpu.memory_space<vmem>>
        %dma_wait3A_146 = tpu.memref_squeeze %dma_wait3A_145 : memref<1x80xi32, #tpu.memory_space<vmem>> -> memref<80xi32, #tpu.memory_space<vmem>>
        %dma_wait3A_147 = arith.constant 0 : i32
        %dma_wait3A_148 = arith.constant 0 : i32
        %dma_wait3A_149 = tpu.memref_slice %arg10[%dma_wait3A_147, %dma_wait3A_148] : memref<10240x128xf32, #tpu.memory_space<vmem_shared>> -> memref<10240x128xf32, #tpu.memory_space<vmem_shared>>
        tpu.wait_indirect_dma semaphore(%run_scoped3A_129 : memref<!tpu.dma_semaphore, #tpu.memory_space<semaphore_mem>>) src(%dma_wait3A_143 : memref<80x128xf32, #tpu.memory_space<vmem>>) dst(%dma_wait3A_149 : memref<10240x128xf32, #tpu.memory_space<vmem_shared>>)
        tpu.yield
      }) : () -> ()
    }
    %scan3A_77 = arith.constant 125 : i32
    %barrier3A_78 = arith.constant 0 : index
    tpu.barrier barrier_id(%barrier3A_78)
    %mul3A_79 = arith.constant 640 : i32
    %mul3A_80 = arith.muli %arg1, %mul3A_79 : i32
    %run_scoped3A_81 = arith.constant 2 : i32
    "tpu.region"() ({
      %run_scoped3A_111 = tpu.sem_alloc : memref<!tpu.dma_semaphore, #tpu.memory_space<semaphore_mem>>
      %dma_start3A_112 = arith.constant 0 : i32
      %dma_start3A_113 = tpu.memref_slice %arg6[%arg0, %run_scoped3A_81, %mul3A_80, %dma_start3A_112] : memref<2x4x10240x128xf32, #tpu.memory_space<hbm>> -> memref<1x1x640x128xf32, #tpu.memory_space<hbm>>
      %dma_start3A_114 = tpu.memref_squeeze %dma_start3A_113 : memref<1x1x640x128xf32, #tpu.memory_space<hbm>> -> memref<640x128xf32, #tpu.memory_space<hbm>>
      %dma_start3A_115 = arith.constant 0 : i32
      %dma_start3A_116 = tpu.memref_slice %arg10[%mul3A_80, %dma_start3A_115] : memref<10240x128xf32, #tpu.memory_space<vmem_shared>> -> memref<640x128xf32, #tpu.memory_space<vmem_shared>>
      tpu.enqueue_dma source(%dma_start3A_116 : memref<640x128xf32, #tpu.memory_space<vmem_shared>>) target(%dma_start3A_114 : memref<640x128xf32, #tpu.memory_space<hbm>>) target_semaphore(%run_scoped3A_111 : memref<!tpu.dma_semaphore, #tpu.memory_space<semaphore_mem>>)
      %dma_wait3A = arith.constant 0 : i32
      %dma_wait3A_117 = tpu.memref_slice %arg6[%arg0, %run_scoped3A_81, %mul3A_80, %dma_wait3A] : memref<2x4x10240x128xf32, #tpu.memory_space<hbm>> -> memref<1x1x640x128xf32, #tpu.memory_space<hbm>>
      %dma_wait3A_118 = tpu.memref_squeeze %dma_wait3A_117 : memref<1x1x640x128xf32, #tpu.memory_space<hbm>> -> memref<640x128xf32, #tpu.memory_space<hbm>>
      %dma_wait3A_119 = arith.constant 0 : i32
      %dma_wait3A_120 = tpu.memref_slice %arg10[%mul3A_80, %dma_wait3A_119] : memref<10240x128xf32, #tpu.memory_space<vmem_shared>> -> memref<640x128xf32, #tpu.memory_space<vmem_shared>>
      tpu.wait_dma2 semaphore(%run_scoped3A_111 : memref<!tpu.dma_semaphore, #tpu.memory_space<semaphore_mem>>) src(%dma_wait3A_120 : memref<640x128xf32, #tpu.memory_space<vmem_shared>>) dst(%dma_wait3A_118 : memref<640x128xf32, #tpu.memory_space<hbm>>)
      tpu.yield
    }) : () -> ()
    %mul3A_82 = arith.constant 640 : i32
    %mul3A_83 = arith.muli %arg1, %mul3A_82 : i32
    "tpu.region"() ({
      %run_scoped3A_111 = tpu.sem_alloc : memref<!tpu.dma_semaphore, #tpu.memory_space<semaphore_mem>>
      %dma_start3A_112 = arith.constant 0 : i32
      %dma_start3A_113 = tpu.memref_slice %arg10[%mul3A_83, %dma_start3A_112] : memref<10240x128xf32, #tpu.memory_space<vmem_shared>> -> memref<640x128xf32, #tpu.memory_space<vmem_shared>>
      tpu.enqueue_dma source(%arg5 : memref<640x128xf32, #tpu.memory_space<hbm>>) target(%dma_start3A_113 : memref<640x128xf32, #tpu.memory_space<vmem_shared>>) target_semaphore(%run_scoped3A_111 : memref<!tpu.dma_semaphore, #tpu.memory_space<semaphore_mem>>)
      %dma_wait3A = arith.constant 0 : i32
      %dma_wait3A_114 = tpu.memref_slice %arg10[%mul3A_83, %dma_wait3A] : memref<10240x128xf32, #tpu.memory_space<vmem_shared>> -> memref<640x128xf32, #tpu.memory_space<vmem_shared>>
      tpu.wait_dma2 semaphore(%run_scoped3A_111 : memref<!tpu.dma_semaphore, #tpu.memory_space<semaphore_mem>>) src(%arg5 : memref<640x128xf32, #tpu.memory_space<hbm>>) dst(%dma_wait3A_114 : memref<640x128xf32, #tpu.memory_space<vmem_shared>>)
      tpu.yield
    }) : () -> ()
    %barrier3A_84 = arith.constant 0 : index
    tpu.barrier barrier_id(%barrier3A_84)
    %dma_start3A_85 = arith.constant 3 : i32
    %dma_start3A_86 = arith.constant 0 : i32
    %dma_start3A_87 = arith.constant 0 : i32
    %dma_start3A_88 = arith.constant 0 : i32
    %dma_start3A_89 = tpu.memref_slice %arg9[%dma_start3A_86, %dma_start3A_87, %dma_start3A_88] : memref<2x80x128xf32, #tpu.memory_space<vmem>> -> memref<1x80x128xf32, #tpu.memory_space<vmem>>
    %dma_start3A_90 = tpu.memref_squeeze %dma_start3A_89 : memref<1x80x128xf32, #tpu.memory_space<vmem>> -> memref<80x128xf32, #tpu.memory_space<vmem>>
    %dma_start3A_91 = arith.constant 0 : i32
    %dma_start3A_92 = tpu.memref_slice %arg7[%dma_start3A_91] : memref<10000xi32, #tpu.memory_space<vmem>> -> memref<80xi32, #tpu.memory_space<vmem>>
    %dma_start3A_93 = arith.constant 0 : i32
    %dma_start3A_94 = arith.constant 0 : i32
    %dma_start3A_95 = tpu.memref_slice %arg2[%dma_start3A_85, %dma_start3A_93, %dma_start3A_94] : memref<4x10000x128xf32, #tpu.memory_space<hbm>> -> memref<1x10000x128xf32, #tpu.memory_space<hbm>>
    %dma_start3A_96 = tpu.memref_squeeze %dma_start3A_95 : memref<1x10000x128xf32, #tpu.memory_space<hbm>> -> memref<10000x128xf32, #tpu.memory_space<hbm>>
    %dma_start3A_97 = arith.constant 0 : i32
    %dma_start3A_98 = arith.constant 0 : i32
    %dma_start3A_99 = tpu.memref_slice %dma_start3A_96[%dma_start3A_97, %dma_start3A_98] : memref<10000x128xf32, #tpu.memory_space<hbm>> -> memref<10000x128xf32, #tpu.memory_space<hbm>>
    tpu.enqueue_indirect_dma source(%dma_start3A_99 : memref<10000x128xf32, #tpu.memory_space<hbm>>) target(%dma_start3A_90 : memref<80x128xf32, #tpu.memory_space<vmem>>) offsets(%dma_start3A_92 : memref<80xi32, #tpu.memory_space<vmem>>) semaphore(%arg11 : memref<!tpu.dma_semaphore, #tpu.memory_space<semaphore_mem>>)
    %scan3A_100 = arith.constant 0 : i32
    %scan3A_101 = arith.constant 3 : i32
    %scan3A_102 = arith.constant 0 : i32
    %scan3A_103 = arith.constant 125 : i32
    %scan3A_104 = arith.addi %scan3A_102, %scan3A_103 : i32
    %scan3A_105 = arith.constant 1 : i32
    scf.for %scan3A_111 = %scan3A_102 to %scan3A_104 step %scan3A_105  : i32 {
      %rem3A = arith.constant 2 : i32
      %rem3A_112 = arith.remsi %scan3A_111, %rem3A : i32
      %add3A = arith.constant 1 : i32
      %add3A_113 = arith.addi %scan3A_111, %add3A : i32
      %lt3A = arith.constant 125 : i32
      %lt3A_114 = arith.cmpi slt, %add3A_113, %lt3A : i32
      %convert_element_type3A = arith.extui %lt3A_114 : i1 to i32
      %cond3A = arith.constant 0 : i32
      %cond3A_115 = arith.cmpi ne, %convert_element_type3A, %cond3A : i32
      scf.if %cond3A_115 {
        %add3A_129 = arith.constant 1 : i32
        %add3A_130 = arith.addi %scan3A_111, %add3A_129 : i32
        %mul3A_131 = arith.constant 80 : i32
        %mul3A_132 = arith.muli %add3A_130, %mul3A_131 : i32
        %sub3A = arith.constant 1 : i32
        %sub3A_133 = arith.subi %sub3A, %rem3A_112 : i32
        %dma_start3A_134 = arith.constant 0 : i32
        %dma_start3A_135 = arith.constant 0 : i32
        %dma_start3A_136 = tpu.memref_slice %arg9[%sub3A_133, %dma_start3A_134, %dma_start3A_135] : memref<2x80x128xf32, #tpu.memory_space<vmem>> -> memref<1x80x128xf32, #tpu.memory_space<vmem>>
        %dma_start3A_137 = tpu.memref_squeeze %dma_start3A_136 : memref<1x80x128xf32, #tpu.memory_space<vmem>> -> memref<80x128xf32, #tpu.memory_space<vmem>>
        %dma_start3A_138 = tpu.memref_slice %arg7[%mul3A_132] : memref<10000xi32, #tpu.memory_space<vmem>> -> memref<80xi32, #tpu.memory_space<vmem>>
        %dma_start3A_139 = arith.constant 0 : i32
        %dma_start3A_140 = arith.constant 0 : i32
        %dma_start3A_141 = tpu.memref_slice %arg2[%scan3A_101, %dma_start3A_139, %dma_start3A_140] : memref<4x10000x128xf32, #tpu.memory_space<hbm>> -> memref<1x10000x128xf32, #tpu.memory_space<hbm>>
        %dma_start3A_142 = tpu.memref_squeeze %dma_start3A_141 : memref<1x10000x128xf32, #tpu.memory_space<hbm>> -> memref<10000x128xf32, #tpu.memory_space<hbm>>
        %dma_start3A_143 = arith.constant 0 : i32
        %dma_start3A_144 = arith.constant 0 : i32
        %dma_start3A_145 = tpu.memref_slice %dma_start3A_142[%dma_start3A_143, %dma_start3A_144] : memref<10000x128xf32, #tpu.memory_space<hbm>> -> memref<10000x128xf32, #tpu.memory_space<hbm>>
        tpu.enqueue_indirect_dma source(%dma_start3A_145 : memref<10000x128xf32, #tpu.memory_space<hbm>>) target(%dma_start3A_137 : memref<80x128xf32, #tpu.memory_space<vmem>>) offsets(%dma_start3A_138 : memref<80xi32, #tpu.memory_space<vmem>>) semaphore(%arg11 : memref<!tpu.dma_semaphore, #tpu.memory_space<semaphore_mem>>)
      } else {
      }
      %mul3A_116 = arith.constant 80 : i32
      %mul3A_117 = arith.muli %scan3A_111, %mul3A_116 : i32
      %dma_wait3A = arith.constant 0 : i32
      %dma_wait3A_118 = arith.constant 0 : i32
      %dma_wait3A_119 = tpu.memref_slice %arg9[%rem3A_112, %dma_wait3A, %dma_wait3A_118] : memref<2x80x128xf32, #tpu.memory_space<vmem>> -> memref<1x80x128xf32, #tpu.memory_space<vmem>>
      %dma_wait3A_120 = tpu.memref_squeeze %dma_wait3A_119 : memref<1x80x128xf32, #tpu.memory_space<vmem>> -> memref<80x128xf32, #tpu.memory_space<vmem>>
      %dma_wait3A_121 = tpu.memref_slice %arg7[%mul3A_117] : memref<10000xi32, #tpu.memory_space<vmem>> -> memref<80xi32, #tpu.memory_space<vmem>>
      %dma_wait3A_122 = arith.constant 0 : i32
      %dma_wait3A_123 = arith.constant 0 : i32
      %dma_wait3A_124 = tpu.memref_slice %arg2[%scan3A_101, %dma_wait3A_122, %dma_wait3A_123] : memref<4x10000x128xf32, #tpu.memory_space<hbm>> -> memref<1x10000x128xf32, #tpu.memory_space<hbm>>
      %dma_wait3A_125 = tpu.memref_squeeze %dma_wait3A_124 : memref<1x10000x128xf32, #tpu.memory_space<hbm>> -> memref<10000x128xf32, #tpu.memory_space<hbm>>
      %dma_wait3A_126 = arith.constant 0 : i32
      %dma_wait3A_127 = arith.constant 0 : i32
      %dma_wait3A_128 = tpu.memref_slice %dma_wait3A_125[%dma_wait3A_126, %dma_wait3A_127] : memref<10000x128xf32, #tpu.memory_space<hbm>> -> memref<10000x128xf32, #tpu.memory_space<hbm>>
      tpu.wait_indirect_dma semaphore(%arg11 : memref<!tpu.dma_semaphore, #tpu.memory_space<semaphore_mem>>) src(%dma_wait3A_128 : memref<10000x128xf32, #tpu.memory_space<hbm>>) dst(%dma_wait3A_120 : memref<80x128xf32, #tpu.memory_space<vmem>>)
      "tpu.region"() ({
        %run_scoped3A_129 = tpu.sem_alloc : memref<!tpu.dma_semaphore, #tpu.memory_space<semaphore_mem>>
        %dma_start3A_130 = arith.constant 0 : i32
        %dma_start3A_131 = arith.constant 0 : i32
        %dma_start3A_132 = tpu.memref_slice %arg9[%rem3A_112, %dma_start3A_130, %dma_start3A_131] : memref<2x80x128xf32, #tpu.memory_space<vmem>> -> memref<1x80x128xf32, #tpu.memory_space<vmem>>
        %dma_start3A_133 = tpu.memref_squeeze %dma_start3A_132 : memref<1x80x128xf32, #tpu.memory_space<vmem>> -> memref<80x128xf32, #tpu.memory_space<vmem>>
        %dma_start3A_134 = arith.constant 0 : i32
        %dma_start3A_135 = tpu.memref_slice %arg8[%scan3A_111, %dma_start3A_134] : memref<125x80xi32, #tpu.memory_space<vmem>> -> memref<1x80xi32, #tpu.memory_space<vmem>>
        %dma_start3A_136 = tpu.memref_squeeze %dma_start3A_135 : memref<1x80xi32, #tpu.memory_space<vmem>> -> memref<80xi32, #tpu.memory_space<vmem>>
        %dma_start3A_137 = arith.constant 0 : i32
        %dma_start3A_138 = arith.constant 0 : i32
        %dma_start3A_139 = tpu.memref_slice %arg10[%dma_start3A_137, %dma_start3A_138] : memref<10240x128xf32, #tpu.memory_space<vmem_shared>> -> memref<10240x128xf32, #tpu.memory_space<vmem_shared>>
        tpu.enqueue_indirect_dma source(%dma_start3A_133 : memref<80x128xf32, #tpu.memory_space<vmem>>) target(%dma_start3A_139 : memref<10240x128xf32, #tpu.memory_space<vmem_shared>>) offsets(%dma_start3A_136 : memref<80xi32, #tpu.memory_space<vmem>>) semaphore(%run_scoped3A_129 : memref<!tpu.dma_semaphore, #tpu.memory_space<semaphore_mem>>) {add = true}
        %dma_wait3A_140 = arith.constant 0 : i32
        %dma_wait3A_141 = arith.constant 0 : i32
        %dma_wait3A_142 = tpu.memref_slice %arg9[%rem3A_112, %dma_wait3A_140, %dma_wait3A_141] : memref<2x80x128xf32, #tpu.memory_space<vmem>> -> memref<1x80x128xf32, #tpu.memory_space<vmem>>
        %dma_wait3A_143 = tpu.memref_squeeze %dma_wait3A_142 : memref<1x80x128xf32, #tpu.memory_space<vmem>> -> memref<80x128xf32, #tpu.memory_space<vmem>>
        %dma_wait3A_144 = arith.constant 0 : i32
        %dma_wait3A_145 = tpu.memref_slice %arg8[%scan3A_111, %dma_wait3A_144] : memref<125x80xi32, #tpu.memory_space<vmem>> -> memref<1x80xi32, #tpu.memory_space<vmem>>
        %dma_wait3A_146 = tpu.memref_squeeze %dma_wait3A_145 : memref<1x80xi32, #tpu.memory_space<vmem>> -> memref<80xi32, #tpu.memory_space<vmem>>
        %dma_wait3A_147 = arith.constant 0 : i32
        %dma_wait3A_148 = arith.constant 0 : i32
        %dma_wait3A_149 = tpu.memref_slice %arg10[%dma_wait3A_147, %dma_wait3A_148] : memref<10240x128xf32, #tpu.memory_space<vmem_shared>> -> memref<10240x128xf32, #tpu.memory_space<vmem_shared>>
        tpu.wait_indirect_dma semaphore(%run_scoped3A_129 : memref<!tpu.dma_semaphore, #tpu.memory_space<semaphore_mem>>) src(%dma_wait3A_143 : memref<80x128xf32, #tpu.memory_space<vmem>>) dst(%dma_wait3A_149 : memref<10240x128xf32, #tpu.memory_space<vmem_shared>>)
        tpu.yield
      }) : () -> ()
    }
    %scan3A_106 = arith.constant 125 : i32
    %barrier3A_107 = arith.constant 0 : index
    tpu.barrier barrier_id(%barrier3A_107)
    %mul3A_108 = arith.constant 640 : i32
    %mul3A_109 = arith.muli %arg1, %mul3A_108 : i32
    %run_scoped3A_110 = arith.constant 3 : i32
    "tpu.region"() ({
      %run_scoped3A_111 = tpu.sem_alloc : memref<!tpu.dma_semaphore, #tpu.memory_space<semaphore_mem>>
      %dma_start3A_112 = arith.constant 0 : i32
      %dma_start3A_113 = tpu.memref_slice %arg6[%arg0, %run_scoped3A_110, %mul3A_109, %dma_start3A_112] : memref<2x4x10240x128xf32, #tpu.memory_space<hbm>> -> memref<1x1x640x128xf32, #tpu.memory_space<hbm>>
      %dma_start3A_114 = tpu.memref_squeeze %dma_start3A_113 : memref<1x1x640x128xf32, #tpu.memory_space<hbm>> -> memref<640x128xf32, #tpu.memory_space<hbm>>
      %dma_start3A_115 = arith.constant 0 : i32
      %dma_start3A_116 = tpu.memref_slice %arg10[%mul3A_109, %dma_start3A_115] : memref<10240x128xf32, #tpu.memory_space<vmem_shared>> -> memref<640x128xf32, #tpu.memory_space<vmem_shared>>
      tpu.enqueue_dma source(%dma_start3A_116 : memref<640x128xf32, #tpu.memory_space<vmem_shared>>) target(%dma_start3A_114 : memref<640x128xf32, #tpu.memory_space<hbm>>) target_semaphore(%run_scoped3A_111 : memref<!tpu.dma_semaphore, #tpu.memory_space<semaphore_mem>>)
      %dma_wait3A = arith.constant 0 : i32
      %dma_wait3A_117 = tpu.memref_slice %arg6[%arg0, %run_scoped3A_110, %mul3A_109, %dma_wait3A] : memref<2x4x10240x128xf32, #tpu.memory_space<hbm>> -> memref<1x1x640x128xf32, #tpu.memory_space<hbm>>
      %dma_wait3A_118 = tpu.memref_squeeze %dma_wait3A_117 : memref<1x1x640x128xf32, #tpu.memory_space<hbm>> -> memref<640x128xf32, #tpu.memory_space<hbm>>
      %dma_wait3A_119 = arith.constant 0 : i32
      %dma_wait3A_120 = tpu.memref_slice %arg10[%mul3A_109, %dma_wait3A_119] : memref<10240x128xf32, #tpu.memory_space<vmem_shared>> -> memref<640x128xf32, #tpu.memory_space<vmem_shared>>
      tpu.wait_dma2 semaphore(%run_scoped3A_111 : memref<!tpu.dma_semaphore, #tpu.memory_space<semaphore_mem>>) src(%dma_wait3A_120 : memref<640x128xf32, #tpu.memory_space<vmem_shared>>) dst(%dma_wait3A_118 : memref<640x128xf32, #tpu.memory_space<hbm>>)
      tpu.yield
    }) : () -> ()
    return
  }
}

#map = affine_map<(d0, d1) -> (0, 0, 0, 0)>
#map1 = affine_map<(d0, d1) -> (0, 0)>
#map2 = affine_map<(d0, d1) -> (0, 0, 0)>
module attributes {stable_mosaic.version = 14 : i64} {
  func.func @k(%arg0: i32, %arg1: i32, %arg2: memref<2x16x125x80xi32, #tpu.memory_space<hbm>>, %arg3: memref<80x128xf32, #tpu.memory_space<hbm>>, %arg4: memref<640x128xf32, #tpu.memory_space<hbm>>, %arg5: memref<2x10240x128xf32, #tpu.memory_space<hbm>>, %arg6: memref<125x80xi32, #tpu.memory_space<vmem>>, %arg7: memref<80x128xf32, #tpu.memory_space<vmem>>, %arg8: memref<10240x128xf32, #tpu.memory_space<vmem_shared>>) attributes {dimension_semantics = [#tpu.dimension_semantics<core_parallel>, #tpu.dimension_semantics<subcore_parallel>], iteration_bounds = array<i64: 2, 16>, scalar_prefetch = 0 : i64, scratch_operands = 3 : i64, tpu.core_type = #tpu.core_type<sc_vector_subcore>, window_params = [{transform_indices = #map}, {transform_indices = #map1}, {transform_indices = #map1}, {transform_indices = #map2}]} {
    "tpu.region"() ({
      %run_scoped3A = tpu.sem_alloc : memref<!tpu.dma_semaphore, #tpu.memory_space<semaphore_mem>>
      %dma_start3A = arith.constant 0 : i32
      %dma_start3A_9 = arith.constant 0 : i32
      %dma_start3A_10 = tpu.memref_slice %arg2[%arg0, %arg1, %dma_start3A, %dma_start3A_9] : memref<2x16x125x80xi32, #tpu.memory_space<hbm>> -> memref<1x1x125x80xi32, #tpu.memory_space<hbm>>
      %dma_start3A_11 = tpu.memref_squeeze %dma_start3A_10 : memref<1x1x125x80xi32, #tpu.memory_space<hbm>> -> memref<125x80xi32, #tpu.memory_space<hbm>>
      %dma_start3A_12 = arith.constant 0 : i32
      %dma_start3A_13 = arith.constant 0 : i32
      %dma_start3A_14 = tpu.memref_slice %arg2[%arg0, %arg1, %dma_start3A_12, %dma_start3A_13] : memref<2x16x125x80xi32, #tpu.memory_space<hbm>> -> memref<1x1x125x80xi32, #tpu.memory_space<hbm>>
      %dma_start3A_15 = tpu.memref_squeeze %dma_start3A_14 : memref<1x1x125x80xi32, #tpu.memory_space<hbm>> -> memref<125x80xi32, #tpu.memory_space<hbm>>
      tpu.enqueue_dma source(%dma_start3A_15 : memref<125x80xi32, #tpu.memory_space<hbm>>) target(%arg6 : memref<125x80xi32, #tpu.memory_space<vmem>>) target_semaphore(%run_scoped3A : memref<!tpu.dma_semaphore, #tpu.memory_space<semaphore_mem>>)
      %dma_wait3A = arith.constant 0 : i32
      %dma_wait3A_16 = arith.constant 0 : i32
      %dma_wait3A_17 = tpu.memref_slice %arg2[%arg0, %arg1, %dma_wait3A, %dma_wait3A_16] : memref<2x16x125x80xi32, #tpu.memory_space<hbm>> -> memref<1x1x125x80xi32, #tpu.memory_space<hbm>>
      %dma_wait3A_18 = tpu.memref_squeeze %dma_wait3A_17 : memref<1x1x125x80xi32, #tpu.memory_space<hbm>> -> memref<125x80xi32, #tpu.memory_space<hbm>>
      %dma_wait3A_19 = arith.constant 0 : i32
      %dma_wait3A_20 = arith.constant 0 : i32
      %dma_wait3A_21 = tpu.memref_slice %arg2[%arg0, %arg1, %dma_wait3A_19, %dma_wait3A_20] : memref<2x16x125x80xi32, #tpu.memory_space<hbm>> -> memref<1x1x125x80xi32, #tpu.memory_space<hbm>>
      %dma_wait3A_22 = tpu.memref_squeeze %dma_wait3A_21 : memref<1x1x125x80xi32, #tpu.memory_space<hbm>> -> memref<125x80xi32, #tpu.memory_space<hbm>>
      tpu.wait_dma2 semaphore(%run_scoped3A : memref<!tpu.dma_semaphore, #tpu.memory_space<semaphore_mem>>) src(%dma_wait3A_22 : memref<125x80xi32, #tpu.memory_space<hbm>>) dst(%arg6 : memref<125x80xi32, #tpu.memory_space<vmem>>)
      tpu.yield
    }) : () -> ()
    "tpu.region"() ({
      %run_scoped3A = tpu.sem_alloc : memref<!tpu.dma_semaphore, #tpu.memory_space<semaphore_mem>>
      tpu.enqueue_dma source(%arg3 : memref<80x128xf32, #tpu.memory_space<hbm>>) target(%arg7 : memref<80x128xf32, #tpu.memory_space<vmem>>) target_semaphore(%run_scoped3A : memref<!tpu.dma_semaphore, #tpu.memory_space<semaphore_mem>>)
      tpu.wait_dma2 semaphore(%run_scoped3A : memref<!tpu.dma_semaphore, #tpu.memory_space<semaphore_mem>>) src(%arg3 : memref<80x128xf32, #tpu.memory_space<hbm>>) dst(%arg7 : memref<80x128xf32, #tpu.memory_space<vmem>>)
      tpu.yield
    }) : () -> ()
    %mul3A = arith.constant 640 : i32
    %mul3A_0 = arith.muli %arg1, %mul3A : i32
    "tpu.region"() ({
      %run_scoped3A = tpu.sem_alloc : memref<!tpu.dma_semaphore, #tpu.memory_space<semaphore_mem>>
      %dma_start3A = arith.constant 0 : i32
      %dma_start3A_9 = tpu.memref_slice %arg8[%mul3A_0, %dma_start3A] : memref<10240x128xf32, #tpu.memory_space<vmem_shared>> -> memref<640x128xf32, #tpu.memory_space<vmem_shared>>
      tpu.enqueue_dma source(%arg4 : memref<640x128xf32, #tpu.memory_space<hbm>>) target(%dma_start3A_9 : memref<640x128xf32, #tpu.memory_space<vmem_shared>>) target_semaphore(%run_scoped3A : memref<!tpu.dma_semaphore, #tpu.memory_space<semaphore_mem>>)
      %dma_wait3A = arith.constant 0 : i32
      %dma_wait3A_10 = tpu.memref_slice %arg8[%mul3A_0, %dma_wait3A] : memref<10240x128xf32, #tpu.memory_space<vmem_shared>> -> memref<640x128xf32, #tpu.memory_space<vmem_shared>>
      tpu.wait_dma2 semaphore(%run_scoped3A : memref<!tpu.dma_semaphore, #tpu.memory_space<semaphore_mem>>) src(%arg4 : memref<640x128xf32, #tpu.memory_space<hbm>>) dst(%dma_wait3A_10 : memref<640x128xf32, #tpu.memory_space<vmem_shared>>)
      tpu.yield
    }) : () -> ()
    %barrier3A = arith.constant 0 : index
    tpu.barrier barrier_id(%barrier3A)
    %scan3A = arith.constant 0 : i32
    %scan3A_1 = arith.constant 0 : i32
    %scan3A_2 = arith.constant 125 : i32
    %scan3A_3 = arith.addi %scan3A_1, %scan3A_2 : i32
    %scan3A_4 = arith.constant 1 : i32
    scf.for %scan3A_9 = %scan3A_1 to %scan3A_3 step %scan3A_4  : i32 {
      "tpu.region"() ({
        %run_scoped3A = tpu.sem_alloc : memref<!tpu.dma_semaphore, #tpu.memory_space<semaphore_mem>>
        %dma_start3A = arith.constant 0 : i32
        %dma_start3A_10 = tpu.memref_slice %arg6[%scan3A_9, %dma_start3A] : memref<125x80xi32, #tpu.memory_space<vmem>> -> memref<1x80xi32, #tpu.memory_space<vmem>>
        %dma_start3A_11 = tpu.memref_squeeze %dma_start3A_10 : memref<1x80xi32, #tpu.memory_space<vmem>> -> memref<80xi32, #tpu.memory_space<vmem>>
        %dma_start3A_12 = arith.constant 0 : i32
        %dma_start3A_13 = arith.constant 0 : i32
        %dma_start3A_14 = tpu.memref_slice %arg8[%dma_start3A_12, %dma_start3A_13] : memref<10240x128xf32, #tpu.memory_space<vmem_shared>> -> memref<10240x128xf32, #tpu.memory_space<vmem_shared>>
        tpu.enqueue_indirect_dma source(%arg7 : memref<80x128xf32, #tpu.memory_space<vmem>>) target(%dma_start3A_14 : memref<10240x128xf32, #tpu.memory_space<vmem_shared>>) offsets(%dma_start3A_11 : memref<80xi32, #tpu.memory_space<vmem>>) semaphore(%run_scoped3A : memref<!tpu.dma_semaphore, #tpu.memory_space<semaphore_mem>>) {add = true}
        %dma_wait3A = arith.constant 0 : i32
        %dma_wait3A_15 = tpu.memref_slice %arg6[%scan3A_9, %dma_wait3A] : memref<125x80xi32, #tpu.memory_space<vmem>> -> memref<1x80xi32, #tpu.memory_space<vmem>>
        %dma_wait3A_16 = tpu.memref_squeeze %dma_wait3A_15 : memref<1x80xi32, #tpu.memory_space<vmem>> -> memref<80xi32, #tpu.memory_space<vmem>>
        %dma_wait3A_17 = arith.constant 0 : i32
        %dma_wait3A_18 = arith.constant 0 : i32
        %dma_wait3A_19 = tpu.memref_slice %arg8[%dma_wait3A_17, %dma_wait3A_18] : memref<10240x128xf32, #tpu.memory_space<vmem_shared>> -> memref<10240x128xf32, #tpu.memory_space<vmem_shared>>
        tpu.wait_indirect_dma semaphore(%run_scoped3A : memref<!tpu.dma_semaphore, #tpu.memory_space<semaphore_mem>>) src(%arg7 : memref<80x128xf32, #tpu.memory_space<vmem>>) dst(%dma_wait3A_19 : memref<10240x128xf32, #tpu.memory_space<vmem_shared>>)
        tpu.yield
      }) : () -> ()
    }
    %scan3A_5 = arith.constant 125 : i32
    %barrier3A_6 = arith.constant 0 : index
    tpu.barrier barrier_id(%barrier3A_6)
    %mul3A_7 = arith.constant 640 : i32
    %mul3A_8 = arith.muli %arg1, %mul3A_7 : i32
    "tpu.region"() ({
      %run_scoped3A = tpu.sem_alloc : memref<!tpu.dma_semaphore, #tpu.memory_space<semaphore_mem>>
      %dma_start3A = arith.constant 0 : i32
      %dma_start3A_9 = tpu.memref_slice %arg5[%arg0, %mul3A_8, %dma_start3A] : memref<2x10240x128xf32, #tpu.memory_space<hbm>> -> memref<1x640x128xf32, #tpu.memory_space<hbm>>
      %dma_start3A_10 = tpu.memref_squeeze %dma_start3A_9 : memref<1x640x128xf32, #tpu.memory_space<hbm>> -> memref<640x128xf32, #tpu.memory_space<hbm>>
      %dma_start3A_11 = arith.constant 0 : i32
      %dma_start3A_12 = tpu.memref_slice %arg8[%mul3A_8, %dma_start3A_11] : memref<10240x128xf32, #tpu.memory_space<vmem_shared>> -> memref<640x128xf32, #tpu.memory_space<vmem_shared>>
      tpu.enqueue_dma source(%dma_start3A_12 : memref<640x128xf32, #tpu.memory_space<vmem_shared>>) target(%dma_start3A_10 : memref<640x128xf32, #tpu.memory_space<hbm>>) target_semaphore(%run_scoped3A : memref<!tpu.dma_semaphore, #tpu.memory_space<semaphore_mem>>)
      %dma_wait3A = arith.constant 0 : i32
      %dma_wait3A_13 = tpu.memref_slice %arg5[%arg0, %mul3A_8, %dma_wait3A] : memref<2x10240x128xf32, #tpu.memory_space<hbm>> -> memref<1x640x128xf32, #tpu.memory_space<hbm>>
      %dma_wait3A_14 = tpu.memref_squeeze %dma_wait3A_13 : memref<1x640x128xf32, #tpu.memory_space<hbm>> -> memref<640x128xf32, #tpu.memory_space<hbm>>
      %dma_wait3A_15 = arith.constant 0 : i32
      %dma_wait3A_16 = tpu.memref_slice %arg8[%mul3A_8, %dma_wait3A_15] : memref<10240x128xf32, #tpu.memory_space<vmem_shared>> -> memref<640x128xf32, #tpu.memory_space<vmem_shared>>
      tpu.wait_dma2 semaphore(%run_scoped3A : memref<!tpu.dma_semaphore, #tpu.memory_space<semaphore_mem>>) src(%dma_wait3A_16 : memref<640x128xf32, #tpu.memory_space<vmem_shared>>) dst(%dma_wait3A_14 : memref<640x128xf32, #tpu.memory_space<hbm>>)
      tpu.yield
    }) : () -> ()
    return
  }
}

#map = affine_map<(d0, d1) -> (0, 0, 0)>
#map1 = affine_map<(d0, d1) -> (0, 0, 0, 0)>
#map2 = affine_map<(d0, d1) -> (0, 0)>
module attributes {stable_mosaic.version = 14 : i64} {
  func.func @k(%arg0: i32, %arg1: i32, %arg2: memref<2x10000x128xf32, #tpu.memory_space<hbm>>, %arg3: memref<2x16x10000xi32, #tpu.memory_space<hbm>>, %arg4: memref<2x16x125x80xi32, #tpu.memory_space<hbm>>, %arg5: memref<640x128xf32, #tpu.memory_space<hbm>>, %arg6: memref<2x2x10240x128xf32, #tpu.memory_space<hbm>>, %arg7: memref<10000xi32, #tpu.memory_space<vmem>>, %arg8: memref<125x80xi32, #tpu.memory_space<vmem>>, %arg9: memref<2x80x128xf32, #tpu.memory_space<vmem>>, %arg10: memref<10240x128xf32, #tpu.memory_space<vmem_shared>>, %arg11: memref<!tpu.dma_semaphore, #tpu.memory_space<semaphore_mem>>) attributes {dimension_semantics = [#tpu.dimension_semantics<core_parallel>, #tpu.dimension_semantics<subcore_parallel>], iteration_bounds = array<i64: 2, 16>, scalar_prefetch = 0 : i64, scratch_operands = 5 : i64, tpu.core_type = #tpu.core_type<sc_vector_subcore>, window_params = [{transform_indices = #map}, {transform_indices = #map}, {transform_indices = #map1}, {transform_indices = #map2}, {transform_indices = #map1}]} {
    "tpu.region"() ({
      %run_scoped3A_53 = tpu.sem_alloc : memref<!tpu.dma_semaphore, #tpu.memory_space<semaphore_mem>>
      %dma_start3A_54 = arith.constant 0 : i32
      %dma_start3A_55 = tpu.memref_slice %arg3[%arg0, %arg1, %dma_start3A_54] : memref<2x16x10000xi32, #tpu.memory_space<hbm>> -> memref<1x1x10000xi32, #tpu.memory_space<hbm>>
      %dma_start3A_56 = tpu.memref_squeeze %dma_start3A_55 : memref<1x1x10000xi32, #tpu.memory_space<hbm>> -> memref<10000xi32, #tpu.memory_space<hbm>>
      %dma_start3A_57 = arith.constant 0 : i32
      %dma_start3A_58 = tpu.memref_slice %arg3[%arg0, %arg1, %dma_start3A_57] : memref<2x16x10000xi32, #tpu.memory_space<hbm>> -> memref<1x1x10000xi32, #tpu.memory_space<hbm>>
      %dma_start3A_59 = tpu.memref_squeeze %dma_start3A_58 : memref<1x1x10000xi32, #tpu.memory_space<hbm>> -> memref<10000xi32, #tpu.memory_space<hbm>>
      tpu.enqueue_dma source(%dma_start3A_59 : memref<10000xi32, #tpu.memory_space<hbm>>) target(%arg7 : memref<10000xi32, #tpu.memory_space<vmem>>) target_semaphore(%run_scoped3A_53 : memref<!tpu.dma_semaphore, #tpu.memory_space<semaphore_mem>>)
      %dma_wait3A = arith.constant 0 : i32
      %dma_wait3A_60 = tpu.memref_slice %arg3[%arg0, %arg1, %dma_wait3A] : memref<2x16x10000xi32, #tpu.memory_space<hbm>> -> memref<1x1x10000xi32, #tpu.memory_space<hbm>>
      %dma_wait3A_61 = tpu.memref_squeeze %dma_wait3A_60 : memref<1x1x10000xi32, #tpu.memory_space<hbm>> -> memref<10000xi32, #tpu.memory_space<hbm>>
      %dma_wait3A_62 = arith.constant 0 : i32
      %dma_wait3A_63 = tpu.memref_slice %arg3[%arg0, %arg1, %dma_wait3A_62] : memref<2x16x10000xi32, #tpu.memory_space<hbm>> -> memref<1x1x10000xi32, #tpu.memory_space<hbm>>
      %dma_wait3A_64 = tpu.memref_squeeze %dma_wait3A_63 : memref<1x1x10000xi32, #tpu.memory_space<hbm>> -> memref<10000xi32, #tpu.memory_space<hbm>>
      tpu.wait_dma2 semaphore(%run_scoped3A_53 : memref<!tpu.dma_semaphore, #tpu.memory_space<semaphore_mem>>) src(%dma_wait3A_64 : memref<10000xi32, #tpu.memory_space<hbm>>) dst(%arg7 : memref<10000xi32, #tpu.memory_space<vmem>>)
      tpu.yield
    }) : () -> ()
    "tpu.region"() ({
      %run_scoped3A_53 = tpu.sem_alloc : memref<!tpu.dma_semaphore, #tpu.memory_space<semaphore_mem>>
      %dma_start3A_54 = arith.constant 0 : i32
      %dma_start3A_55 = arith.constant 0 : i32
      %dma_start3A_56 = tpu.memref_slice %arg4[%arg0, %arg1, %dma_start3A_54, %dma_start3A_55] : memref<2x16x125x80xi32, #tpu.memory_space<hbm>> -> memref<1x1x125x80xi32, #tpu.memory_space<hbm>>
      %dma_start3A_57 = tpu.memref_squeeze %dma_start3A_56 : memref<1x1x125x80xi32, #tpu.memory_space<hbm>> -> memref<125x80xi32, #tpu.memory_space<hbm>>
      %dma_start3A_58 = arith.constant 0 : i32
      %dma_start3A_59 = arith.constant 0 : i32
      %dma_start3A_60 = tpu.memref_slice %arg4[%arg0, %arg1, %dma_start3A_58, %dma_start3A_59] : memref<2x16x125x80xi32, #tpu.memory_space<hbm>> -> memref<1x1x125x80xi32, #tpu.memory_space<hbm>>
      %dma_start3A_61 = tpu.memref_squeeze %dma_start3A_60 : memref<1x1x125x80xi32, #tpu.memory_space<hbm>> -> memref<125x80xi32, #tpu.memory_space<hbm>>
      tpu.enqueue_dma source(%dma_start3A_61 : memref<125x80xi32, #tpu.memory_space<hbm>>) target(%arg8 : memref<125x80xi32, #tpu.memory_space<vmem>>) target_semaphore(%run_scoped3A_53 : memref<!tpu.dma_semaphore, #tpu.memory_space<semaphore_mem>>)
      %dma_wait3A = arith.constant 0 : i32
      %dma_wait3A_62 = arith.constant 0 : i32
      %dma_wait3A_63 = tpu.memref_slice %arg4[%arg0, %arg1, %dma_wait3A, %dma_wait3A_62] : memref<2x16x125x80xi32, #tpu.memory_space<hbm>> -> memref<1x1x125x80xi32, #tpu.memory_space<hbm>>
      %dma_wait3A_64 = tpu.memref_squeeze %dma_wait3A_63 : memref<1x1x125x80xi32, #tpu.memory_space<hbm>> -> memref<125x80xi32, #tpu.memory_space<hbm>>
      %dma_wait3A_65 = arith.constant 0 : i32
      %dma_wait3A_66 = arith.constant 0 : i32
      %dma_wait3A_67 = tpu.memref_slice %arg4[%arg0, %arg1, %dma_wait3A_65, %dma_wait3A_66] : memref<2x16x125x80xi32, #tpu.memory_space<hbm>> -> memref<1x1x125x80xi32, #tpu.memory_space<hbm>>
      %dma_wait3A_68 = tpu.memref_squeeze %dma_wait3A_67 : memref<1x1x125x80xi32, #tpu.memory_space<hbm>> -> memref<125x80xi32, #tpu.memory_space<hbm>>
      tpu.wait_dma2 semaphore(%run_scoped3A_53 : memref<!tpu.dma_semaphore, #tpu.memory_space<semaphore_mem>>) src(%dma_wait3A_68 : memref<125x80xi32, #tpu.memory_space<hbm>>) dst(%arg8 : memref<125x80xi32, #tpu.memory_space<vmem>>)
      tpu.yield
    }) : () -> ()
    %mul3A = arith.constant 640 : i32
    %mul3A_0 = arith.muli %arg1, %mul3A : i32
    "tpu.region"() ({
      %run_scoped3A_53 = tpu.sem_alloc : memref<!tpu.dma_semaphore, #tpu.memory_space<semaphore_mem>>
      %dma_start3A_54 = arith.constant 0 : i32
      %dma_start3A_55 = tpu.memref_slice %arg10[%mul3A_0, %dma_start3A_54] : memref<10240x128xf32, #tpu.memory_space<vmem_shared>> -> memref<640x128xf32, #tpu.memory_space<vmem_shared>>
      tpu.enqueue_dma source(%arg5 : memref<640x128xf32, #tpu.memory_space<hbm>>) target(%dma_start3A_55 : memref<640x128xf32, #tpu.memory_space<vmem_shared>>) target_semaphore(%run_scoped3A_53 : memref<!tpu.dma_semaphore, #tpu.memory_space<semaphore_mem>>)
      %dma_wait3A = arith.constant 0 : i32
      %dma_wait3A_56 = tpu.memref_slice %arg10[%mul3A_0, %dma_wait3A] : memref<10240x128xf32, #tpu.memory_space<vmem_shared>> -> memref<640x128xf32, #tpu.memory_space<vmem_shared>>
      tpu.wait_dma2 semaphore(%run_scoped3A_53 : memref<!tpu.dma_semaphore, #tpu.memory_space<semaphore_mem>>) src(%arg5 : memref<640x128xf32, #tpu.memory_space<hbm>>) dst(%dma_wait3A_56 : memref<640x128xf32, #tpu.memory_space<vmem_shared>>)
      tpu.yield
    }) : () -> ()
    %barrier3A = arith.constant 0 : index
    tpu.barrier barrier_id(%barrier3A)
    %dma_start3A = arith.constant 0 : i32
    %dma_start3A_1 = arith.constant 0 : i32
    %dma_start3A_2 = arith.constant 0 : i32
    %dma_start3A_3 = arith.constant 0 : i32
    %dma_start3A_4 = tpu.memref_slice %arg9[%dma_start3A_1, %dma_start3A_2, %dma_start3A_3] : memref<2x80x128xf32, #tpu.memory_space<vmem>> -> memref<1x80x128xf32, #tpu.memory_space<vmem>>
    %dma_start3A_5 = tpu.memref_squeeze %dma_start3A_4 : memref<1x80x128xf32, #tpu.memory_space<vmem>> -> memref<80x128xf32, #tpu.memory_space<vmem>>
    %dma_start3A_6 = arith.constant 0 : i32
    %dma_start3A_7 = tpu.memref_slice %arg7[%dma_start3A_6] : memref<10000xi32, #tpu.memory_space<vmem>> -> memref<80xi32, #tpu.memory_space<vmem>>
    %dma_start3A_8 = arith.constant 0 : i32
    %dma_start3A_9 = arith.constant 0 : i32
    %dma_start3A_10 = tpu.memref_slice %arg2[%dma_start3A, %dma_start3A_8, %dma_start3A_9] : memref<2x10000x128xf32, #tpu.memory_space<hbm>> -> memref<1x10000x128xf32, #tpu.memory_space<hbm>>
    %dma_start3A_11 = tpu.memref_squeeze %dma_start3A_10 : memref<1x10000x128xf32, #tpu.memory_space<hbm>> -> memref<10000x128xf32, #tpu.memory_space<hbm>>
    %dma_start3A_12 = arith.constant 0 : i32
    %dma_start3A_13 = arith.constant 0 : i32
    %dma_start3A_14 = tpu.memref_slice %dma_start3A_11[%dma_start3A_12, %dma_start3A_13] : memref<10000x128xf32, #tpu.memory_space<hbm>> -> memref<10000x128xf32, #tpu.memory_space<hbm>>
    tpu.enqueue_indirect_dma source(%dma_start3A_14 : memref<10000x128xf32, #tpu.memory_space<hbm>>) target(%dma_start3A_5 : memref<80x128xf32, #tpu.memory_space<vmem>>) offsets(%dma_start3A_7 : memref<80xi32, #tpu.memory_space<vmem>>) semaphore(%arg11 : memref<!tpu.dma_semaphore, #tpu.memory_space<semaphore_mem>>)
    %scan3A = arith.constant 0 : i32
    %scan3A_15 = arith.constant 0 : i32
    %scan3A_16 = arith.constant 0 : i32
    %scan3A_17 = arith.constant 125 : i32
    %scan3A_18 = arith.addi %scan3A_16, %scan3A_17 : i32
    %scan3A_19 = arith.constant 1 : i32
    scf.for %scan3A_53 = %scan3A_16 to %scan3A_18 step %scan3A_19  : i32 {
      %rem3A = arith.constant 2 : i32
      %rem3A_54 = arith.remsi %scan3A_53, %rem3A : i32
      %add3A = arith.constant 1 : i32
      %add3A_55 = arith.addi %scan3A_53, %add3A : i32
      %lt3A = arith.constant 125 : i32
      %lt3A_56 = arith.cmpi slt, %add3A_55, %lt3A : i32
      %convert_element_type3A = arith.extui %lt3A_56 : i1 to i32
      %cond3A = arith.constant 0 : i32
      %cond3A_57 = arith.cmpi ne, %convert_element_type3A, %cond3A : i32
      scf.if %cond3A_57 {
        %add3A_71 = arith.constant 1 : i32
        %add3A_72 = arith.addi %scan3A_53, %add3A_71 : i32
        %mul3A_73 = arith.constant 80 : i32
        %mul3A_74 = arith.muli %add3A_72, %mul3A_73 : i32
        %sub3A = arith.constant 1 : i32
        %sub3A_75 = arith.subi %sub3A, %rem3A_54 : i32
        %dma_start3A_76 = arith.constant 0 : i32
        %dma_start3A_77 = arith.constant 0 : i32
        %dma_start3A_78 = tpu.memref_slice %arg9[%sub3A_75, %dma_start3A_76, %dma_start3A_77] : memref<2x80x128xf32, #tpu.memory_space<vmem>> -> memref<1x80x128xf32, #tpu.memory_space<vmem>>
        %dma_start3A_79 = tpu.memref_squeeze %dma_start3A_78 : memref<1x80x128xf32, #tpu.memory_space<vmem>> -> memref<80x128xf32, #tpu.memory_space<vmem>>
        %dma_start3A_80 = tpu.memref_slice %arg7[%mul3A_74] : memref<10000xi32, #tpu.memory_space<vmem>> -> memref<80xi32, #tpu.memory_space<vmem>>
        %dma_start3A_81 = arith.constant 0 : i32
        %dma_start3A_82 = arith.constant 0 : i32
        %dma_start3A_83 = tpu.memref_slice %arg2[%scan3A_15, %dma_start3A_81, %dma_start3A_82] : memref<2x10000x128xf32, #tpu.memory_space<hbm>> -> memref<1x10000x128xf32, #tpu.memory_space<hbm>>
        %dma_start3A_84 = tpu.memref_squeeze %dma_start3A_83 : memref<1x10000x128xf32, #tpu.memory_space<hbm>> -> memref<10000x128xf32, #tpu.memory_space<hbm>>
        %dma_start3A_85 = arith.constant 0 : i32
        %dma_start3A_86 = arith.constant 0 : i32
        %dma_start3A_87 = tpu.memref_slice %dma_start3A_84[%dma_start3A_85, %dma_start3A_86] : memref<10000x128xf32, #tpu.memory_space<hbm>> -> memref<10000x128xf32, #tpu.memory_space<hbm>>
        tpu.enqueue_indirect_dma source(%dma_start3A_87 : memref<10000x128xf32, #tpu.memory_space<hbm>>) target(%dma_start3A_79 : memref<80x128xf32, #tpu.memory_space<vmem>>) offsets(%dma_start3A_80 : memref<80xi32, #tpu.memory_space<vmem>>) semaphore(%arg11 : memref<!tpu.dma_semaphore, #tpu.memory_space<semaphore_mem>>)
      } else {
      }
      %mul3A_58 = arith.constant 80 : i32
      %mul3A_59 = arith.muli %scan3A_53, %mul3A_58 : i32
      %dma_wait3A = arith.constant 0 : i32
      %dma_wait3A_60 = arith.constant 0 : i32
      %dma_wait3A_61 = tpu.memref_slice %arg9[%rem3A_54, %dma_wait3A, %dma_wait3A_60] : memref<2x80x128xf32, #tpu.memory_space<vmem>> -> memref<1x80x128xf32, #tpu.memory_space<vmem>>
      %dma_wait3A_62 = tpu.memref_squeeze %dma_wait3A_61 : memref<1x80x128xf32, #tpu.memory_space<vmem>> -> memref<80x128xf32, #tpu.memory_space<vmem>>
      %dma_wait3A_63 = tpu.memref_slice %arg7[%mul3A_59] : memref<10000xi32, #tpu.memory_space<vmem>> -> memref<80xi32, #tpu.memory_space<vmem>>
      %dma_wait3A_64 = arith.constant 0 : i32
      %dma_wait3A_65 = arith.constant 0 : i32
      %dma_wait3A_66 = tpu.memref_slice %arg2[%scan3A_15, %dma_wait3A_64, %dma_wait3A_65] : memref<2x10000x128xf32, #tpu.memory_space<hbm>> -> memref<1x10000x128xf32, #tpu.memory_space<hbm>>
      %dma_wait3A_67 = tpu.memref_squeeze %dma_wait3A_66 : memref<1x10000x128xf32, #tpu.memory_space<hbm>> -> memref<10000x128xf32, #tpu.memory_space<hbm>>
      %dma_wait3A_68 = arith.constant 0 : i32
      %dma_wait3A_69 = arith.constant 0 : i32
      %dma_wait3A_70 = tpu.memref_slice %dma_wait3A_67[%dma_wait3A_68, %dma_wait3A_69] : memref<10000x128xf32, #tpu.memory_space<hbm>> -> memref<10000x128xf32, #tpu.memory_space<hbm>>
      tpu.wait_indirect_dma semaphore(%arg11 : memref<!tpu.dma_semaphore, #tpu.memory_space<semaphore_mem>>) src(%dma_wait3A_70 : memref<10000x128xf32, #tpu.memory_space<hbm>>) dst(%dma_wait3A_62 : memref<80x128xf32, #tpu.memory_space<vmem>>)
      "tpu.region"() ({
        %run_scoped3A_71 = tpu.sem_alloc : memref<!tpu.dma_semaphore, #tpu.memory_space<semaphore_mem>>
        %dma_start3A_72 = arith.constant 0 : i32
        %dma_start3A_73 = arith.constant 0 : i32
        %dma_start3A_74 = tpu.memref_slice %arg9[%rem3A_54, %dma_start3A_72, %dma_start3A_73] : memref<2x80x128xf32, #tpu.memory_space<vmem>> -> memref<1x80x128xf32, #tpu.memory_space<vmem>>
        %dma_start3A_75 = tpu.memref_squeeze %dma_start3A_74 : memref<1x80x128xf32, #tpu.memory_space<vmem>> -> memref<80x128xf32, #tpu.memory_space<vmem>>
        %dma_start3A_76 = arith.constant 0 : i32
        %dma_start3A_77 = tpu.memref_slice %arg8[%scan3A_53, %dma_start3A_76] : memref<125x80xi32, #tpu.memory_space<vmem>> -> memref<1x80xi32, #tpu.memory_space<vmem>>
        %dma_start3A_78 = tpu.memref_squeeze %dma_start3A_77 : memref<1x80xi32, #tpu.memory_space<vmem>> -> memref<80xi32, #tpu.memory_space<vmem>>
        %dma_start3A_79 = arith.constant 0 : i32
        %dma_start3A_80 = arith.constant 0 : i32
        %dma_start3A_81 = tpu.memref_slice %arg10[%dma_start3A_79, %dma_start3A_80] : memref<10240x128xf32, #tpu.memory_space<vmem_shared>> -> memref<10240x128xf32, #tpu.memory_space<vmem_shared>>
        tpu.enqueue_indirect_dma source(%dma_start3A_75 : memref<80x128xf32, #tpu.memory_space<vmem>>) target(%dma_start3A_81 : memref<10240x128xf32, #tpu.memory_space<vmem_shared>>) offsets(%dma_start3A_78 : memref<80xi32, #tpu.memory_space<vmem>>) semaphore(%run_scoped3A_71 : memref<!tpu.dma_semaphore, #tpu.memory_space<semaphore_mem>>) {add = true}
        %dma_wait3A_82 = arith.constant 0 : i32
        %dma_wait3A_83 = arith.constant 0 : i32
        %dma_wait3A_84 = tpu.memref_slice %arg9[%rem3A_54, %dma_wait3A_82, %dma_wait3A_83] : memref<2x80x128xf32, #tpu.memory_space<vmem>> -> memref<1x80x128xf32, #tpu.memory_space<vmem>>
        %dma_wait3A_85 = tpu.memref_squeeze %dma_wait3A_84 : memref<1x80x128xf32, #tpu.memory_space<vmem>> -> memref<80x128xf32, #tpu.memory_space<vmem>>
        %dma_wait3A_86 = arith.constant 0 : i32
        %dma_wait3A_87 = tpu.memref_slice %arg8[%scan3A_53, %dma_wait3A_86] : memref<125x80xi32, #tpu.memory_space<vmem>> -> memref<1x80xi32, #tpu.memory_space<vmem>>
        %dma_wait3A_88 = tpu.memref_squeeze %dma_wait3A_87 : memref<1x80xi32, #tpu.memory_space<vmem>> -> memref<80xi32, #tpu.memory_space<vmem>>
        %dma_wait3A_89 = arith.constant 0 : i32
        %dma_wait3A_90 = arith.constant 0 : i32
        %dma_wait3A_91 = tpu.memref_slice %arg10[%dma_wait3A_89, %dma_wait3A_90] : memref<10240x128xf32, #tpu.memory_space<vmem_shared>> -> memref<10240x128xf32, #tpu.memory_space<vmem_shared>>
        tpu.wait_indirect_dma semaphore(%run_scoped3A_71 : memref<!tpu.dma_semaphore, #tpu.memory_space<semaphore_mem>>) src(%dma_wait3A_85 : memref<80x128xf32, #tpu.memory_space<vmem>>) dst(%dma_wait3A_91 : memref<10240x128xf32, #tpu.memory_space<vmem_shared>>)
        tpu.yield
      }) : () -> ()
    }
    %scan3A_20 = arith.constant 125 : i32
    %barrier3A_21 = arith.constant 0 : index
    tpu.barrier barrier_id(%barrier3A_21)
    %mul3A_22 = arith.constant 640 : i32
    %mul3A_23 = arith.muli %arg1, %mul3A_22 : i32
    %run_scoped3A = arith.constant 0 : i32
    "tpu.region"() ({
      %run_scoped3A_53 = tpu.sem_alloc : memref<!tpu.dma_semaphore, #tpu.memory_space<semaphore_mem>>
      %dma_start3A_54 = arith.constant 0 : i32
      %dma_start3A_55 = tpu.memref_slice %arg6[%arg0, %run_scoped3A, %mul3A_23, %dma_start3A_54] : memref<2x2x10240x128xf32, #tpu.memory_space<hbm>> -> memref<1x1x640x128xf32, #tpu.memory_space<hbm>>
      %dma_start3A_56 = tpu.memref_squeeze %dma_start3A_55 : memref<1x1x640x128xf32, #tpu.memory_space<hbm>> -> memref<640x128xf32, #tpu.memory_space<hbm>>
      %dma_start3A_57 = arith.constant 0 : i32
      %dma_start3A_58 = tpu.memref_slice %arg10[%mul3A_23, %dma_start3A_57] : memref<10240x128xf32, #tpu.memory_space<vmem_shared>> -> memref<640x128xf32, #tpu.memory_space<vmem_shared>>
      tpu.enqueue_dma source(%dma_start3A_58 : memref<640x128xf32, #tpu.memory_space<vmem_shared>>) target(%dma_start3A_56 : memref<640x128xf32, #tpu.memory_space<hbm>>) target_semaphore(%run_scoped3A_53 : memref<!tpu.dma_semaphore, #tpu.memory_space<semaphore_mem>>)
      %dma_wait3A = arith.constant 0 : i32
      %dma_wait3A_59 = tpu.memref_slice %arg6[%arg0, %run_scoped3A, %mul3A_23, %dma_wait3A] : memref<2x2x10240x128xf32, #tpu.memory_space<hbm>> -> memref<1x1x640x128xf32, #tpu.memory_space<hbm>>
      %dma_wait3A_60 = tpu.memref_squeeze %dma_wait3A_59 : memref<1x1x640x128xf32, #tpu.memory_space<hbm>> -> memref<640x128xf32, #tpu.memory_space<hbm>>
      %dma_wait3A_61 = arith.constant 0 : i32
      %dma_wait3A_62 = tpu.memref_slice %arg10[%mul3A_23, %dma_wait3A_61] : memref<10240x128xf32, #tpu.memory_space<vmem_shared>> -> memref<640x128xf32, #tpu.memory_space<vmem_shared>>
      tpu.wait_dma2 semaphore(%run_scoped3A_53 : memref<!tpu.dma_semaphore, #tpu.memory_space<semaphore_mem>>) src(%dma_wait3A_62 : memref<640x128xf32, #tpu.memory_space<vmem_shared>>) dst(%dma_wait3A_60 : memref<640x128xf32, #tpu.memory_space<hbm>>)
      tpu.yield
    }) : () -> ()
    %mul3A_24 = arith.constant 640 : i32
    %mul3A_25 = arith.muli %arg1, %mul3A_24 : i32
    "tpu.region"() ({
      %run_scoped3A_53 = tpu.sem_alloc : memref<!tpu.dma_semaphore, #tpu.memory_space<semaphore_mem>>
      %dma_start3A_54 = arith.constant 0 : i32
      %dma_start3A_55 = tpu.memref_slice %arg10[%mul3A_25, %dma_start3A_54] : memref<10240x128xf32, #tpu.memory_space<vmem_shared>> -> memref<640x128xf32, #tpu.memory_space<vmem_shared>>
      tpu.enqueue_dma source(%arg5 : memref<640x128xf32, #tpu.memory_space<hbm>>) target(%dma_start3A_55 : memref<640x128xf32, #tpu.memory_space<vmem_shared>>) target_semaphore(%run_scoped3A_53 : memref<!tpu.dma_semaphore, #tpu.memory_space<semaphore_mem>>)
      %dma_wait3A = arith.constant 0 : i32
      %dma_wait3A_56 = tpu.memref_slice %arg10[%mul3A_25, %dma_wait3A] : memref<10240x128xf32, #tpu.memory_space<vmem_shared>> -> memref<640x128xf32, #tpu.memory_space<vmem_shared>>
      tpu.wait_dma2 semaphore(%run_scoped3A_53 : memref<!tpu.dma_semaphore, #tpu.memory_space<semaphore_mem>>) src(%arg5 : memref<640x128xf32, #tpu.memory_space<hbm>>) dst(%dma_wait3A_56 : memref<640x128xf32, #tpu.memory_space<vmem_shared>>)
      tpu.yield
    }) : () -> ()
    %barrier3A_26 = arith.constant 0 : index
    tpu.barrier barrier_id(%barrier3A_26)
    %dma_start3A_27 = arith.constant 1 : i32
    %dma_start3A_28 = arith.constant 0 : i32
    %dma_start3A_29 = arith.constant 0 : i32
    %dma_start3A_30 = arith.constant 0 : i32
    %dma_start3A_31 = tpu.memref_slice %arg9[%dma_start3A_28, %dma_start3A_29, %dma_start3A_30] : memref<2x80x128xf32, #tpu.memory_space<vmem>> -> memref<1x80x128xf32, #tpu.memory_space<vmem>>
    %dma_start3A_32 = tpu.memref_squeeze %dma_start3A_31 : memref<1x80x128xf32, #tpu.memory_space<vmem>> -> memref<80x128xf32, #tpu.memory_space<vmem>>
    %dma_start3A_33 = arith.constant 0 : i32
    %dma_start3A_34 = tpu.memref_slice %arg7[%dma_start3A_33] : memref<10000xi32, #tpu.memory_space<vmem>> -> memref<80xi32, #tpu.memory_space<vmem>>
    %dma_start3A_35 = arith.constant 0 : i32
    %dma_start3A_36 = arith.constant 0 : i32
    %dma_start3A_37 = tpu.memref_slice %arg2[%dma_start3A_27, %dma_start3A_35, %dma_start3A_36] : memref<2x10000x128xf32, #tpu.memory_space<hbm>> -> memref<1x10000x128xf32, #tpu.memory_space<hbm>>
    %dma_start3A_38 = tpu.memref_squeeze %dma_start3A_37 : memref<1x10000x128xf32, #tpu.memory_space<hbm>> -> memref<10000x128xf32, #tpu.memory_space<hbm>>
    %dma_start3A_39 = arith.constant 0 : i32
    %dma_start3A_40 = arith.constant 0 : i32
    %dma_start3A_41 = tpu.memref_slice %dma_start3A_38[%dma_start3A_39, %dma_start3A_40] : memref<10000x128xf32, #tpu.memory_space<hbm>> -> memref<10000x128xf32, #tpu.memory_space<hbm>>
    tpu.enqueue_indirect_dma source(%dma_start3A_41 : memref<10000x128xf32, #tpu.memory_space<hbm>>) target(%dma_start3A_32 : memref<80x128xf32, #tpu.memory_space<vmem>>) offsets(%dma_start3A_34 : memref<80xi32, #tpu.memory_space<vmem>>) semaphore(%arg11 : memref<!tpu.dma_semaphore, #tpu.memory_space<semaphore_mem>>)
    %scan3A_42 = arith.constant 0 : i32
    %scan3A_43 = arith.constant 1 : i32
    %scan3A_44 = arith.constant 0 : i32
    %scan3A_45 = arith.constant 125 : i32
    %scan3A_46 = arith.addi %scan3A_44, %scan3A_45 : i32
    %scan3A_47 = arith.constant 1 : i32
    scf.for %scan3A_53 = %scan3A_44 to %scan3A_46 step %scan3A_47  : i32 {
      %rem3A = arith.constant 2 : i32
      %rem3A_54 = arith.remsi %scan3A_53, %rem3A : i32
      %add3A = arith.constant 1 : i32
      %add3A_55 = arith.addi %scan3A_53, %add3A : i32
      %lt3A = arith.constant 125 : i32
      %lt3A_56 = arith.cmpi slt, %add3A_55, %lt3A : i32
      %convert_element_type3A = arith.extui %lt3A_56 : i1 to i32
      %cond3A = arith.constant 0 : i32
      %cond3A_57 = arith.cmpi ne, %convert_element_type3A, %cond3A : i32
      scf.if %cond3A_57 {
        %add3A_71 = arith.constant 1 : i32
        %add3A_72 = arith.addi %scan3A_53, %add3A_71 : i32
        %mul3A_73 = arith.constant 80 : i32
        %mul3A_74 = arith.muli %add3A_72, %mul3A_73 : i32
        %sub3A = arith.constant 1 : i32
        %sub3A_75 = arith.subi %sub3A, %rem3A_54 : i32
        %dma_start3A_76 = arith.constant 0 : i32
        %dma_start3A_77 = arith.constant 0 : i32
        %dma_start3A_78 = tpu.memref_slice %arg9[%sub3A_75, %dma_start3A_76, %dma_start3A_77] : memref<2x80x128xf32, #tpu.memory_space<vmem>> -> memref<1x80x128xf32, #tpu.memory_space<vmem>>
        %dma_start3A_79 = tpu.memref_squeeze %dma_start3A_78 : memref<1x80x128xf32, #tpu.memory_space<vmem>> -> memref<80x128xf32, #tpu.memory_space<vmem>>
        %dma_start3A_80 = tpu.memref_slice %arg7[%mul3A_74] : memref<10000xi32, #tpu.memory_space<vmem>> -> memref<80xi32, #tpu.memory_space<vmem>>
        %dma_start3A_81 = arith.constant 0 : i32
        %dma_start3A_82 = arith.constant 0 : i32
        %dma_start3A_83 = tpu.memref_slice %arg2[%scan3A_43, %dma_start3A_81, %dma_start3A_82] : memref<2x10000x128xf32, #tpu.memory_space<hbm>> -> memref<1x10000x128xf32, #tpu.memory_space<hbm>>
        %dma_start3A_84 = tpu.memref_squeeze %dma_start3A_83 : memref<1x10000x128xf32, #tpu.memory_space<hbm>> -> memref<10000x128xf32, #tpu.memory_space<hbm>>
        %dma_start3A_85 = arith.constant 0 : i32
        %dma_start3A_86 = arith.constant 0 : i32
        %dma_start3A_87 = tpu.memref_slice %dma_start3A_84[%dma_start3A_85, %dma_start3A_86] : memref<10000x128xf32, #tpu.memory_space<hbm>> -> memref<10000x128xf32, #tpu.memory_space<hbm>>
        tpu.enqueue_indirect_dma source(%dma_start3A_87 : memref<10000x128xf32, #tpu.memory_space<hbm>>) target(%dma_start3A_79 : memref<80x128xf32, #tpu.memory_space<vmem>>) offsets(%dma_start3A_80 : memref<80xi32, #tpu.memory_space<vmem>>) semaphore(%arg11 : memref<!tpu.dma_semaphore, #tpu.memory_space<semaphore_mem>>)
      } else {
      }
      %mul3A_58 = arith.constant 80 : i32
      %mul3A_59 = arith.muli %scan3A_53, %mul3A_58 : i32
      %dma_wait3A = arith.constant 0 : i32
      %dma_wait3A_60 = arith.constant 0 : i32
      %dma_wait3A_61 = tpu.memref_slice %arg9[%rem3A_54, %dma_wait3A, %dma_wait3A_60] : memref<2x80x128xf32, #tpu.memory_space<vmem>> -> memref<1x80x128xf32, #tpu.memory_space<vmem>>
      %dma_wait3A_62 = tpu.memref_squeeze %dma_wait3A_61 : memref<1x80x128xf32, #tpu.memory_space<vmem>> -> memref<80x128xf32, #tpu.memory_space<vmem>>
      %dma_wait3A_63 = tpu.memref_slice %arg7[%mul3A_59] : memref<10000xi32, #tpu.memory_space<vmem>> -> memref<80xi32, #tpu.memory_space<vmem>>
      %dma_wait3A_64 = arith.constant 0 : i32
      %dma_wait3A_65 = arith.constant 0 : i32
      %dma_wait3A_66 = tpu.memref_slice %arg2[%scan3A_43, %dma_wait3A_64, %dma_wait3A_65] : memref<2x10000x128xf32, #tpu.memory_space<hbm>> -> memref<1x10000x128xf32, #tpu.memory_space<hbm>>
      %dma_wait3A_67 = tpu.memref_squeeze %dma_wait3A_66 : memref<1x10000x128xf32, #tpu.memory_space<hbm>> -> memref<10000x128xf32, #tpu.memory_space<hbm>>
      %dma_wait3A_68 = arith.constant 0 : i32
      %dma_wait3A_69 = arith.constant 0 : i32
      %dma_wait3A_70 = tpu.memref_slice %dma_wait3A_67[%dma_wait3A_68, %dma_wait3A_69] : memref<10000x128xf32, #tpu.memory_space<hbm>> -> memref<10000x128xf32, #tpu.memory_space<hbm>>
      tpu.wait_indirect_dma semaphore(%arg11 : memref<!tpu.dma_semaphore, #tpu.memory_space<semaphore_mem>>) src(%dma_wait3A_70 : memref<10000x128xf32, #tpu.memory_space<hbm>>) dst(%dma_wait3A_62 : memref<80x128xf32, #tpu.memory_space<vmem>>)
      "tpu.region"() ({
        %run_scoped3A_71 = tpu.sem_alloc : memref<!tpu.dma_semaphore, #tpu.memory_space<semaphore_mem>>
        %dma_start3A_72 = arith.constant 0 : i32
        %dma_start3A_73 = arith.constant 0 : i32
        %dma_start3A_74 = tpu.memref_slice %arg9[%rem3A_54, %dma_start3A_72, %dma_start3A_73] : memref<2x80x128xf32, #tpu.memory_space<vmem>> -> memref<1x80x128xf32, #tpu.memory_space<vmem>>
        %dma_start3A_75 = tpu.memref_squeeze %dma_start3A_74 : memref<1x80x128xf32, #tpu.memory_space<vmem>> -> memref<80x128xf32, #tpu.memory_space<vmem>>
        %dma_start3A_76 = arith.constant 0 : i32
        %dma_start3A_77 = tpu.memref_slice %arg8[%scan3A_53, %dma_start3A_76] : memref<125x80xi32, #tpu.memory_space<vmem>> -> memref<1x80xi32, #tpu.memory_space<vmem>>
        %dma_start3A_78 = tpu.memref_squeeze %dma_start3A_77 : memref<1x80xi32, #tpu.memory_space<vmem>> -> memref<80xi32, #tpu.memory_space<vmem>>
        %dma_start3A_79 = arith.constant 0 : i32
        %dma_start3A_80 = arith.constant 0 : i32
        %dma_start3A_81 = tpu.memref_slice %arg10[%dma_start3A_79, %dma_start3A_80] : memref<10240x128xf32, #tpu.memory_space<vmem_shared>> -> memref<10240x128xf32, #tpu.memory_space<vmem_shared>>
        tpu.enqueue_indirect_dma source(%dma_start3A_75 : memref<80x128xf32, #tpu.memory_space<vmem>>) target(%dma_start3A_81 : memref<10240x128xf32, #tpu.memory_space<vmem_shared>>) offsets(%dma_start3A_78 : memref<80xi32, #tpu.memory_space<vmem>>) semaphore(%run_scoped3A_71 : memref<!tpu.dma_semaphore, #tpu.memory_space<semaphore_mem>>) {add = true}
        %dma_wait3A_82 = arith.constant 0 : i32
        %dma_wait3A_83 = arith.constant 0 : i32
        %dma_wait3A_84 = tpu.memref_slice %arg9[%rem3A_54, %dma_wait3A_82, %dma_wait3A_83] : memref<2x80x128xf32, #tpu.memory_space<vmem>> -> memref<1x80x128xf32, #tpu.memory_space<vmem>>
        %dma_wait3A_85 = tpu.memref_squeeze %dma_wait3A_84 : memref<1x80x128xf32, #tpu.memory_space<vmem>> -> memref<80x128xf32, #tpu.memory_space<vmem>>
        %dma_wait3A_86 = arith.constant 0 : i32
        %dma_wait3A_87 = tpu.memref_slice %arg8[%scan3A_53, %dma_wait3A_86] : memref<125x80xi32, #tpu.memory_space<vmem>> -> memref<1x80xi32, #tpu.memory_space<vmem>>
        %dma_wait3A_88 = tpu.memref_squeeze %dma_wait3A_87 : memref<1x80xi32, #tpu.memory_space<vmem>> -> memref<80xi32, #tpu.memory_space<vmem>>
        %dma_wait3A_89 = arith.constant 0 : i32
        %dma_wait3A_90 = arith.constant 0 : i32
        %dma_wait3A_91 = tpu.memref_slice %arg10[%dma_wait3A_89, %dma_wait3A_90] : memref<10240x128xf32, #tpu.memory_space<vmem_shared>> -> memref<10240x128xf32, #tpu.memory_space<vmem_shared>>
        tpu.wait_indirect_dma semaphore(%run_scoped3A_71 : memref<!tpu.dma_semaphore, #tpu.memory_space<semaphore_mem>>) src(%dma_wait3A_85 : memref<80x128xf32, #tpu.memory_space<vmem>>) dst(%dma_wait3A_91 : memref<10240x128xf32, #tpu.memory_space<vmem_shared>>)
        tpu.yield
      }) : () -> ()
    }
    %scan3A_48 = arith.constant 125 : i32
    %barrier3A_49 = arith.constant 0 : index
    tpu.barrier barrier_id(%barrier3A_49)
    %mul3A_50 = arith.constant 640 : i32
    %mul3A_51 = arith.muli %arg1, %mul3A_50 : i32
    %run_scoped3A_52 = arith.constant 1 : i32
    "tpu.region"() ({
      %run_scoped3A_53 = tpu.sem_alloc : memref<!tpu.dma_semaphore, #tpu.memory_space<semaphore_mem>>
      %dma_start3A_54 = arith.constant 0 : i32
      %dma_start3A_55 = tpu.memref_slice %arg6[%arg0, %run_scoped3A_52, %mul3A_51, %dma_start3A_54] : memref<2x2x10240x128xf32, #tpu.memory_space<hbm>> -> memref<1x1x640x128xf32, #tpu.memory_space<hbm>>
      %dma_start3A_56 = tpu.memref_squeeze %dma_start3A_55 : memref<1x1x640x128xf32, #tpu.memory_space<hbm>> -> memref<640x128xf32, #tpu.memory_space<hbm>>
      %dma_start3A_57 = arith.constant 0 : i32
      %dma_start3A_58 = tpu.memref_slice %arg10[%mul3A_51, %dma_start3A_57] : memref<10240x128xf32, #tpu.memory_space<vmem_shared>> -> memref<640x128xf32, #tpu.memory_space<vmem_shared>>
      tpu.enqueue_dma source(%dma_start3A_58 : memref<640x128xf32, #tpu.memory_space<vmem_shared>>) target(%dma_start3A_56 : memref<640x128xf32, #tpu.memory_space<hbm>>) target_semaphore(%run_scoped3A_53 : memref<!tpu.dma_semaphore, #tpu.memory_space<semaphore_mem>>)
      %dma_wait3A = arith.constant 0 : i32
      %dma_wait3A_59 = tpu.memref_slice %arg6[%arg0, %run_scoped3A_52, %mul3A_51, %dma_wait3A] : memref<2x2x10240x128xf32, #tpu.memory_space<hbm>> -> memref<1x1x640x128xf32, #tpu.memory_space<hbm>>
      %dma_wait3A_60 = tpu.memref_squeeze %dma_wait3A_59 : memref<1x1x640x128xf32, #tpu.memory_space<hbm>> -> memref<640x128xf32, #tpu.memory_space<hbm>>
      %dma_wait3A_61 = arith.constant 0 : i32
      %dma_wait3A_62 = tpu.memref_slice %arg10[%mul3A_51, %dma_wait3A_61] : memref<10240x128xf32, #tpu.memory_space<vmem_shared>> -> memref<640x128xf32, #tpu.memory_space<vmem_shared>>
      tpu.wait_dma2 semaphore(%run_scoped3A_53 : memref<!tpu.dma_semaphore, #tpu.memory_space<semaphore_mem>>) src(%dma_wait3A_62 : memref<640x128xf32, #tpu.memory_space<vmem_shared>>) dst(%dma_wait3A_60 : memref<640x128xf32, #tpu.memory_space<hbm>>)
      tpu.yield
    }) : () -> ()
    return
  }
}

#map = affine_map<(d0, d1) -> (0, 0, 0)>
#map1 = affine_map<(d0, d1) -> (0, 0, 0, 0)>
#map2 = affine_map<(d0, d1) -> (0, 0)>
module attributes {stable_mosaic.version = 14 : i64} {
  func.func @k(%arg0: i32, %arg1: i32, %arg2: memref<1x10000x128xf32, #tpu.memory_space<hbm>>, %arg3: memref<2x16x10000xi32, #tpu.memory_space<hbm>>, %arg4: memref<2x16x125x80xi32, #tpu.memory_space<hbm>>, %arg5: memref<640x128xf32, #tpu.memory_space<hbm>>, %arg6: memref<2x1x10240x128xf32, #tpu.memory_space<hbm>>, %arg7: memref<10000xi32, #tpu.memory_space<vmem>>, %arg8: memref<125x80xi32, #tpu.memory_space<vmem>>, %arg9: memref<2x80x128xf32, #tpu.memory_space<vmem>>, %arg10: memref<10240x128xf32, #tpu.memory_space<vmem_shared>>, %arg11: memref<!tpu.dma_semaphore, #tpu.memory_space<semaphore_mem>>) attributes {dimension_semantics = [#tpu.dimension_semantics<core_parallel>, #tpu.dimension_semantics<subcore_parallel>], iteration_bounds = array<i64: 2, 16>, scalar_prefetch = 0 : i64, scratch_operands = 5 : i64, tpu.core_type = #tpu.core_type<sc_vector_subcore>, window_params = [{transform_indices = #map}, {transform_indices = #map}, {transform_indices = #map1}, {transform_indices = #map2}, {transform_indices = #map1}]} {
    "tpu.region"() ({
      %run_scoped3A_24 = tpu.sem_alloc : memref<!tpu.dma_semaphore, #tpu.memory_space<semaphore_mem>>
      %dma_start3A_25 = arith.constant 0 : i32
      %dma_start3A_26 = tpu.memref_slice %arg3[%arg0, %arg1, %dma_start3A_25] : memref<2x16x10000xi32, #tpu.memory_space<hbm>> -> memref<1x1x10000xi32, #tpu.memory_space<hbm>>
      %dma_start3A_27 = tpu.memref_squeeze %dma_start3A_26 : memref<1x1x10000xi32, #tpu.memory_space<hbm>> -> memref<10000xi32, #tpu.memory_space<hbm>>
      %dma_start3A_28 = arith.constant 0 : i32
      %dma_start3A_29 = tpu.memref_slice %arg3[%arg0, %arg1, %dma_start3A_28] : memref<2x16x10000xi32, #tpu.memory_space<hbm>> -> memref<1x1x10000xi32, #tpu.memory_space<hbm>>
      %dma_start3A_30 = tpu.memref_squeeze %dma_start3A_29 : memref<1x1x10000xi32, #tpu.memory_space<hbm>> -> memref<10000xi32, #tpu.memory_space<hbm>>
      tpu.enqueue_dma source(%dma_start3A_30 : memref<10000xi32, #tpu.memory_space<hbm>>) target(%arg7 : memref<10000xi32, #tpu.memory_space<vmem>>) target_semaphore(%run_scoped3A_24 : memref<!tpu.dma_semaphore, #tpu.memory_space<semaphore_mem>>)
      %dma_wait3A = arith.constant 0 : i32
      %dma_wait3A_31 = tpu.memref_slice %arg3[%arg0, %arg1, %dma_wait3A] : memref<2x16x10000xi32, #tpu.memory_space<hbm>> -> memref<1x1x10000xi32, #tpu.memory_space<hbm>>
      %dma_wait3A_32 = tpu.memref_squeeze %dma_wait3A_31 : memref<1x1x10000xi32, #tpu.memory_space<hbm>> -> memref<10000xi32, #tpu.memory_space<hbm>>
      %dma_wait3A_33 = arith.constant 0 : i32
      %dma_wait3A_34 = tpu.memref_slice %arg3[%arg0, %arg1, %dma_wait3A_33] : memref<2x16x10000xi32, #tpu.memory_space<hbm>> -> memref<1x1x10000xi32, #tpu.memory_space<hbm>>
      %dma_wait3A_35 = tpu.memref_squeeze %dma_wait3A_34 : memref<1x1x10000xi32, #tpu.memory_space<hbm>> -> memref<10000xi32, #tpu.memory_space<hbm>>
      tpu.wait_dma2 semaphore(%run_scoped3A_24 : memref<!tpu.dma_semaphore, #tpu.memory_space<semaphore_mem>>) src(%dma_wait3A_35 : memref<10000xi32, #tpu.memory_space<hbm>>) dst(%arg7 : memref<10000xi32, #tpu.memory_space<vmem>>)
      tpu.yield
    }) : () -> ()
    "tpu.region"() ({
      %run_scoped3A_24 = tpu.sem_alloc : memref<!tpu.dma_semaphore, #tpu.memory_space<semaphore_mem>>
      %dma_start3A_25 = arith.constant 0 : i32
      %dma_start3A_26 = arith.constant 0 : i32
      %dma_start3A_27 = tpu.memref_slice %arg4[%arg0, %arg1, %dma_start3A_25, %dma_start3A_26] : memref<2x16x125x80xi32, #tpu.memory_space<hbm>> -> memref<1x1x125x80xi32, #tpu.memory_space<hbm>>
      %dma_start3A_28 = tpu.memref_squeeze %dma_start3A_27 : memref<1x1x125x80xi32, #tpu.memory_space<hbm>> -> memref<125x80xi32, #tpu.memory_space<hbm>>
      %dma_start3A_29 = arith.constant 0 : i32
      %dma_start3A_30 = arith.constant 0 : i32
      %dma_start3A_31 = tpu.memref_slice %arg4[%arg0, %arg1, %dma_start3A_29, %dma_start3A_30] : memref<2x16x125x80xi32, #tpu.memory_space<hbm>> -> memref<1x1x125x80xi32, #tpu.memory_space<hbm>>
      %dma_start3A_32 = tpu.memref_squeeze %dma_start3A_31 : memref<1x1x125x80xi32, #tpu.memory_space<hbm>> -> memref<125x80xi32, #tpu.memory_space<hbm>>
      tpu.enqueue_dma source(%dma_start3A_32 : memref<125x80xi32, #tpu.memory_space<hbm>>) target(%arg8 : memref<125x80xi32, #tpu.memory_space<vmem>>) target_semaphore(%run_scoped3A_24 : memref<!tpu.dma_semaphore, #tpu.memory_space<semaphore_mem>>)
      %dma_wait3A = arith.constant 0 : i32
      %dma_wait3A_33 = arith.constant 0 : i32
      %dma_wait3A_34 = tpu.memref_slice %arg4[%arg0, %arg1, %dma_wait3A, %dma_wait3A_33] : memref<2x16x125x80xi32, #tpu.memory_space<hbm>> -> memref<1x1x125x80xi32, #tpu.memory_space<hbm>>
      %dma_wait3A_35 = tpu.memref_squeeze %dma_wait3A_34 : memref<1x1x125x80xi32, #tpu.memory_space<hbm>> -> memref<125x80xi32, #tpu.memory_space<hbm>>
      %dma_wait3A_36 = arith.constant 0 : i32
      %dma_wait3A_37 = arith.constant 0 : i32
      %dma_wait3A_38 = tpu.memref_slice %arg4[%arg0, %arg1, %dma_wait3A_36, %dma_wait3A_37] : memref<2x16x125x80xi32, #tpu.memory_space<hbm>> -> memref<1x1x125x80xi32, #tpu.memory_space<hbm>>
      %dma_wait3A_39 = tpu.memref_squeeze %dma_wait3A_38 : memref<1x1x125x80xi32, #tpu.memory_space<hbm>> -> memref<125x80xi32, #tpu.memory_space<hbm>>
      tpu.wait_dma2 semaphore(%run_scoped3A_24 : memref<!tpu.dma_semaphore, #tpu.memory_space<semaphore_mem>>) src(%dma_wait3A_39 : memref<125x80xi32, #tpu.memory_space<hbm>>) dst(%arg8 : memref<125x80xi32, #tpu.memory_space<vmem>>)
      tpu.yield
    }) : () -> ()
    %mul3A = arith.constant 640 : i32
    %mul3A_0 = arith.muli %arg1, %mul3A : i32
    "tpu.region"() ({
      %run_scoped3A_24 = tpu.sem_alloc : memref<!tpu.dma_semaphore, #tpu.memory_space<semaphore_mem>>
      %dma_start3A_25 = arith.constant 0 : i32
      %dma_start3A_26 = tpu.memref_slice %arg10[%mul3A_0, %dma_start3A_25] : memref<10240x128xf32, #tpu.memory_space<vmem_shared>> -> memref<640x128xf32, #tpu.memory_space<vmem_shared>>
      tpu.enqueue_dma source(%arg5 : memref<640x128xf32, #tpu.memory_space<hbm>>) target(%dma_start3A_26 : memref<640x128xf32, #tpu.memory_space<vmem_shared>>) target_semaphore(%run_scoped3A_24 : memref<!tpu.dma_semaphore, #tpu.memory_space<semaphore_mem>>)
      %dma_wait3A = arith.constant 0 : i32
      %dma_wait3A_27 = tpu.memref_slice %arg10[%mul3A_0, %dma_wait3A] : memref<10240x128xf32, #tpu.memory_space<vmem_shared>> -> memref<640x128xf32, #tpu.memory_space<vmem_shared>>
      tpu.wait_dma2 semaphore(%run_scoped3A_24 : memref<!tpu.dma_semaphore, #tpu.memory_space<semaphore_mem>>) src(%arg5 : memref<640x128xf32, #tpu.memory_space<hbm>>) dst(%dma_wait3A_27 : memref<640x128xf32, #tpu.memory_space<vmem_shared>>)
      tpu.yield
    }) : () -> ()
    %barrier3A = arith.constant 0 : index
    tpu.barrier barrier_id(%barrier3A)
    %dma_start3A = arith.constant 0 : i32
    %dma_start3A_1 = arith.constant 0 : i32
    %dma_start3A_2 = arith.constant 0 : i32
    %dma_start3A_3 = arith.constant 0 : i32
    %dma_start3A_4 = tpu.memref_slice %arg9[%dma_start3A_1, %dma_start3A_2, %dma_start3A_3] : memref<2x80x128xf32, #tpu.memory_space<vmem>> -> memref<1x80x128xf32, #tpu.memory_space<vmem>>
    %dma_start3A_5 = tpu.memref_squeeze %dma_start3A_4 : memref<1x80x128xf32, #tpu.memory_space<vmem>> -> memref<80x128xf32, #tpu.memory_space<vmem>>
    %dma_start3A_6 = arith.constant 0 : i32
    %dma_start3A_7 = tpu.memref_slice %arg7[%dma_start3A_6] : memref<10000xi32, #tpu.memory_space<vmem>> -> memref<80xi32, #tpu.memory_space<vmem>>
    %dma_start3A_8 = arith.constant 0 : i32
    %dma_start3A_9 = arith.constant 0 : i32
    %dma_start3A_10 = tpu.memref_slice %arg2[%dma_start3A, %dma_start3A_8, %dma_start3A_9] : memref<1x10000x128xf32, #tpu.memory_space<hbm>> -> memref<1x10000x128xf32, #tpu.memory_space<hbm>>
    %dma_start3A_11 = tpu.memref_squeeze %dma_start3A_10 : memref<1x10000x128xf32, #tpu.memory_space<hbm>> -> memref<10000x128xf32, #tpu.memory_space<hbm>>
    %dma_start3A_12 = arith.constant 0 : i32
    %dma_start3A_13 = arith.constant 0 : i32
    %dma_start3A_14 = tpu.memref_slice %dma_start3A_11[%dma_start3A_12, %dma_start3A_13] : memref<10000x128xf32, #tpu.memory_space<hbm>> -> memref<10000x128xf32, #tpu.memory_space<hbm>>
    tpu.enqueue_indirect_dma source(%dma_start3A_14 : memref<10000x128xf32, #tpu.memory_space<hbm>>) target(%dma_start3A_5 : memref<80x128xf32, #tpu.memory_space<vmem>>) offsets(%dma_start3A_7 : memref<80xi32, #tpu.memory_space<vmem>>) semaphore(%arg11 : memref<!tpu.dma_semaphore, #tpu.memory_space<semaphore_mem>>)
    %scan3A = arith.constant 0 : i32
    %scan3A_15 = arith.constant 0 : i32
    %scan3A_16 = arith.constant 0 : i32
    %scan3A_17 = arith.constant 125 : i32
    %scan3A_18 = arith.addi %scan3A_16, %scan3A_17 : i32
    %scan3A_19 = arith.constant 1 : i32
    scf.for %scan3A_24 = %scan3A_16 to %scan3A_18 step %scan3A_19  : i32 {
      %rem3A = arith.constant 2 : i32
      %rem3A_25 = arith.remsi %scan3A_24, %rem3A : i32
      %add3A = arith.constant 1 : i32
      %add3A_26 = arith.addi %scan3A_24, %add3A : i32
      %lt3A = arith.constant 125 : i32
      %lt3A_27 = arith.cmpi slt, %add3A_26, %lt3A : i32
      %convert_element_type3A = arith.extui %lt3A_27 : i1 to i32
      %cond3A = arith.constant 0 : i32
      %cond3A_28 = arith.cmpi ne, %convert_element_type3A, %cond3A : i32
      scf.if %cond3A_28 {
        %add3A_42 = arith.constant 1 : i32
        %add3A_43 = arith.addi %scan3A_24, %add3A_42 : i32
        %mul3A_44 = arith.constant 80 : i32
        %mul3A_45 = arith.muli %add3A_43, %mul3A_44 : i32
        %sub3A = arith.constant 1 : i32
        %sub3A_46 = arith.subi %sub3A, %rem3A_25 : i32
        %dma_start3A_47 = arith.constant 0 : i32
        %dma_start3A_48 = arith.constant 0 : i32
        %dma_start3A_49 = tpu.memref_slice %arg9[%sub3A_46, %dma_start3A_47, %dma_start3A_48] : memref<2x80x128xf32, #tpu.memory_space<vmem>> -> memref<1x80x128xf32, #tpu.memory_space<vmem>>
        %dma_start3A_50 = tpu.memref_squeeze %dma_start3A_49 : memref<1x80x128xf32, #tpu.memory_space<vmem>> -> memref<80x128xf32, #tpu.memory_space<vmem>>
        %dma_start3A_51 = tpu.memref_slice %arg7[%mul3A_45] : memref<10000xi32, #tpu.memory_space<vmem>> -> memref<80xi32, #tpu.memory_space<vmem>>
        %dma_start3A_52 = arith.constant 0 : i32
        %dma_start3A_53 = arith.constant 0 : i32
        %dma_start3A_54 = tpu.memref_slice %arg2[%scan3A_15, %dma_start3A_52, %dma_start3A_53] : memref<1x10000x128xf32, #tpu.memory_space<hbm>> -> memref<1x10000x128xf32, #tpu.memory_space<hbm>>
        %dma_start3A_55 = tpu.memref_squeeze %dma_start3A_54 : memref<1x10000x128xf32, #tpu.memory_space<hbm>> -> memref<10000x128xf32, #tpu.memory_space<hbm>>
        %dma_start3A_56 = arith.constant 0 : i32
        %dma_start3A_57 = arith.constant 0 : i32
        %dma_start3A_58 = tpu.memref_slice %dma_start3A_55[%dma_start3A_56, %dma_start3A_57] : memref<10000x128xf32, #tpu.memory_space<hbm>> -> memref<10000x128xf32, #tpu.memory_space<hbm>>
        tpu.enqueue_indirect_dma source(%dma_start3A_58 : memref<10000x128xf32, #tpu.memory_space<hbm>>) target(%dma_start3A_50 : memref<80x128xf32, #tpu.memory_space<vmem>>) offsets(%dma_start3A_51 : memref<80xi32, #tpu.memory_space<vmem>>) semaphore(%arg11 : memref<!tpu.dma_semaphore, #tpu.memory_space<semaphore_mem>>)
      } else {
      }
      %mul3A_29 = arith.constant 80 : i32
      %mul3A_30 = arith.muli %scan3A_24, %mul3A_29 : i32
      %dma_wait3A = arith.constant 0 : i32
      %dma_wait3A_31 = arith.constant 0 : i32
      %dma_wait3A_32 = tpu.memref_slice %arg9[%rem3A_25, %dma_wait3A, %dma_wait3A_31] : memref<2x80x128xf32, #tpu.memory_space<vmem>> -> memref<1x80x128xf32, #tpu.memory_space<vmem>>
      %dma_wait3A_33 = tpu.memref_squeeze %dma_wait3A_32 : memref<1x80x128xf32, #tpu.memory_space<vmem>> -> memref<80x128xf32, #tpu.memory_space<vmem>>
      %dma_wait3A_34 = tpu.memref_slice %arg7[%mul3A_30] : memref<10000xi32, #tpu.memory_space<vmem>> -> memref<80xi32, #tpu.memory_space<vmem>>
      %dma_wait3A_35 = arith.constant 0 : i32
      %dma_wait3A_36 = arith.constant 0 : i32
      %dma_wait3A_37 = tpu.memref_slice %arg2[%scan3A_15, %dma_wait3A_35, %dma_wait3A_36] : memref<1x10000x128xf32, #tpu.memory_space<hbm>> -> memref<1x10000x128xf32, #tpu.memory_space<hbm>>
      %dma_wait3A_38 = tpu.memref_squeeze %dma_wait3A_37 : memref<1x10000x128xf32, #tpu.memory_space<hbm>> -> memref<10000x128xf32, #tpu.memory_space<hbm>>
      %dma_wait3A_39 = arith.constant 0 : i32
      %dma_wait3A_40 = arith.constant 0 : i32
      %dma_wait3A_41 = tpu.memref_slice %dma_wait3A_38[%dma_wait3A_39, %dma_wait3A_40] : memref<10000x128xf32, #tpu.memory_space<hbm>> -> memref<10000x128xf32, #tpu.memory_space<hbm>>
      tpu.wait_indirect_dma semaphore(%arg11 : memref<!tpu.dma_semaphore, #tpu.memory_space<semaphore_mem>>) src(%dma_wait3A_41 : memref<10000x128xf32, #tpu.memory_space<hbm>>) dst(%dma_wait3A_33 : memref<80x128xf32, #tpu.memory_space<vmem>>)
      "tpu.region"() ({
        %run_scoped3A_42 = tpu.sem_alloc : memref<!tpu.dma_semaphore, #tpu.memory_space<semaphore_mem>>
        %dma_start3A_43 = arith.constant 0 : i32
        %dma_start3A_44 = arith.constant 0 : i32
        %dma_start3A_45 = tpu.memref_slice %arg9[%rem3A_25, %dma_start3A_43, %dma_start3A_44] : memref<2x80x128xf32, #tpu.memory_space<vmem>> -> memref<1x80x128xf32, #tpu.memory_space<vmem>>
        %dma_start3A_46 = tpu.memref_squeeze %dma_start3A_45 : memref<1x80x128xf32, #tpu.memory_space<vmem>> -> memref<80x128xf32, #tpu.memory_space<vmem>>
        %dma_start3A_47 = arith.constant 0 : i32
        %dma_start3A_48 = tpu.memref_slice %arg8[%scan3A_24, %dma_start3A_47] : memref<125x80xi32, #tpu.memory_space<vmem>> -> memref<1x80xi32, #tpu.memory_space<vmem>>
        %dma_start3A_49 = tpu.memref_squeeze %dma_start3A_48 : memref<1x80xi32, #tpu.memory_space<vmem>> -> memref<80xi32, #tpu.memory_space<vmem>>
        %dma_start3A_50 = arith.constant 0 : i32
        %dma_start3A_51 = arith.constant 0 : i32
        %dma_start3A_52 = tpu.memref_slice %arg10[%dma_start3A_50, %dma_start3A_51] : memref<10240x128xf32, #tpu.memory_space<vmem_shared>> -> memref<10240x128xf32, #tpu.memory_space<vmem_shared>>
        tpu.enqueue_indirect_dma source(%dma_start3A_46 : memref<80x128xf32, #tpu.memory_space<vmem>>) target(%dma_start3A_52 : memref<10240x128xf32, #tpu.memory_space<vmem_shared>>) offsets(%dma_start3A_49 : memref<80xi32, #tpu.memory_space<vmem>>) semaphore(%run_scoped3A_42 : memref<!tpu.dma_semaphore, #tpu.memory_space<semaphore_mem>>) {add = true}
        %dma_wait3A_53 = arith.constant 0 : i32
        %dma_wait3A_54 = arith.constant 0 : i32
        %dma_wait3A_55 = tpu.memref_slice %arg9[%rem3A_25, %dma_wait3A_53, %dma_wait3A_54] : memref<2x80x128xf32, #tpu.memory_space<vmem>> -> memref<1x80x128xf32, #tpu.memory_space<vmem>>
        %dma_wait3A_56 = tpu.memref_squeeze %dma_wait3A_55 : memref<1x80x128xf32, #tpu.memory_space<vmem>> -> memref<80x128xf32, #tpu.memory_space<vmem>>
        %dma_wait3A_57 = arith.constant 0 : i32
        %dma_wait3A_58 = tpu.memref_slice %arg8[%scan3A_24, %dma_wait3A_57] : memref<125x80xi32, #tpu.memory_space<vmem>> -> memref<1x80xi32, #tpu.memory_space<vmem>>
        %dma_wait3A_59 = tpu.memref_squeeze %dma_wait3A_58 : memref<1x80xi32, #tpu.memory_space<vmem>> -> memref<80xi32, #tpu.memory_space<vmem>>
        %dma_wait3A_60 = arith.constant 0 : i32
        %dma_wait3A_61 = arith.constant 0 : i32
        %dma_wait3A_62 = tpu.memref_slice %arg10[%dma_wait3A_60, %dma_wait3A_61] : memref<10240x128xf32, #tpu.memory_space<vmem_shared>> -> memref<10240x128xf32, #tpu.memory_space<vmem_shared>>
        tpu.wait_indirect_dma semaphore(%run_scoped3A_42 : memref<!tpu.dma_semaphore, #tpu.memory_space<semaphore_mem>>) src(%dma_wait3A_56 : memref<80x128xf32, #tpu.memory_space<vmem>>) dst(%dma_wait3A_62 : memref<10240x128xf32, #tpu.memory_space<vmem_shared>>)
        tpu.yield
      }) : () -> ()
    }
    %scan3A_20 = arith.constant 125 : i32
    %barrier3A_21 = arith.constant 0 : index
    tpu.barrier barrier_id(%barrier3A_21)
    %mul3A_22 = arith.constant 640 : i32
    %mul3A_23 = arith.muli %arg1, %mul3A_22 : i32
    %run_scoped3A = arith.constant 0 : i32
    "tpu.region"() ({
      %run_scoped3A_24 = tpu.sem_alloc : memref<!tpu.dma_semaphore, #tpu.memory_space<semaphore_mem>>
      %dma_start3A_25 = arith.constant 0 : i32
      %dma_start3A_26 = tpu.memref_slice %arg6[%arg0, %run_scoped3A, %mul3A_23, %dma_start3A_25] : memref<2x1x10240x128xf32, #tpu.memory_space<hbm>> -> memref<1x1x640x128xf32, #tpu.memory_space<hbm>>
      %dma_start3A_27 = tpu.memref_squeeze %dma_start3A_26 : memref<1x1x640x128xf32, #tpu.memory_space<hbm>> -> memref<640x128xf32, #tpu.memory_space<hbm>>
      %dma_start3A_28 = arith.constant 0 : i32
      %dma_start3A_29 = tpu.memref_slice %arg10[%mul3A_23, %dma_start3A_28] : memref<10240x128xf32, #tpu.memory_space<vmem_shared>> -> memref<640x128xf32, #tpu.memory_space<vmem_shared>>
      tpu.enqueue_dma source(%dma_start3A_29 : memref<640x128xf32, #tpu.memory_space<vmem_shared>>) target(%dma_start3A_27 : memref<640x128xf32, #tpu.memory_space<hbm>>) target_semaphore(%run_scoped3A_24 : memref<!tpu.dma_semaphore, #tpu.memory_space<semaphore_mem>>)
      %dma_wait3A = arith.constant 0 : i32
      %dma_wait3A_30 = tpu.memref_slice %arg6[%arg0, %run_scoped3A, %mul3A_23, %dma_wait3A] : memref<2x1x10240x128xf32, #tpu.memory_space<hbm>> -> memref<1x1x640x128xf32, #tpu.memory_space<hbm>>
      %dma_wait3A_31 = tpu.memref_squeeze %dma_wait3A_30 : memref<1x1x640x128xf32, #tpu.memory_space<hbm>> -> memref<640x128xf32, #tpu.memory_space<hbm>>
      %dma_wait3A_32 = arith.constant 0 : i32
      %dma_wait3A_33 = tpu.memref_slice %arg10[%mul3A_23, %dma_wait3A_32] : memref<10240x128xf32, #tpu.memory_space<vmem_shared>> -> memref<640x128xf32, #tpu.memory_space<vmem_shared>>
      tpu.wait_dma2 semaphore(%run_scoped3A_24 : memref<!tpu.dma_semaphore, #tpu.memory_space<semaphore_mem>>) src(%dma_wait3A_33 : memref<640x128xf32, #tpu.memory_space<vmem_shared>>) dst(%dma_wait3A_31 : memref<640x128xf32, #tpu.memory_space<hbm>>)
      tpu.yield
    }) : () -> ()
    return
  }
}

module attributes {stable_mosaic.version = 14 : i64} {
  func.func @body(%arg0: i32, %arg1: memref<400x128xf32, #tpu.memory_space<vmem>>, %arg2: memref<128x512xf32, #tpu.memory_space<vmem>>, %arg3: memref<2x400x128xf32, #tpu.memory_space<vmem>>, %arg4: memref<4x400x128xf32, #tpu.memory_space<vmem>>, %arg5: memref<400x1xf32, #tpu.memory_space<vmem>>) attributes {dimension_semantics = [#tpu.dimension_semantics<arbitrary>], iteration_bounds = array<i64: 25>, scalar_prefetch = 0 : i64, scratch_operands = 0 : i64, tpu.core_type = #tpu.core_type<tc>, window_params = [{transform_indices = @transform_0, window_bounds = array<i64: 400, 128>}, {pipeline_mode = #tpu.pipeline_mode<synchronous>, transform_indices = @transform_1, window_bounds = array<i64: 128, 512>}, {transform_indices = @transform_2, window_bounds = array<i64: 2, 400, 128>}, {transform_indices = @transform_3, window_bounds = array<i64: 4, 400, 128>}, {transform_indices = @transform_4, window_bounds = array<i64: 400, 1>}]} {
    %get3A = arith.constant 0 : index
    %get3A_0 = arith.constant 0 : index
    %get3A_1 = arith.constant 0 : index
    %get3A_2 = vector.load %arg3[%get3A, %get3A_0, %get3A_1] : memref<2x400x128xf32, #tpu.memory_space<vmem>>, vector<1x400x1xf32>
    %get3A_3 = vector.shape_cast %get3A_2 : vector<1x400x1xf32> to vector<400x1xf32>
    %get3A_4 = arith.constant 1 : index
    %get3A_5 = arith.constant 0 : index
    %get3A_6 = arith.constant 0 : index
    %get3A_7 = vector.load %arg3[%get3A_4, %get3A_5, %get3A_6] : memref<2x400x128xf32, #tpu.memory_space<vmem>>, vector<1x400x1xf32>
    %get3A_8 = vector.shape_cast %get3A_7 : vector<1x400x1xf32> to vector<400x1xf32>
    %add3A = arith.addf %get3A_3, %get3A_8 : vector<400x1xf32>
    %add3A_9 = arith.constant 1.000000e+00 : f32
    %add3A_10 = vector.broadcast %add3A_9 : f32 to vector<400x1xf32>
    %add3A_11 = arith.addf %add3A, %add3A_10 : vector<400x1xf32>
    %sqrt3A = math.sqrt %add3A_11 : vector<400x1xf32>
    %div3A = arith.constant 1.000000e+00 : f32
    %div3A_12 = vector.broadcast %div3A : f32 to vector<400x1xf32>
    %div3A_13 = arith.divf %div3A_12, %sqrt3A : vector<400x1xf32>
    %swap3A = arith.constant 0 : index
    %swap3A_14 = arith.constant 0 : index
    %swap3A_15 = vector.load %arg5[%swap3A, %swap3A_14] : memref<400x1xf32, #tpu.memory_space<vmem>>, vector<400x1xf32>
    tpu.vector_store %arg5[%swap3A, %swap3A_14], %div3A_13 {strides = array<i32>} : memref<400x1xf32, #tpu.memory_space<vmem>>, vector<400x1xf32>,
    %get3A_16 = arith.constant 0 : index
    %get3A_17 = arith.constant 0 : index
    %get3A_18 = vector.load %arg1[%get3A_16, %get3A_17] : memref<400x128xf32, #tpu.memory_space<vmem>>, vector<400x128xf32>
    %get3A_19 = arith.constant 0 : index
    %get3A_20 = arith.constant 0 : index
    %get3A_21 = vector.load %arg2[%get3A_19, %get3A_20] : memref<128x512xf32, #tpu.memory_space<vmem>>, vector<128x128xf32>
    %dot_general3A = arith.constant dense<0.000000e+00> : vector<400x128xf32>
    %dot_general3A_22 = tpu.matmul %get3A_18, %get3A_21, %dot_general3A {dimension_numbers = #tpu.dot_dimension_numbers<[1], [0], [0], [1], [0, 0, 1, 1], [], []>, transpose_lhs_hint = false} : vector<400x128xf32>, vector<128x128xf32>, vector<400x128xf32> -> vector<400x128xf32>
    %mul3A = vector.broadcast %div3A_13 : vector<400x1xf32> to vector<400x128xf32>
    %mul3A_23 = arith.mulf %dot_general3A_22, %mul3A : vector<400x128xf32>
    %swap3A_24 = arith.constant 0 : index
    %swap3A_25 = arith.constant 0 : index
    %swap3A_26 = arith.constant 0 : index
    %swap3A_27 = vector.load %arg4[%swap3A_24, %swap3A_25, %swap3A_26] : memref<4x400x128xf32, #tpu.memory_space<vmem>>, vector<1x400x128xf32>
    %swap3A_28 = vector.shape_cast %swap3A_27 : vector<1x400x128xf32> to vector<400x128xf32>
    %swap3A_29 = vector.shape_cast %mul3A_23 : vector<400x128xf32> to vector<1x400x128xf32>
    tpu.vector_store %arg4[%swap3A_24, %swap3A_25, %swap3A_26], %swap3A_29 {strides = array<i32>} : memref<4x400x128xf32, #tpu.memory_space<vmem>>, vector<1x400x128xf32>,
    %get3A_30 = arith.constant 0 : index
    %get3A_31 = arith.constant 128 : index
    %get3A_32 = vector.load %arg2[%get3A_30, %get3A_31] : memref<128x512xf32, #tpu.memory_space<vmem>>, vector<128x128xf32>
    %dot_general3A_33 = arith.constant dense<0.000000e+00> : vector<400x128xf32>
    %dot_general3A_34 = tpu.matmul %get3A_18, %get3A_32, %dot_general3A_33 {dimension_numbers = #tpu.dot_dimension_numbers<[1], [0], [0], [1], [0, 0, 1, 1], [], []>, transpose_lhs_hint = false} : vector<400x128xf32>, vector<128x128xf32>, vector<400x128xf32> -> vector<400x128xf32>
    %mul3A_35 = vector.broadcast %div3A_13 : vector<400x1xf32> to vector<400x128xf32>
    %mul3A_36 = arith.mulf %dot_general3A_34, %mul3A_35 : vector<400x128xf32>
    %swap3A_37 = arith.constant 1 : index
    %swap3A_38 = arith.constant 0 : index
    %swap3A_39 = arith.constant 0 : index
    %swap3A_40 = vector.load %arg4[%swap3A_37, %swap3A_38, %swap3A_39] : memref<4x400x128xf32, #tpu.memory_space<vmem>>, vector<1x400x128xf32>
    %swap3A_41 = vector.shape_cast %swap3A_40 : vector<1x400x128xf32> to vector<400x128xf32>
    %swap3A_42 = vector.shape_cast %mul3A_36 : vector<400x128xf32> to vector<1x400x128xf32>
    tpu.vector_store %arg4[%swap3A_37, %swap3A_38, %swap3A_39], %swap3A_42 {strides = array<i32>} : memref<4x400x128xf32, #tpu.memory_space<vmem>>, vector<1x400x128xf32>,
    %get3A_43 = arith.constant 0 : index
    %get3A_44 = arith.constant 256 : index
    %get3A_45 = vector.load %arg2[%get3A_43, %get3A_44] : memref<128x512xf32, #tpu.memory_space<vmem>>, vector<128x128xf32>
    %dot_general3A_46 = arith.constant dense<0.000000e+00> : vector<400x128xf32>
    %dot_general3A_47 = tpu.matmul %get3A_18, %get3A_45, %dot_general3A_46 {dimension_numbers = #tpu.dot_dimension_numbers<[1], [0], [0], [1], [0, 0, 1, 1], [], []>, transpose_lhs_hint = false} : vector<400x128xf32>, vector<128x128xf32>, vector<400x128xf32> -> vector<400x128xf32>
    %mul3A_48 = vector.broadcast %div3A_13 : vector<400x1xf32> to vector<400x128xf32>
    %mul3A_49 = arith.mulf %dot_general3A_47, %mul3A_48 : vector<400x128xf32>
    %swap3A_50 = arith.constant 2 : index
    %swap3A_51 = arith.constant 0 : index
    %swap3A_52 = arith.constant 0 : index
    %swap3A_53 = vector.load %arg4[%swap3A_50, %swap3A_51, %swap3A_52] : memref<4x400x128xf32, #tpu.memory_space<vmem>>, vector<1x400x128xf32>
    %swap3A_54 = vector.shape_cast %swap3A_53 : vector<1x400x128xf32> to vector<400x128xf32>
    %swap3A_55 = vector.shape_cast %mul3A_49 : vector<400x128xf32> to vector<1x400x128xf32>
    tpu.vector_store %arg4[%swap3A_50, %swap3A_51, %swap3A_52], %swap3A_55 {strides = array<i32>} : memref<4x400x128xf32, #tpu.memory_space<vmem>>, vector<1x400x128xf32>,
    %get3A_56 = arith.constant 0 : index
    %get3A_57 = arith.constant 384 : index
    %get3A_58 = vector.load %arg2[%get3A_56, %get3A_57] : memref<128x512xf32, #tpu.memory_space<vmem>>, vector<128x128xf32>
    %dot_general3A_59 = arith.constant dense<0.000000e+00> : vector<400x128xf32>
    %dot_general3A_60 = tpu.matmul %get3A_18, %get3A_58, %dot_general3A_59 {dimension_numbers = #tpu.dot_dimension_numbers<[1], [0], [0], [1], [0, 0, 1, 1], [], []>, transpose_lhs_hint = false} : vector<400x128xf32>, vector<128x128xf32>, vector<400x128xf32> -> vector<400x128xf32>
    %mul3A_61 = vector.broadcast %div3A_13 : vector<400x1xf32> to vector<400x128xf32>
    %mul3A_62 = arith.mulf %dot_general3A_60, %mul3A_61 : vector<400x128xf32>
    %swap3A_63 = arith.constant 3 : index
    %swap3A_64 = arith.constant 0 : index
    %swap3A_65 = arith.constant 0 : index
    %swap3A_66 = vector.load %arg4[%swap3A_63, %swap3A_64, %swap3A_65] : memref<4x400x128xf32, #tpu.memory_space<vmem>>, vector<1x400x128xf32>
    %swap3A_67 = vector.shape_cast %swap3A_66 : vector<1x400x128xf32> to vector<400x128xf32>
    %swap3A_68 = vector.shape_cast %mul3A_62 : vector<400x128xf32> to vector<1x400x128xf32>
    tpu.vector_store %arg4[%swap3A_63, %swap3A_64, %swap3A_65], %swap3A_68 {strides = array<i32>} : memref<4x400x128xf32, #tpu.memory_space<vmem>>, vector<1x400x128xf32>,
    return
  }
  func.func @transform_0(%arg0: i32) -> (i32, i32) {
    %c0_i32 = arith.constant 0 : i32
    %c0_i32_0 = arith.constant 0 : i32
    return %arg0, %c0_i32 : i32, i32
  }
  func.func @transform_1(%arg0: i32) -> (i32, i32) {
    %c0_i32 = arith.constant 0 : i32
    %c0_i32_0 = arith.constant 0 : i32
    %c0_i32_1 = arith.constant 0 : i32
    return %c0_i32, %c0_i32_0 : i32, i32
  }
  func.func @transform_2(%arg0: i32) -> (i32, i32, i32) {
    %c0_i32 = arith.constant 0 : i32
    %c0_i32_0 = arith.constant 0 : i32
    %c0_i32_1 = arith.constant 0 : i32
    return %c0_i32, %arg0, %c0_i32_0 : i32, i32, i32
  }
  func.func @transform_3(%arg0: i32) -> (i32, i32, i32) {
    %c0_i32 = arith.constant 0 : i32
    %c0_i32_0 = arith.constant 0 : i32
    %c0_i32_1 = arith.constant 0 : i32
    return %c0_i32, %arg0, %c0_i32_0 : i32, i32, i32
  }
  func.func @transform_4(%arg0: i32) -> (i32, i32) {
    %c0_i32 = arith.constant 0 : i32
    %c0_i32_0 = arith.constant 0 : i32
    return %arg0, %c0_i32 : i32, i32
  }
}

module attributes {stable_mosaic.version = 14 : i64} {
  func.func @body(%arg0: i32, %arg1: memref<2x4x400x128xf32, #tpu.memory_space<vmem>>, %arg2: memref<4x400x128xf32, #tpu.memory_space<vmem>>, %arg3: memref<512x256xf32, #tpu.memory_space<vmem>>, %arg4: memref<1x512xf32, #tpu.memory_space<vmem>>, %arg5: memref<400x1xf32, #tpu.memory_space<vmem>>, %arg6: memref<2x400x128xf32, #tpu.memory_space<vmem>>) attributes {dimension_semantics = [#tpu.dimension_semantics<arbitrary>], iteration_bounds = array<i64: 25>, scalar_prefetch = 0 : i64, scratch_operands = 0 : i64, tpu.core_type = #tpu.core_type<tc>, window_params = [{transform_indices = @transform_0, window_bounds = array<i64: 2, 4, 400, 128>}, {transform_indices = @transform_1, window_bounds = array<i64: 4, 400, 128>}, {pipeline_mode = #tpu.pipeline_mode<synchronous>, transform_indices = @transform_2, window_bounds = array<i64: 512, 256>}, {pipeline_mode = #tpu.pipeline_mode<synchronous>, transform_indices = @transform_3, window_bounds = array<i64: 1, 512>}, {transform_indices = @transform_4, window_bounds = array<i64: 400, 1>}, {transform_indices = @transform_5, window_bounds = array<i64: 2, 400, 128>}]} {
    %get3A = arith.constant 0 : index
    %get3A_0 = arith.constant 0 : index
    %get3A_1 = vector.load %arg5[%get3A, %get3A_0] : memref<400x1xf32, #tpu.memory_space<vmem>>, vector<400x1xf32>
    %get3A_2 = arith.constant 0 : index
    %get3A_3 = arith.constant 0 : index
    %get3A_4 = arith.constant 0 : index
    %get3A_5 = arith.constant 0 : index
    %get3A_6 = vector.load %arg1[%get3A_2, %get3A_3, %get3A_4, %get3A_5] : memref<2x4x400x128xf32, #tpu.memory_space<vmem>>, vector<1x1x400x128xf32>
    %get3A_7 = vector.shape_cast %get3A_6 : vector<1x1x400x128xf32> to vector<400x128xf32>
    %get3A_8 = arith.constant 1 : index
    %get3A_9 = arith.constant 0 : index
    %get3A_10 = arith.constant 0 : index
    %get3A_11 = arith.constant 0 : index
    %get3A_12 = vector.load %arg1[%get3A_8, %get3A_9, %get3A_10, %get3A_11] : memref<2x4x400x128xf32, #tpu.memory_space<vmem>>, vector<1x1x400x128xf32>
    %get3A_13 = vector.shape_cast %get3A_12 : vector<1x1x400x128xf32> to vector<400x128xf32>
    %add3A = arith.addf %get3A_7, %get3A_13 : vector<400x128xf32>
    %get3A_14 = arith.constant 0 : index
    %get3A_15 = arith.constant 0 : index
    %get3A_16 = arith.constant 0 : index
    %get3A_17 = vector.load %arg2[%get3A_14, %get3A_15, %get3A_16] : memref<4x400x128xf32, #tpu.memory_space<vmem>>, vector<1x400x128xf32>
    %get3A_18 = vector.shape_cast %get3A_17 : vector<1x400x128xf32> to vector<400x128xf32>
    %add3A_19 = arith.addf %add3A, %get3A_18 : vector<400x128xf32>
    %mul3A = vector.broadcast %get3A_1 : vector<400x1xf32> to vector<400x128xf32>
    %mul3A_20 = arith.mulf %mul3A, %add3A_19 : vector<400x128xf32>
    %get3A_21 = arith.constant 0 : index
    %get3A_22 = arith.constant 0 : index
    %get3A_23 = vector.load %arg4[%get3A_21, %get3A_22] : memref<1x512xf32, #tpu.memory_space<vmem>>, vector<1x128xf32>
    %get3A_24 = vector.shape_cast %get3A_23 : vector<1x128xf32> to vector<128xf32>
    %broadcast_in_dim3A = vector.shape_cast %get3A_24 : vector<128xf32> to vector<1x128xf32>
    %add3A_25 = vector.broadcast %broadcast_in_dim3A : vector<1x128xf32> to vector<400x128xf32>
    %add3A_26 = arith.addf %mul3A_20, %add3A_25 : vector<400x128xf32>
    %jit3A = arith.constant 0.000000e+00 : f32
    %jit3A_27 = arith.constant 6.000000e+00 : f32
    %max3A = vector.broadcast %jit3A : f32 to vector<400x128xf32>
    %max3A_28 = arith.maximumf %max3A, %add3A_26 : vector<400x128xf32>
    %min3A = vector.broadcast %jit3A_27 : f32 to vector<400x128xf32>
    %min3A_29 = arith.minimumf %min3A, %max3A_28 : vector<400x128xf32>
    %get3A_30 = arith.constant 0 : index
    %get3A_31 = arith.constant 1 : index
    %get3A_32 = arith.constant 0 : index
    %get3A_33 = arith.constant 0 : index
    %get3A_34 = vector.load %arg1[%get3A_30, %get3A_31, %get3A_32, %get3A_33] : memref<2x4x400x128xf32, #tpu.memory_space<vmem>>, vector<1x1x400x128xf32>
    %get3A_35 = vector.shape_cast %get3A_34 : vector<1x1x400x128xf32> to vector<400x128xf32>
    %get3A_36 = arith.constant 1 : index
    %get3A_37 = arith.constant 1 : index
    %get3A_38 = arith.constant 0 : index
    %get3A_39 = arith.constant 0 : index
    %get3A_40 = vector.load %arg1[%get3A_36, %get3A_37, %get3A_38, %get3A_39] : memref<2x4x400x128xf32, #tpu.memory_space<vmem>>, vector<1x1x400x128xf32>
    %get3A_41 = vector.shape_cast %get3A_40 : vector<1x1x400x128xf32> to vector<400x128xf32>
    %add3A_42 = arith.addf %get3A_35, %get3A_41 : vector<400x128xf32>
    %get3A_43 = arith.constant 1 : index
    %get3A_44 = arith.constant 0 : index
    %get3A_45 = arith.constant 0 : index
    %get3A_46 = vector.load %arg2[%get3A_43, %get3A_44, %get3A_45] : memref<4x400x128xf32, #tpu.memory_space<vmem>>, vector<1x400x128xf32>
    %get3A_47 = vector.shape_cast %get3A_46 : vector<1x400x128xf32> to vector<400x128xf32>
    %add3A_48 = arith.addf %add3A_42, %get3A_47 : vector<400x128xf32>
    %mul3A_49 = vector.broadcast %get3A_1 : vector<400x1xf32> to vector<400x128xf32>
    %mul3A_50 = arith.mulf %mul3A_49, %add3A_48 : vector<400x128xf32>
    %get3A_51 = arith.constant 0 : index
    %get3A_52 = arith.constant 128 : index
    %get3A_53 = vector.load %arg4[%get3A_51, %get3A_52] : memref<1x512xf32, #tpu.memory_space<vmem>>, vector<1x128xf32>
    %get3A_54 = vector.shape_cast %get3A_53 : vector<1x128xf32> to vector<128xf32>
    %broadcast_in_dim3A_55 = vector.shape_cast %get3A_54 : vector<128xf32> to vector<1x128xf32>
    %add3A_56 = vector.broadcast %broadcast_in_dim3A_55 : vector<1x128xf32> to vector<400x128xf32>
    %add3A_57 = arith.addf %mul3A_50, %add3A_56 : vector<400x128xf32>
    %jit3A_58 = arith.constant 0.000000e+00 : f32
    %jit3A_59 = arith.constant 6.000000e+00 : f32
    %max3A_60 = vector.broadcast %jit3A_58 : f32 to vector<400x128xf32>
    %max3A_61 = arith.maximumf %max3A_60, %add3A_57 : vector<400x128xf32>
    %min3A_62 = vector.broadcast %jit3A_59 : f32 to vector<400x128xf32>
    %min3A_63 = arith.minimumf %min3A_62, %max3A_61 : vector<400x128xf32>
    %get3A_64 = arith.constant 0 : index
    %get3A_65 = arith.constant 2 : index
    %get3A_66 = arith.constant 0 : index
    %get3A_67 = arith.constant 0 : index
    %get3A_68 = vector.load %arg1[%get3A_64, %get3A_65, %get3A_66, %get3A_67] : memref<2x4x400x128xf32, #tpu.memory_space<vmem>>, vector<1x1x400x128xf32>
    %get3A_69 = vector.shape_cast %get3A_68 : vector<1x1x400x128xf32> to vector<400x128xf32>
    %get3A_70 = arith.constant 1 : index
    %get3A_71 = arith.constant 2 : index
    %get3A_72 = arith.constant 0 : index
    %get3A_73 = arith.constant 0 : index
    %get3A_74 = vector.load %arg1[%get3A_70, %get3A_71, %get3A_72, %get3A_73] : memref<2x4x400x128xf32, #tpu.memory_space<vmem>>, vector<1x1x400x128xf32>
    %get3A_75 = vector.shape_cast %get3A_74 : vector<1x1x400x128xf32> to vector<400x128xf32>
    %add3A_76 = arith.addf %get3A_69, %get3A_75 : vector<400x128xf32>
    %get3A_77 = arith.constant 2 : index
    %get3A_78 = arith.constant 0 : index
    %get3A_79 = arith.constant 0 : index
    %get3A_80 = vector.load %arg2[%get3A_77, %get3A_78, %get3A_79] : memref<4x400x128xf32, #tpu.memory_space<vmem>>, vector<1x400x128xf32>
    %get3A_81 = vector.shape_cast %get3A_80 : vector<1x400x128xf32> to vector<400x128xf32>
    %add3A_82 = arith.addf %add3A_76, %get3A_81 : vector<400x128xf32>
    %mul3A_83 = vector.broadcast %get3A_1 : vector<400x1xf32> to vector<400x128xf32>
    %mul3A_84 = arith.mulf %mul3A_83, %add3A_82 : vector<400x128xf32>
    %get3A_85 = arith.constant 0 : index
    %get3A_86 = arith.constant 256 : index
    %get3A_87 = vector.load %arg4[%get3A_85, %get3A_86] : memref<1x512xf32, #tpu.memory_space<vmem>>, vector<1x128xf32>
    %get3A_88 = vector.shape_cast %get3A_87 : vector<1x128xf32> to vector<128xf32>
    %broadcast_in_dim3A_89 = vector.shape_cast %get3A_88 : vector<128xf32> to vector<1x128xf32>
    %add3A_90 = vector.broadcast %broadcast_in_dim3A_89 : vector<1x128xf32> to vector<400x128xf32>
    %add3A_91 = arith.addf %mul3A_84, %add3A_90 : vector<400x128xf32>
    %jit3A_92 = arith.constant 0.000000e+00 : f32
    %jit3A_93 = arith.constant 6.000000e+00 : f32
    %max3A_94 = vector.broadcast %jit3A_92 : f32 to vector<400x128xf32>
    %max3A_95 = arith.maximumf %max3A_94, %add3A_91 : vector<400x128xf32>
    %min3A_96 = vector.broadcast %jit3A_93 : f32 to vector<400x128xf32>
    %min3A_97 = arith.minimumf %min3A_96, %max3A_95 : vector<400x128xf32>
    %get3A_98 = arith.constant 0 : index
    %get3A_99 = arith.constant 3 : index
    %get3A_100 = arith.constant 0 : index
    %get3A_101 = arith.constant 0 : index
    %get3A_102 = vector.load %arg1[%get3A_98, %get3A_99, %get3A_100, %get3A_101] : memref<2x4x400x128xf32, #tpu.memory_space<vmem>>, vector<1x1x400x128xf32>
    %get3A_103 = vector.shape_cast %get3A_102 : vector<1x1x400x128xf32> to vector<400x128xf32>
    %get3A_104 = arith.constant 1 : index
    %get3A_105 = arith.constant 3 : index
    %get3A_106 = arith.constant 0 : index
    %get3A_107 = arith.constant 0 : index
    %get3A_108 = vector.load %arg1[%get3A_104, %get3A_105, %get3A_106, %get3A_107] : memref<2x4x400x128xf32, #tpu.memory_space<vmem>>, vector<1x1x400x128xf32>
    %get3A_109 = vector.shape_cast %get3A_108 : vector<1x1x400x128xf32> to vector<400x128xf32>
    %add3A_110 = arith.addf %get3A_103, %get3A_109 : vector<400x128xf32>
    %get3A_111 = arith.constant 3 : index
    %get3A_112 = arith.constant 0 : index
    %get3A_113 = arith.constant 0 : index
    %get3A_114 = vector.load %arg2[%get3A_111, %get3A_112, %get3A_113] : memref<4x400x128xf32, #tpu.memory_space<vmem>>, vector<1x400x128xf32>
    %get3A_115 = vector.shape_cast %get3A_114 : vector<1x400x128xf32> to vector<400x128xf32>
    %add3A_116 = arith.addf %add3A_110, %get3A_115 : vector<400x128xf32>
    %mul3A_117 = vector.broadcast %get3A_1 : vector<400x1xf32> to vector<400x128xf32>
    %mul3A_118 = arith.mulf %mul3A_117, %add3A_116 : vector<400x128xf32>
    %get3A_119 = arith.constant 0 : index
    %get3A_120 = arith.constant 384 : index
    %get3A_121 = vector.load %arg4[%get3A_119, %get3A_120] : memref<1x512xf32, #tpu.memory_space<vmem>>, vector<1x128xf32>
    %get3A_122 = vector.shape_cast %get3A_121 : vector<1x128xf32> to vector<128xf32>
    %broadcast_in_dim3A_123 = vector.shape_cast %get3A_122 : vector<128xf32> to vector<1x128xf32>
    %add3A_124 = vector.broadcast %broadcast_in_dim3A_123 : vector<1x128xf32> to vector<400x128xf32>
    %add3A_125 = arith.addf %mul3A_118, %add3A_124 : vector<400x128xf32>
    %jit3A_126 = arith.constant 0.000000e+00 : f32
    %jit3A_127 = arith.constant 6.000000e+00 : f32
    %max3A_128 = vector.broadcast %jit3A_126 : f32 to vector<400x128xf32>
    %max3A_129 = arith.maximumf %max3A_128, %add3A_125 : vector<400x128xf32>
    %min3A_130 = vector.broadcast %jit3A_127 : f32 to vector<400x128xf32>
    %min3A_131 = arith.minimumf %min3A_130, %max3A_129 : vector<400x128xf32>
    %concatenate3A = tpu.concatenate %min3A_29, %min3A_63, %min3A_97, %min3A_131 in 1 : vector<400x128xf32>, vector<400x128xf32>, vector<400x128xf32>, vector<400x128xf32> -> vector<400x512xf32>
    %get3A_132 = arith.constant 0 : index
    %get3A_133 = arith.constant 0 : index
    %get3A_134 = vector.load %arg3[%get3A_132, %get3A_133] : memref<512x256xf32, #tpu.memory_space<vmem>>, vector<512x128xf32>
    %dot_general3A = arith.constant dense<0.000000e+00> : vector<400x128xf32>
    %dot_general3A_135 = tpu.matmul %concatenate3A, %get3A_134, %dot_general3A {dimension_numbers = #tpu.dot_dimension_numbers<[1], [0], [0], [1], [0, 0, 1, 1], [], []>, transpose_lhs_hint = false} : vector<400x512xf32>, vector<512x128xf32>, vector<400x128xf32> -> vector<400x128xf32>
    %mul3A_136 = vector.broadcast %get3A_1 : vector<400x1xf32> to vector<400x128xf32>
    %mul3A_137 = arith.mulf %dot_general3A_135, %mul3A_136 : vector<400x128xf32>
    %swap3A = arith.constant 0 : index
    %swap3A_138 = arith.constant 0 : index
    %swap3A_139 = arith.constant 0 : index
    %swap3A_140 = vector.load %arg6[%swap3A, %swap3A_138, %swap3A_139] : memref<2x400x128xf32, #tpu.memory_space<vmem>>, vector<1x400x128xf32>
    %swap3A_141 = vector.shape_cast %swap3A_140 : vector<1x400x128xf32> to vector<400x128xf32>
    %swap3A_142 = vector.shape_cast %mul3A_137 : vector<400x128xf32> to vector<1x400x128xf32>
    tpu.vector_store %arg6[%swap3A, %swap3A_138, %swap3A_139], %swap3A_142 {strides = array<i32>} : memref<2x400x128xf32, #tpu.memory_space<vmem>>, vector<1x400x128xf32>,
    %get3A_143 = arith.constant 0 : index
    %get3A_144 = arith.constant 128 : index
    %get3A_145 = vector.load %arg3[%get3A_143, %get3A_144] : memref<512x256xf32, #tpu.memory_space<vmem>>, vector<512x128xf32>
    %dot_general3A_146 = arith.constant dense<0.000000e+00> : vector<400x128xf32>
    %dot_general3A_147 = tpu.matmul %concatenate3A, %get3A_145, %dot_general3A_146 {dimension_numbers = #tpu.dot_dimension_numbers<[1], [0], [0], [1], [0, 0, 1, 1], [], []>, transpose_lhs_hint = false} : vector<400x512xf32>, vector<512x128xf32>, vector<400x128xf32> -> vector<400x128xf32>
    %mul3A_148 = vector.broadcast %get3A_1 : vector<400x1xf32> to vector<400x128xf32>
    %mul3A_149 = arith.mulf %dot_general3A_147, %mul3A_148 : vector<400x128xf32>
    %swap3A_150 = arith.constant 1 : index
    %swap3A_151 = arith.constant 0 : index
    %swap3A_152 = arith.constant 0 : index
    %swap3A_153 = vector.load %arg6[%swap3A_150, %swap3A_151, %swap3A_152] : memref<2x400x128xf32, #tpu.memory_space<vmem>>, vector<1x400x128xf32>
    %swap3A_154 = vector.shape_cast %swap3A_153 : vector<1x400x128xf32> to vector<400x128xf32>
    %swap3A_155 = vector.shape_cast %mul3A_149 : vector<400x128xf32> to vector<1x400x128xf32>
    tpu.vector_store %arg6[%swap3A_150, %swap3A_151, %swap3A_152], %swap3A_155 {strides = array<i32>} : memref<2x400x128xf32, #tpu.memory_space<vmem>>, vector<1x400x128xf32>,
    return
  }
  func.func @transform_0(%arg0: i32) -> (i32, i32, i32, i32) {
    %c0_i32 = arith.constant 0 : i32
    %c0_i32_0 = arith.constant 0 : i32
    %c0_i32_1 = arith.constant 0 : i32
    %c0_i32_2 = arith.constant 0 : i32
    return %c0_i32, %c0_i32_0, %arg0, %c0_i32_1 : i32, i32, i32, i32
  }
  func.func @transform_1(%arg0: i32) -> (i32, i32, i32) {
    %c0_i32 = arith.constant 0 : i32
    %c0_i32_0 = arith.constant 0 : i32
    %c0_i32_1 = arith.constant 0 : i32
    return %c0_i32, %arg0, %c0_i32_0 : i32, i32, i32
  }
  func.func @transform_2(%arg0: i32) -> (i32, i32) {
    %c0_i32 = arith.constant 0 : i32
    %c0_i32_0 = arith.constant 0 : i32
    %c0_i32_1 = arith.constant 0 : i32
    return %c0_i32, %c0_i32_0 : i32, i32
  }
  func.func @transform_3(%arg0: i32) -> (i32, i32) {
    %c0_i32 = arith.constant 0 : i32
    %c0_i32_0 = arith.constant 0 : i32
    %c0_i32_1 = arith.constant 0 : i32
    return %c0_i32, %c0_i32_0 : i32, i32
  }
  func.func @transform_4(%arg0: i32) -> (i32, i32) {
    %c0_i32 = arith.constant 0 : i32
    %c0_i32_0 = arith.constant 0 : i32
    return %arg0, %c0_i32 : i32, i32
  }
  func.func @transform_5(%arg0: i32) -> (i32, i32, i32) {
    %c0_i32 = arith.constant 0 : i32
    %c0_i32_0 = arith.constant 0 : i32
    %c0_i32_1 = arith.constant 0 : i32
    return %c0_i32, %arg0, %c0_i32_0 : i32, i32, i32
  }
}

module attributes {stable_mosaic.version = 14 : i64} {
  func.func @body(%arg0: i32, %arg1: memref<2x2x400x128xf32, #tpu.memory_space<vmem>>, %arg2: memref<2x400x128xf32, #tpu.memory_space<vmem>>, %arg3: memref<256x128xf32, #tpu.memory_space<vmem>>, %arg4: memref<1x256xf32, #tpu.memory_space<vmem>>, %arg5: memref<400x1xf32, #tpu.memory_space<vmem>>, %arg6: memref<1x400x128xf32, #tpu.memory_space<vmem>>) attributes {dimension_semantics = [#tpu.dimension_semantics<arbitrary>], iteration_bounds = array<i64: 25>, scalar_prefetch = 0 : i64, scratch_operands = 0 : i64, tpu.core_type = #tpu.core_type<tc>, window_params = [{transform_indices = @transform_0, window_bounds = array<i64: 2, 2, 400, 128>}, {transform_indices = @transform_1, window_bounds = array<i64: 2, 400, 128>}, {pipeline_mode = #tpu.pipeline_mode<synchronous>, transform_indices = @transform_2, window_bounds = array<i64: 256, 128>}, {pipeline_mode = #tpu.pipeline_mode<synchronous>, transform_indices = @transform_3, window_bounds = array<i64: 1, 256>}, {transform_indices = @transform_4, window_bounds = array<i64: 400, 1>}, {transform_indices = @transform_5, window_bounds = array<i64: 1, 400, 128>}]} {
    %get3A = arith.constant 0 : index
    %get3A_0 = arith.constant 0 : index
    %get3A_1 = vector.load %arg5[%get3A, %get3A_0] : memref<400x1xf32, #tpu.memory_space<vmem>>, vector<400x1xf32>
    %get3A_2 = arith.constant 0 : index
    %get3A_3 = arith.constant 0 : index
    %get3A_4 = arith.constant 0 : index
    %get3A_5 = arith.constant 0 : index
    %get3A_6 = vector.load %arg1[%get3A_2, %get3A_3, %get3A_4, %get3A_5] : memref<2x2x400x128xf32, #tpu.memory_space<vmem>>, vector<1x1x400x128xf32>
    %get3A_7 = vector.shape_cast %get3A_6 : vector<1x1x400x128xf32> to vector<400x128xf32>
    %get3A_8 = arith.constant 1 : index
    %get3A_9 = arith.constant 0 : index
    %get3A_10 = arith.constant 0 : index
    %get3A_11 = arith.constant 0 : index
    %get3A_12 = vector.load %arg1[%get3A_8, %get3A_9, %get3A_10, %get3A_11] : memref<2x2x400x128xf32, #tpu.memory_space<vmem>>, vector<1x1x400x128xf32>
    %get3A_13 = vector.shape_cast %get3A_12 : vector<1x1x400x128xf32> to vector<400x128xf32>
    %add3A = arith.addf %get3A_7, %get3A_13 : vector<400x128xf32>
    %get3A_14 = arith.constant 0 : index
    %get3A_15 = arith.constant 0 : index
    %get3A_16 = arith.constant 0 : index
    %get3A_17 = vector.load %arg2[%get3A_14, %get3A_15, %get3A_16] : memref<2x400x128xf32, #tpu.memory_space<vmem>>, vector<1x400x128xf32>
    %get3A_18 = vector.shape_cast %get3A_17 : vector<1x400x128xf32> to vector<400x128xf32>
    %add3A_19 = arith.addf %add3A, %get3A_18 : vector<400x128xf32>
    %mul3A = vector.broadcast %get3A_1 : vector<400x1xf32> to vector<400x128xf32>
    %mul3A_20 = arith.mulf %mul3A, %add3A_19 : vector<400x128xf32>
    %get3A_21 = arith.constant 0 : index
    %get3A_22 = arith.constant 0 : index
    %get3A_23 = vector.load %arg4[%get3A_21, %get3A_22] : memref<1x256xf32, #tpu.memory_space<vmem>>, vector<1x128xf32>
    %get3A_24 = vector.shape_cast %get3A_23 : vector<1x128xf32> to vector<128xf32>
    %broadcast_in_dim3A = vector.shape_cast %get3A_24 : vector<128xf32> to vector<1x128xf32>
    %add3A_25 = vector.broadcast %broadcast_in_dim3A : vector<1x128xf32> to vector<400x128xf32>
    %add3A_26 = arith.addf %mul3A_20, %add3A_25 : vector<400x128xf32>
    %jit3A = arith.constant 0.000000e+00 : f32
    %jit3A_27 = arith.constant 6.000000e+00 : f32
    %max3A = vector.broadcast %jit3A : f32 to vector<400x128xf32>
    %max3A_28 = arith.maximumf %max3A, %add3A_26 : vector<400x128xf32>
    %min3A = vector.broadcast %jit3A_27 : f32 to vector<400x128xf32>
    %min3A_29 = arith.minimumf %min3A, %max3A_28 : vector<400x128xf32>
    %get3A_30 = arith.constant 0 : index
    %get3A_31 = arith.constant 1 : index
    %get3A_32 = arith.constant 0 : index
    %get3A_33 = arith.constant 0 : index
    %get3A_34 = vector.load %arg1[%get3A_30, %get3A_31, %get3A_32, %get3A_33] : memref<2x2x400x128xf32, #tpu.memory_space<vmem>>, vector<1x1x400x128xf32>
    %get3A_35 = vector.shape_cast %get3A_34 : vector<1x1x400x128xf32> to vector<400x128xf32>
    %get3A_36 = arith.constant 1 : index
    %get3A_37 = arith.constant 1 : index
    %get3A_38 = arith.constant 0 : index
    %get3A_39 = arith.constant 0 : index
    %get3A_40 = vector.load %arg1[%get3A_36, %get3A_37, %get3A_38, %get3A_39] : memref<2x2x400x128xf32, #tpu.memory_space<vmem>>, vector<1x1x400x128xf32>
    %get3A_41 = vector.shape_cast %get3A_40 : vector<1x1x400x128xf32> to vector<400x128xf32>
    %add3A_42 = arith.addf %get3A_35, %get3A_41 : vector<400x128xf32>
    %get3A_43 = arith.constant 1 : index
    %get3A_44 = arith.constant 0 : index
    %get3A_45 = arith.constant 0 : index
    %get3A_46 = vector.load %arg2[%get3A_43, %get3A_44, %get3A_45] : memref<2x400x128xf32, #tpu.memory_space<vmem>>, vector<1x400x128xf32>
    %get3A_47 = vector.shape_cast %get3A_46 : vector<1x400x128xf32> to vector<400x128xf32>
    %add3A_48 = arith.addf %add3A_42, %get3A_47 : vector<400x128xf32>
    %mul3A_49 = vector.broadcast %get3A_1 : vector<400x1xf32> to vector<400x128xf32>
    %mul3A_50 = arith.mulf %mul3A_49, %add3A_48 : vector<400x128xf32>
    %get3A_51 = arith.constant 0 : index
    %get3A_52 = arith.constant 128 : index
    %get3A_53 = vector.load %arg4[%get3A_51, %get3A_52] : memref<1x256xf32, #tpu.memory_space<vmem>>, vector<1x128xf32>
    %get3A_54 = vector.shape_cast %get3A_53 : vector<1x128xf32> to vector<128xf32>
    %broadcast_in_dim3A_55 = vector.shape_cast %get3A_54 : vector<128xf32> to vector<1x128xf32>
    %add3A_56 = vector.broadcast %broadcast_in_dim3A_55 : vector<1x128xf32> to vector<400x128xf32>
    %add3A_57 = arith.addf %mul3A_50, %add3A_56 : vector<400x128xf32>
    %jit3A_58 = arith.constant 0.000000e+00 : f32
    %jit3A_59 = arith.constant 6.000000e+00 : f32
    %max3A_60 = vector.broadcast %jit3A_58 : f32 to vector<400x128xf32>
    %max3A_61 = arith.maximumf %max3A_60, %add3A_57 : vector<400x128xf32>
    %min3A_62 = vector.broadcast %jit3A_59 : f32 to vector<400x128xf32>
    %min3A_63 = arith.minimumf %min3A_62, %max3A_61 : vector<400x128xf32>
    %concatenate3A = tpu.concatenate %min3A_29, %min3A_63 in 1 : vector<400x128xf32>, vector<400x128xf32> -> vector<400x256xf32>
    %get3A_64 = arith.constant 0 : index
    %get3A_65 = arith.constant 0 : index
    %get3A_66 = vector.load %arg3[%get3A_64, %get3A_65] : memref<256x128xf32, #tpu.memory_space<vmem>>, vector<256x128xf32>
    %dot_general3A = arith.constant dense<0.000000e+00> : vector<400x128xf32>
    %dot_general3A_67 = tpu.matmul %concatenate3A, %get3A_66, %dot_general3A {dimension_numbers = #tpu.dot_dimension_numbers<[1], [0], [0], [1], [0, 0, 1, 1], [], []>, transpose_lhs_hint = false} : vector<400x256xf32>, vector<256x128xf32>, vector<400x128xf32> -> vector<400x128xf32>
    %mul3A_68 = vector.broadcast %get3A_1 : vector<400x1xf32> to vector<400x128xf32>
    %mul3A_69 = arith.mulf %dot_general3A_67, %mul3A_68 : vector<400x128xf32>
    %swap3A = arith.constant 0 : index
    %swap3A_70 = arith.constant 0 : index
    %swap3A_71 = arith.constant 0 : index
    %swap3A_72 = vector.load %arg6[%swap3A, %swap3A_70, %swap3A_71] : memref<1x400x128xf32, #tpu.memory_space<vmem>>, vector<1x400x128xf32>
    %swap3A_73 = vector.shape_cast %swap3A_72 : vector<1x400x128xf32> to vector<400x128xf32>
    %swap3A_74 = vector.shape_cast %mul3A_69 : vector<400x128xf32> to vector<1x400x128xf32>
    tpu.vector_store %arg6[%swap3A, %swap3A_70, %swap3A_71], %swap3A_74 {strides = array<i32>} : memref<1x400x128xf32, #tpu.memory_space<vmem>>, vector<1x400x128xf32>,
    return
  }
  func.func @transform_0(%arg0: i32) -> (i32, i32, i32, i32) {
    %c0_i32 = arith.constant 0 : i32
    %c0_i32_0 = arith.constant 0 : i32
    %c0_i32_1 = arith.constant 0 : i32
    %c0_i32_2 = arith.constant 0 : i32
    return %c0_i32, %c0_i32_0, %arg0, %c0_i32_1 : i32, i32, i32, i32
  }
  func.func @transform_1(%arg0: i32) -> (i32, i32, i32) {
    %c0_i32 = arith.constant 0 : i32
    %c0_i32_0 = arith.constant 0 : i32
    %c0_i32_1 = arith.constant 0 : i32
    return %c0_i32, %arg0, %c0_i32_0 : i32, i32, i32
  }
  func.func @transform_2(%arg0: i32) -> (i32, i32) {
    %c0_i32 = arith.constant 0 : i32
    %c0_i32_0 = arith.constant 0 : i32
    %c0_i32_1 = arith.constant 0 : i32
    return %c0_i32, %c0_i32_0 : i32, i32
  }
  func.func @transform_3(%arg0: i32) -> (i32, i32) {
    %c0_i32 = arith.constant 0 : i32
    %c0_i32_0 = arith.constant 0 : i32
    %c0_i32_1 = arith.constant 0 : i32
    return %c0_i32, %c0_i32_0 : i32, i32
  }
  func.func @transform_4(%arg0: i32) -> (i32, i32) {
    %c0_i32 = arith.constant 0 : i32
    %c0_i32_0 = arith.constant 0 : i32
    return %arg0, %c0_i32 : i32, i32
  }
  func.func @transform_5(%arg0: i32) -> (i32, i32, i32) {
    %c0_i32 = arith.constant 0 : i32
    %c0_i32_0 = arith.constant 0 : i32
    %c0_i32_1 = arith.constant 0 : i32
    return %c0_i32, %arg0, %c0_i32_0 : i32, i32, i32
  }
}

module attributes {stable_mosaic.version = 14 : i64} {
  func.func @body(%arg0: i32, %arg1: memref<2x1x400x128xf32, #tpu.memory_space<vmem>>, %arg2: memref<1x400x128xf32, #tpu.memory_space<vmem>>, %arg3: memref<1x128xf32, #tpu.memory_space<vmem>>, %arg4: memref<400x1xf32, #tpu.memory_space<vmem>>, %arg5: memref<128x128xf32, #tpu.memory_space<vmem>>, %arg6: memref<1x128xf32, #tpu.memory_space<vmem>>, %arg7: memref<400x128xf32, #tpu.memory_space<vmem>>) attributes {dimension_semantics = [#tpu.dimension_semantics<arbitrary>], iteration_bounds = array<i64: 25>, scalar_prefetch = 0 : i64, scratch_operands = 0 : i64, tpu.core_type = #tpu.core_type<tc>, window_params = [{transform_indices = @transform_0, window_bounds = array<i64: 2, 1, 400, 128>}, {transform_indices = @transform_1, window_bounds = array<i64: 1, 400, 128>}, {pipeline_mode = #tpu.pipeline_mode<synchronous>, transform_indices = @transform_2, window_bounds = array<i64: 1, 128>}, {transform_indices = @transform_3, window_bounds = array<i64: 400, 1>}, {pipeline_mode = #tpu.pipeline_mode<synchronous>, transform_indices = @transform_4, window_bounds = array<i64: 128, 128>}, {pipeline_mode = #tpu.pipeline_mode<synchronous>, transform_indices = @transform_5, window_bounds = array<i64: 1, 128>}, {transform_indices = @transform_6, window_bounds = array<i64: 400, 128>}]} {
    %get3A = arith.constant 0 : index
    %get3A_0 = arith.constant 0 : index
    %get3A_1 = vector.load %arg4[%get3A, %get3A_0] : memref<400x1xf32, #tpu.memory_space<vmem>>, vector<400x1xf32>
    %get3A_2 = arith.constant 0 : index
    %get3A_3 = arith.constant 0 : index
    %get3A_4 = arith.constant 0 : index
    %get3A_5 = arith.constant 0 : index
    %get3A_6 = vector.load %arg1[%get3A_2, %get3A_3, %get3A_4, %get3A_5] : memref<2x1x400x128xf32, #tpu.memory_space<vmem>>, vector<1x1x400x128xf32>
    %get3A_7 = vector.shape_cast %get3A_6 : vector<1x1x400x128xf32> to vector<400x128xf32>
    %get3A_8 = arith.constant 1 : index
    %get3A_9 = arith.constant 0 : index
    %get3A_10 = arith.constant 0 : index
    %get3A_11 = arith.constant 0 : index
    %get3A_12 = vector.load %arg1[%get3A_8, %get3A_9, %get3A_10, %get3A_11] : memref<2x1x400x128xf32, #tpu.memory_space<vmem>>, vector<1x1x400x128xf32>
    %get3A_13 = vector.shape_cast %get3A_12 : vector<1x1x400x128xf32> to vector<400x128xf32>
    %add3A = arith.addf %get3A_7, %get3A_13 : vector<400x128xf32>
    %get3A_14 = arith.constant 0 : index
    %get3A_15 = arith.constant 0 : index
    %get3A_16 = arith.constant 0 : index
    %get3A_17 = vector.load %arg2[%get3A_14, %get3A_15, %get3A_16] : memref<1x400x128xf32, #tpu.memory_space<vmem>>, vector<1x400x128xf32>
    %get3A_18 = vector.shape_cast %get3A_17 : vector<1x400x128xf32> to vector<400x128xf32>
    %add3A_19 = arith.addf %add3A, %get3A_18 : vector<400x128xf32>
    %mul3A = vector.broadcast %get3A_1 : vector<400x1xf32> to vector<400x128xf32>
    %mul3A_20 = arith.mulf %mul3A, %add3A_19 : vector<400x128xf32>
    %get3A_21 = arith.constant 0 : index
    %get3A_22 = arith.constant 0 : index
    %get3A_23 = vector.load %arg3[%get3A_21, %get3A_22] : memref<1x128xf32, #tpu.memory_space<vmem>>, vector<1x128xf32>
    %get3A_24 = vector.shape_cast %get3A_23 : vector<1x128xf32> to vector<128xf32>
    %broadcast_in_dim3A = vector.shape_cast %get3A_24 : vector<128xf32> to vector<1x128xf32>
    %add3A_25 = vector.broadcast %broadcast_in_dim3A : vector<1x128xf32> to vector<400x128xf32>
    %add3A_26 = arith.addf %mul3A_20, %add3A_25 : vector<400x128xf32>
    %jit3A = arith.constant 0.000000e+00 : f32
    %jit3A_27 = arith.constant 6.000000e+00 : f32
    %max3A = vector.broadcast %jit3A : f32 to vector<400x128xf32>
    %max3A_28 = arith.maximumf %max3A, %add3A_26 : vector<400x128xf32>
    %min3A = vector.broadcast %jit3A_27 : f32 to vector<400x128xf32>
    %min3A_29 = arith.minimumf %min3A, %max3A_28 : vector<400x128xf32>
    %get3A_30 = arith.constant 0 : index
    %get3A_31 = arith.constant 0 : index
    %get3A_32 = vector.load %arg5[%get3A_30, %get3A_31] : memref<128x128xf32, #tpu.memory_space<vmem>>, vector<128x128xf32>
    %dot_general3A = arith.constant dense<0.000000e+00> : vector<400x128xf32>
    %dot_general3A_33 = tpu.matmul %min3A_29, %get3A_32, %dot_general3A {dimension_numbers = #tpu.dot_dimension_numbers<[1], [0], [0], [1], [0, 0, 1, 1], [], []>, transpose_lhs_hint = false} : vector<400x128xf32>, vector<128x128xf32>, vector<400x128xf32> -> vector<400x128xf32>
    %get3A_34 = arith.constant 0 : index
    %get3A_35 = arith.constant 0 : index
    %get3A_36 = vector.load %arg6[%get3A_34, %get3A_35] : memref<1x128xf32, #tpu.memory_space<vmem>>, vector<1x128xf32>
    %get3A_37 = vector.shape_cast %get3A_36 : vector<1x128xf32> to vector<128xf32>
    %broadcast_in_dim3A_38 = vector.shape_cast %get3A_37 : vector<128xf32> to vector<1x128xf32>
    %add3A_39 = vector.broadcast %broadcast_in_dim3A_38 : vector<1x128xf32> to vector<400x128xf32>
    %add3A_40 = arith.addf %dot_general3A_33, %add3A_39 : vector<400x128xf32>
    %neg3A = arith.constant 0.000000e+00 : f32
    %neg3A_41 = vector.broadcast %neg3A : f32 to vector<400x128xf32>
    %neg3A_42 = arith.subf %neg3A_41, %add3A_40 : vector<400x128xf32>
    %exp3A = math.exp %neg3A_42 : vector<400x128xf32>
    %add3A_43 = arith.constant 1.000000e+00 : f32
    %add3A_44 = vector.broadcast %add3A_43 : f32 to vector<400x128xf32>
    %add3A_45 = arith.addf %add3A_44, %exp3A : vector<400x128xf32>
    %div3A = arith.constant 1.000000e+00 : f32
    %div3A_46 = vector.broadcast %div3A : f32 to vector<400x128xf32>
    %div3A_47 = arith.divf %div3A_46, %add3A_45 : vector<400x128xf32>
    %swap3A = arith.constant 0 : index
    %swap3A_48 = arith.constant 0 : index
    %swap3A_49 = vector.load %arg7[%swap3A, %swap3A_48] : memref<400x128xf32, #tpu.memory_space<vmem>>, vector<400x128xf32>
    tpu.vector_store %arg7[%swap3A, %swap3A_48], %div3A_47 {strides = array<i32>} : memref<400x128xf32, #tpu.memory_space<vmem>>, vector<400x128xf32>,
    return
  }
  func.func @transform_0(%arg0: i32) -> (i32, i32, i32, i32) {
    %c0_i32 = arith.constant 0 : i32
    %c0_i32_0 = arith.constant 0 : i32
    %c0_i32_1 = arith.constant 0 : i32
    %c0_i32_2 = arith.constant 0 : i32
    return %c0_i32, %c0_i32_0, %arg0, %c0_i32_1 : i32, i32, i32, i32
  }
  func.func @transform_1(%arg0: i32) -> (i32, i32, i32) {
    %c0_i32 = arith.constant 0 : i32
    %c0_i32_0 = arith.constant 0 : i32
    %c0_i32_1 = arith.constant 0 : i32
    return %c0_i32, %arg0, %c0_i32_0 : i32, i32, i32
  }
  func.func @transform_2(%arg0: i32) -> (i32, i32) {
    %c0_i32 = arith.constant 0 : i32
    %c0_i32_0 = arith.constant 0 : i32
    %c0_i32_1 = arith.constant 0 : i32
    return %c0_i32, %c0_i32_0 : i32, i32
  }
  func.func @transform_3(%arg0: i32) -> (i32, i32) {
    %c0_i32 = arith.constant 0 : i32
    %c0_i32_0 = arith.constant 0 : i32
    return %arg0, %c0_i32 : i32, i32
  }
  func.func @transform_4(%arg0: i32) -> (i32, i32) {
    %c0_i32 = arith.constant 0 : i32
    %c0_i32_0 = arith.constant 0 : i32
    %c0_i32_1 = arith.constant 0 : i32
    return %c0_i32, %c0_i32_0 : i32, i32
  }
  func.func @transform_5(%arg0: i32) -> (i32, i32) {
    %c0_i32 = arith.constant 0 : i32
    %c0_i32_0 = arith.constant 0 : i32
    %c0_i32_1 = arith.constant 0 : i32
    return %c0_i32, %c0_i32_0 : i32, i32
  }
  func.func @transform_6(%arg0: i32) -> (i32, i32) {
    %c0_i32 = arith.constant 0 : i32
    %c0_i32_0 = arith.constant 0 : i32
    return %arg0, %c0_i32 : i32, i32
  }
}

</mosaic_0001>

<sc_bundles>
// kernel: kernel.10.cloned.1.call-start
scs
__scs_entry_jumppad:
0x0: {  	(pc) =	sbr.rel $0x88, $3  }
0x1: {  	(tag) =	ssettag $0x0;
	lr =	simm.s32 $0x1  }
0x2: {  	[smem:$0x3F96] =	sst lr;
	_ =	strace $0xD0000000  }
0x3: {  	_ = 	snop  }
0x4: {  	_ = 	snop  }
0x5: {  	_ = 	snop  }
0x6: {  	_ = 	snop  }
0x7: {  	_ = 	snop  }
__scs_overlays_trampoline_lowered:
0x8: {  	[smem:$0x3FA5] =	sst s0  }
0x9: {  	[smem:$0x3FA6] =	sst s1  }
0xa: {  	[smem:$0x3FA7] =	sst s2  }
0xb: {  	[smem:$0x3FA8] =	sst s3  }
0xc: {  	[smem:$0x3FA9] =	sst s4  }
0xd: {  	[smem:$0x3FAA] =	sst s5  }
0xe: {  	[smem:$0x3FAB] =	sst s6  }
0xf: {  	[smem:$0x3FAC] =	sst s7  }
0x10: {  	[smem:$0x3FAD] =	sst s8  }
0x11: {  	[smem:$0x3FAE] =	sst s9;
	s0 =	simm.s32 @!p0 $0x0  }
0x12: {  	s1 =	sld [smem:$0x3F94];
	s0 =	simm.s32 @p0 $0x1  }
0x13: {  	[smem:$0x3FAF] =	sst s0;
	s0 =	simm.s32 @!p1 $0x0  }
0x14: {  	s2 =	sld [smem:$0x3F93];
	s0 =	simm.s32 @p1 $0x1  }
0x15: {  	[smem:$0x3FB0] =	sst s0;
	s0 =	simm.s32 @!p2 $0x0  }
0x16: {  	s3 =	sld [smem:$0x3FDB];
	s0 =	simm.s32 @p2 $0x1  }
0x17: {  	s4 =	simm.s32 $0x1BF5;
	[smem:$0x3FB2] =	sst s0  }
0x18: {  	s0 =	sld [smem:$0x3F95];
	_ =	swait.ge [sflag:s4], $0x0  }
0x19: {  	s7 =	sld [smem:$0x3F96]  }
0x1a: {  	s8 =	sadd.s32 $0xFFFFE003, lr  }
0x1b: {  	s9 =	sadd.s32 $0xFFFFFEF7, lr;
	s5 =	simm.s32 $0xFFFFFFFF;
	p2 =	slt.u32 s8, $0xFFFFF086  }
0x1c: {  	p1 =	slt.u32 s9, $0xF7A;
	s5 =	simm.s32 @!p2 $0x0  }
0x1d: {  	s5 =	simm.s32 @p1 $0x1;
	p0 =	seq.s32 s7, s2  }
0x1e: {  	s7 =	smul.u32 @!p0 $0xF7A, s2;
	p2 =	seq.s32 @!p0 s5, $0x0  }
0x1f: {  	s9 =	smul.u32 $0xF7A, s1;
	s8 =	simm.s32 @!p0 $0x1BF5;
	p2 =	por !p2, p0  }
0x20: {  	[sflag:s8] =	ssyncset.s32 @!p0 $0xFFFFF086;
	s6 =	sadd.s32 @!p0 s3, s7;
	s7 =	simm.s32 @!p0 $0x108  }
0x21: {  	s3 =	sadd.s32 s3, s9;
	s6 =	sadd.s32 @!p0 $0x88, s6;
	s7 =	simm.s32 @p2 $0x1082  }
0x22: {  	[simem:s7], [sflag:s8] =	dma.local @!p0 [hbm:s6], $0xF7A  }
0x23: {  	s9 =	sor.u32 $0xD0000000, s2;
	s6 =	simm.s32 $0x108;
	_ =	swait.ge @!p0 [sflag:s8], $0x0  }
0x24: {  	s3 =	sadd.s32 $0x88, s3;
	s6 =	simm.s32 @!p1 $0x1082;
	[sflag:s4] =	ssyncset.s32 $0xFFFFF086  }
0x25: {  	[simem:s6], [sflag:s4] =	dma.local [hbm:s3], $0xF7A  }
0x26: {  	[smem:$0x3F96] =	sst s1;
	(tag) =	ssettag s2;
	_ =	strace s9  }
0x27: {  	s1 =	sld [smem:$0x3FA6]  }
0x28: {  	s2 =	sld [smem:$0x3FA7]  }
0x29: {  	s4 =	sld [smem:$0x3FA9]  }
0x2a: {  	p0 =	seq.s32 s5, $0x0;
	s5 =	sld [smem:$0x3FAA]  }
0x2b: {  	s6 =	sld [smem:$0x3FAB]  }
0x2c: {  	s7 =	sld [smem:$0x3FAC]  }
0x2d: {  	s3 =	simm.s32 $0x108;
	s8 =	sld [smem:$0x3FAD]  }
0x2e: {  	s3 =	simm.s32 @!p0 $0x1082;
	s9 =	sld [smem:$0x3FAE]  }
0x2f: {  	lr =	sadd.s32 s0, s3;
	s0 =	sld [smem:$0x3FA5]  }
0x30: {  	s3 =	sld [smem:$0x3FA8]  }
0x31: {  	[smem:$0x3FB1] =	sst s10  }
0x32: {  	s10 =	sld [smem:$0x3FAF];
	_ =	sdelay $0x3  }
0x33: {  	p0 =	seq.s32 s10, $0x1;
	s10 =	sld [smem:$0x3FB1];
	_ =	sdelay $0x3  }
0x34: {  	[smem:$0x3FB1] =	sst s10  }
0x35: {  	s10 =	sld [smem:$0x3FB0];
	_ =	sdelay $0x3  }
0x36: {  	p1 =	seq.s32 s10, $0x1;
	s10 =	sld [smem:$0x3FB1];
	_ =	sdelay $0x3  }
0x37: {  	[smem:$0x3FB1] =	sst s10  }
0x38: {  	s10 =	sld [smem:$0x3FB2]  }
0x39: {  	_ = 	snop;
	(pc) =	sbr.ind lr, $3  }
0x3a: {  	_ = 	snop  }
0x3b: {  	_ = 	snop  }
0x3c: {  	p2 =	seq.s32 s10, $0x1;
	s10 =	sld [smem:$0x3FB1]  }
0x3d: {  	_ =	shalt  }
0x3e: {  	_ =	shalt  }
0x3f: {  	_ =	shalt  }
0x40: {  	_ =	shalt  }
0x41: {  	_ =	shalt  }
0x42: {  	_ =	shalt  }
0x43: {  	_ =	shalt  }
0x44: {  	_ =	shalt  }
0x45: {  	_ =	shalt  }
0x46: {  	_ =	shalt  }
0x47: {  	_ =	shalt  }
0x48: {  	_ =	shalt  }
0x49: {  	_ =	shalt  }
0x4a: {  	_ =	shalt  }
0x4b: {  	_ =	shalt  }
0x4c: {  	_ =	shalt  }
0x4d: {  	_ =	shalt  }
0x4e: {  	_ =	shalt  }
0x4f: {  	_ =	shalt  }
0x50: {  	_ =	shalt  }
0x51: {  	_ =	shalt  }
0x52: {  	_ =	shalt  }
0x53: {  	_ =	shalt  }
0x54: {  	_ =	shalt  }
0x55: {  	_ =	shalt  }
0x56: {  	_ =	shalt  }
0x57: {  	_ =	shalt  }
0x58: {  	_ =	shalt  }
0x59: {  	_ =	shalt  }
0x5a: {  	_ =	shalt  }
0x5b: {  	_ =	shalt  }
0x5c: {  	_ =	shalt  }
0x5d: {  	_ =	shalt  }
0x5e: {  	_ =	shalt  }
0x5f: {  	_ =	shalt  }
0x60: {  	_ =	shalt  }
0x61: {  	_ =	shalt  }
0x62: {  	_ =	shalt  }
0x63: {  	_ =	shalt  }
0x64: {  	_ =	shalt  }
0x65: {  	_ =	shalt  }
0x66: {  	_ =	shalt  }
0x67: {  	_ =	shalt  }
0x68: {  	_ =	shalt  }
0x69: {  	_ =	shalt  }
0x6a: {  	_ =	shalt  }
0x6b: {  	_ =	shalt  }
0x6c: {  	_ =	shalt  }
0x6d: {  	_ =	shalt  }
0x6e: {  	_ =	shalt  }
0x6f: {  	_ =	shalt  }
0x70: {  	_ =	shalt  }
0x71: {  	_ =	shalt  }
0x72: {  	_ =	shalt  }
0x73: {  	_ =	shalt  }
0x74: {  	_ =	shalt  }
0x75: {  	_ =	shalt  }
0x76: {  	_ =	shalt  }
0x77: {  	_ =	shalt  }
0x78: {  	_ =	shalt  }
0x79: {  	_ =	shalt  }
0x7a: {  	_ =	shalt  }
0x7b: {  	_ =	shalt  }
0x7c: {  	_ =	shalt  }
0x7d: {  	_ =	shalt  }
0x7e: {  	_ =	shalt  }
0x7f: {  	_ =	shalt  }
0x80: {  	_ =	shalt  }
0x81: {  	_ =	shalt  }
0x82: {  	_ =	shalt  }
0x83: {  	_ =	shalt  }
0x84: {  	_ =	shalt  }
0x85: {  	_ =	shalt  }
0x86: {  	_ =	shalt  }
0x87: {  	_ =	shalt  }
.Lfunc_end0:
.L_simem_size_0:
called_computation_lowered:
.L_overlay_start_0:
0x88: {  	s2 =	sld [smem:$0x3FD9]  }
0x89: {  	s3 =	sld [smem:$0x3FFE];
	_ =	sdelay $0x1  }
0x8a: {  	s1 =	srdreg.scid  }
0x8b: {  	s0 =	sand.u32 $0x1, s1  }
0x8c: {  	s14 =	sshll.u32 s0, $0xA;
	s2 =	sadd.s32 s3, s2  }
0x8d: {  	s2 =	sadd.s32 s2, s14  }
0x8e: {  	[smem:$0x3FBD] =	sst s2  }
0x8f: {  	_ = 	snop  }
0x90: {  	s2 =	sld [smem:$0x3FD0];
	_ =	sdelay $0x2  }
0x91: {  	s15 =	simm.s32 $0xA;
	s4 =	simm.s32 $0x10  }
0x92: {  	[smem:s4], [sflag:s15] =	dma.local [hbm:s2], $0x1  }
0x93: {  	_ =	swait.eq [sflag:s15], $0x1  }
0x94: {  	[sflag:s15] =	ssyncset.done $0x0  }
0x95: {  	s16 =	sld [smem:$0x10];
	[sflag:s15] =	ssyncadd.s32 $0xFFFFFFFF  }
0x96: {  	s17 =	sld [smem:$0x12];
	(tm) =	ssettm $0x1  }
0x97: {  	s18 =	sld [smem:$0x3FFB];
	_ =	sdelay $0x3  }
0x98: {  	_ =	strace s18  }
0x99: {  	s4 =	sld [smem:$0x3FFC];
	_ =	sdelay $0x3  }
0x9a: {  	_ =	strace s4  }
0x9b: {  	s4 =	sld [smem:$0x3FFD];
	_ =	sdelay $0x3  }
0x9c: {  	_ =	strace s4  }
0x9d: {  	_ =	strace $0x8FFFFFFF  }
0x9e: {  	s19 =	sld [smem:$0x3FDB];
	_ =	sdelay $0x1  }
0x9f: {  	s5 =	simm.s32 $_scs_section_size  }
0xa0: {  	s6 =	simm.s32 $_size__tile_overlayer_lowered;
	s7 =	simm.s32 $_tile_overlayer_lowered  }
0xa1: {  	s22 =	simm.s32 $0x1BFF;
	s21 =	sshll.u32 s7, $0x1;
	s4 =	sadd.s32 s5, s19  }
0xa2: {  	s8 =	simm.s32 $0x0;
	s20 =	sshll.u32 s6, $0x1;
	s6 =	sadd.s32 s21, s4  }
0xa3: {  	[timem:s8], [sflag:s22] =	dma.local [hbm:s6], s20  }
0xa4: {  	_ =	swait.ge [sflag:s22], s20  }
0xa5: {  	s5 =	ssub.s32 $0x0, s20;
	[sflag:s22] =	ssyncset.done $0x0  }
0xa6: {  	[sflag:s22] =	ssyncadd.s32 s5;
	_ =	sdelay $0x1  }
0xa7: {  	s23 =	simm.s32 $0x1B8B  }
0xa8: {  	_ =	swait.ge [sflag:s23], $0x1  }
0xa9: {  	[sflag:s23] =	ssyncset.done $0x0  }
0xaa: {  	s25 =	simm.s32 $0x1B8E;
	s24 =	sld [smem:$0x3FFE];
	[sflag:s23] =	ssyncadd.s32 $0xFFFFFFFF  }
0xab: {  	s26 =	simm.s32 $execute0_lowered;
	[smem:$0x3FD2] =	sst s25  }
0xac: {  	s6 =	sshll.u32 s26, $0x1;
	_ =	strace $0x80000046;
	[dreg:$0x1] =	wrdreg $0xFFFFFFFF  }
0xad: {  	s28 =	simm.s32 $_size_execute0_lowered;
	s4 =	sadd.s32 s4, s6;
	[dreg:$0x0] =	wrdreg $0x0  }
0xae: {  	s6 =	sshll.u32 s28, $0x1;
	[dreg:$0x2] =	wrdreg s4  }
0xaf: {  	[dreg:$0x3] =	wrdreg s6  }
0xb0: {  	[dreg:$0x4] =	wrdreg $0xC0  }
0xb1: {  	_ =	task [dreg:s8], $0x5FFFF  }
0xb2: {  	[dreg:$0x1] =	wrdreg $0xFFFFFFFF  }
0xb3: {  	[dreg:$0x0] =	wrdreg $0x60  }
0xb4: {  	[dreg:$0x2] =	wrdreg s24  }
0xb5: {  	[dreg:$0x3] =	wrdreg s16  }
0xb6: {  	[dreg:$0x4] =	wrdreg s17  }
0xb7: {  	[dreg:$0x5] =	wrdreg $0x68000  }
0xb8: {  	[dreg:$0x6] =	wrdreg $0x9  }
0xb9: {  	_ =	task.clear_ibuf [dreg:s8], $0x7FFFF;
	_ =	strace $0x90000046  }
0xba: {  	s29 =	simm.s32 $0x9;
	_ =	strace $0x80000048  }
0xbb: {  	_ =	swait.ge [sflag:s29], $0x1  }
0xbc: {  	[sflag:s29] =	ssyncadd.s32 $0xFFFFFFFF  }
0xbd: {  	_ =	strace $0x90000048  }
0xbe: {  	_ =	sfence  }
0xbf: {  	s30 =	sld [smem:$0x0];
	_ =	sdelay $0x2  }
0xc0: {  	s31 =	sshll.u32 s1, $0xD;
	s1 =	sshrl.u32 s1, $0x2  }
0xc1: {  	s3 =	sand.u32 $0x4000, s31;
	s1 =	sadd.s32 s1, s30  }
0xc2: {  	s0 =	sor.u32 s3, s0;
	s1 =	sshll.u32 s1, $0x11  }
0xc3: {  	s0 =	sor.u32 s1, s0  }
0xc4: {  	s0 =	sadd.s32 $0x8F2B, s0  }
0xc5: {  	[sflag:s0] =	ssyncadd.remote.s32 $0x1  }
0xc6: {  	_ =	sfence.sel $0xFFFF  }
0xc7: {  	[dreg:$0x0] =	wrdreg $0xFFFFFFFF;
	(pc) =	sbr.abs _section_cstart, $3  }
0xc8: {  	[dreg:$0x1] =	wrdreg $0xFFFFFFFF  }
0xc9: {  	_ =	task.clear_ibuf [dreg:s8], $0x2FFFF;
	_ =	strace $0x9FFFFFFF  }
0xca: {  	(tm) =	ssettm $0x7FFFFFFF  }
0xcb: {  	_ =	shalt  }
tec
execute0_lowered:
.L_overlay_start_1:
0x0: {  	(tag) =	ssettag $0x1  }
0x1: {  	s6 =	rddreg [dreg:$0x0]  }
0x2: {  	s0 =	rddreg [dreg:$0x1]  }
0x3: {  	s3 =	rddreg [dreg:$0x2];
	s1 =	srdreg.scid  }
0x4: {  	s4 =	rddreg [dreg:$0x3];
	s2 =	stileid.u32  }
0x5: {  	s5 =	simm.s32 $0x0;
	s13 =	simm.s32 $0x50;
	s14 =	simm.s32 $0x0  }
0x6: {  	s7 =	sand.u32 $0x1, s1;
	s1 =	rddreg [dreg:$0x4];
	s9 =	smul.u32 $0x14000, s2  }
0x7: {  	[smem:$0x7FF] =	sst s5;
	s10 =	sshll.u32 s2, $0xB;
	s26 =	smul.u32 $0x50000, s2  }
0x8: {  	s31 =	sshll.u32 s2, $0x6;
	s8 =	smul.u32 $0x140000, s7;
	_ =	strace $0x80000047  }
0x9: {  	s25 =	sadd.s32 s10, s6;
	s28 =	ssub.s32 $0x2, s7;
	s7 =	sshll.u32 s7, $0xF  }
0xa: {  	s10 =	simm.s32 $0x4000;
	s11 =	sshrl.u32 s28, $0x1;
	s7 =	sadd.s32 s7, s25  }
0xb: {  	s29 =	sshrl.u32 s26, $0x2;
	s8 =	sadd.s32 s9, s8;
	s30 =	ssub.s32 s28, s11  }
0xc: {  	s12 =	sadd.s32 s29, s4;
	s9 =	simm.s32 $0x1;
	s8 =	sshrl.u32 s8, $0x3  }
0xd: {  	s11 =	sor.u32 $0x1C01, s31;
	s12 =	sshrl.u32 s12, $0x3;
	s8 =	sadd.s32 s8, s6  }
0xe: {  	s6 =	sadd.s32 $0x3400, s7;
	s7 =	sadd.s32 $0x13400, s8;
	s8 =	smax.u32 s30, $0x1  }
.LBB2_1:
0xf: {  	[tilespmem:s5], [sflag:$0x1] =	stream.linear.gather [hbm4b:s6+s5], $0x3E80, $0x38;
	[tilespmem:$0x1A800] =	vst v63  }
0x10: {  	_ =	swait.ge [sflag:s9], $0x3E80  }
0x11: {  	[sflag:s9] =	ssyncset.done $0x0  }
0x12: {  	[sflag:s9] =	ssyncadd.s32 $0xFFFFC180  }
0x13: {  	[tilespmem:s10], [sflag:$0x1] =	stream.linear.gather [hbm4b:s0+s5], $0x2800, $0x38;
	[tilespmem:$0x1A800] =	vst v63  }
0x14: {  	_ =	swait.ge [sflag:s9], $0x2800  }
0x15: {  	[sflag:s9] =	ssyncset.done $0x0  }
0x16: {  	[sflag:s9] =	ssyncadd.s32 $0xFFFFD800  }
0x17: {  	[spmem:s12], [sflag:s11] =	dma.local [hbm:s3], $0x2800  }
0x18: {  	_ =	swait.ge [sflag:s9], $0x2800  }
0x19: {  	[sflag:s9] =	ssyncset.done $0x0  }
0x1a: {  	[sflag:s9] =	ssyncadd.s32 $0xFFFFD800  }
0x1b: {  	s15 =	simm.s32 $0x0;
	[bflag:$0x0] =	sbarrier.arrive $0xFFFF  }
0x1c: {  	[spmem:s4] =	stream.indirect.scatter.add.f32 [tilespmem:s10], [sflag:$0x1], $0x80, s15, s13, $0xb8;
	[tilespmem:$0x1A800] =	vst v63  }
0x1d: {  	_ =	swait.ge [sflag:s9], $0x2800  }
0x1e: {  	s15 =	simm.s32 $0x200;
	[sflag:s9] =	ssyncset.done $0x0  }
.LBB2_2:
0x1f: {  	s16 =	sshra.s32 s15, $0x2;
	[sflag:s9] =	ssyncadd.s32 $0xFFFFD800;
	p0 =	sne.s32 s15, $0xF800  }
0x20: {  	[spmem:s4] =	stream.indirect.scatter.add.f32 [tilespmem:s10], [sflag:$0x1], $0x80, s16, s13, $0xb8;
	[tilespmem:$0x1A800] =	vst v63  }
.Ltmp0:
0x21: {  	_ = 	snop;
	(pc) =	sbr.rel @p0 .LBB2_2-.Ltmp0, $4  }
0x22: {  	_ = 	snop  }
0x23: {  	s15 =	sadd.s32 $0x200, s15  }
0x24: {  	_ =	swait.ge [sflag:s9], $0x2800  }
0x25: {  	[sflag:s9] =	ssyncset.done $0x0  }
0x26: {  	s14 =	sadd.s32 $0x1, s14  }
0x27: {  	[sflag:s9] =	ssyncadd.s32 $0xFFFFD800;
	p0 =	sne.s32 s14, s8  }
.Ltmp1:
0x28: {  	[bflag:$0x0] =	sbarrier.arrive $0xFFFF;
	(pc) =	sbr.rel @p0 .LBB2_1-.Ltmp1, $4  }
0x29: {  	[hbm:s7], [sflag:s11] =	dma.local [spmem:s12], $0x2800  }
0x2a: {  	_ =	swait.ge [sflag:s9], $0x2800  }
0x2b: {  	[sflag:s9] =	ssyncset.done $0x0  }
0x2c: {  	[sflag:s9] =	ssyncadd.s32 $0xFFFFD800  }
0x2d: {  	_ =	sfence.sel $0x180000  }
0x2e: {  	[bflag:$0x0] =	sbarrier.arrive $0xFFFF  }
0x2f: {  	p0 =	sne.s32 s2, $0x0;
	_ =	strace $0x90000047  }
0x30: {  	s0 =	sadd.s32 @!p0 $0x100000, s1;
	[bflag:$0x2] =	sbarrier.arrive $0xFFFF  }
0x31: {  	[sflag:s0] =	ssyncadd.tile.s32 @!p0 $0x1;
	_ =	shalt  }
.Lfunc_end2:
_tile_overlayer_lowered:
.L_overlay_start_2:
0x32: {  	(tag) =	ssettag $0x2  }
0x33: {  	s0 =	rddreg [dreg:$0x0];
	s2 =	stileid.u32  }
0x34: {  	s1 =	rddreg [dreg:$0x1];
	p0 =	sne.s32 s2, $0x0  }
0x35: {  	s3 =	rddreg [dreg:$0x2];
	[bflag:$0x3] =	sbarrier.arrive $0xFFFF;
	s2 =	simm.s32 @!p0 $0x1C01  }
0x36: {  	[timem:s3], [sflag:s2] =	dma.local @!p0 [hbm:s0], s1  }
0x37: {  	s0 =	simm.s32 @!p0 $0x1  }
0x38: {  	_ =	swait.ge @!p0 [sflag:s0], s1  }
0x39: {  	s1 =	ssub.s32 @!p0 $0x0, s1;
	[sflag:s0] =	ssyncset.done @!p0 $0x0  }
0x3a: {  	[sflag:s0] =	ssyncadd.s32 @!p0 s1  }
0x3b: {  	[bflag:$0x3] =	sbarrier.arrive $0xFFFF  }
0x3c: {  	_ =	shalt  }

// kernel: kernel.13.cloned.1.call-start
scs
__scs_entry_jumppad:
0x0: {  	(pc) =	sbr.rel $0x88, $3  }
0x1: {  	(tag) =	ssettag $0x0;
	lr =	simm.s32 $0x1  }
0x2: {  	[smem:$0x3F96] =	sst lr;
	_ =	strace $0xD0000000  }
0x3: {  	_ = 	snop  }
0x4: {  	_ = 	snop  }
0x5: {  	_ = 	snop  }
0x6: {  	_ = 	snop  }
0x7: {  	_ = 	snop  }
__scs_overlays_trampoline_lowered:
0x8: {  	[smem:$0x3FA5] =	sst s0  }
0x9: {  	[smem:$0x3FA6] =	sst s1  }
0xa: {  	[smem:$0x3FA7] =	sst s2  }
0xb: {  	[smem:$0x3FA8] =	sst s3  }
0xc: {  	[smem:$0x3FA9] =	sst s4  }
0xd: {  	[smem:$0x3FAA] =	sst s5  }
0xe: {  	[smem:$0x3FAB] =	sst s6  }
0xf: {  	[smem:$0x3FAC] =	sst s7  }
0x10: {  	[smem:$0x3FAD] =	sst s8  }
0x11: {  	[smem:$0x3FAE] =	sst s9;
	s0 =	simm.s32 @!p0 $0x0  }
0x12: {  	s1 =	sld [smem:$0x3F94];
	s0 =	simm.s32 @p0 $0x1  }
0x13: {  	[smem:$0x3FAF] =	sst s0;
	s0 =	simm.s32 @!p1 $0x0  }
0x14: {  	s2 =	sld [smem:$0x3F93];
	s0 =	simm.s32 @p1 $0x1  }
0x15: {  	[smem:$0x3FB0] =	sst s0;
	s0 =	simm.s32 @!p2 $0x0  }
0x16: {  	s3 =	sld [smem:$0x3FDB];
	s0 =	simm.s32 @p2 $0x1  }
0x17: {  	s4 =	simm.s32 $0x1BF5;
	[smem:$0x3FB2] =	sst s0  }
0x18: {  	s0 =	sld [smem:$0x3F95];
	_ =	swait.ge [sflag:s4], $0x0  }
0x19: {  	s7 =	sld [smem:$0x3F96]  }
0x1a: {  	s8 =	sadd.s32 $0xFFFFE003, lr  }
0x1b: {  	s9 =	sadd.s32 $0xFFFFFEF7, lr;
	s5 =	simm.s32 $0xFFFFFFFF;
	p2 =	slt.u32 s8, $0xFFFFF086  }
0x1c: {  	p1 =	slt.u32 s9, $0xF7A;
	s5 =	simm.s32 @!p2 $0x0  }
0x1d: {  	s5 =	simm.s32 @p1 $0x1;
	p0 =	seq.s32 s7, s2  }
0x1e: {  	s7 =	smul.u32 @!p0 $0xF7A, s2;
	p2 =	seq.s32 @!p0 s5, $0x0  }
0x1f: {  	s9 =	smul.u32 $0xF7A, s1;
	s8 =	simm.s32 @!p0 $0x1BF5;
	p2 =	por !p2, p0  }
0x20: {  	[sflag:s8] =	ssyncset.s32 @!p0 $0xFFFFF086;
	s6 =	sadd.s32 @!p0 s3, s7;
	s7 =	simm.s32 @!p0 $0x108  }
0x21: {  	s3 =	sadd.s32 s3, s9;
	s6 =	sadd.s32 @!p0 $0x88, s6;
	s7 =	simm.s32 @p2 $0x1082  }
0x22: {  	[simem:s7], [sflag:s8] =	dma.local @!p0 [hbm:s6], $0xF7A  }
0x23: {  	s9 =	sor.u32 $0xD0000000, s2;
	s6 =	simm.s32 $0x108;
	_ =	swait.ge @!p0 [sflag:s8], $0x0  }
0x24: {  	s3 =	sadd.s32 $0x88, s3;
	s6 =	simm.s32 @!p1 $0x1082;
	[sflag:s4] =	ssyncset.s32 $0xFFFFF086  }
0x25: {  	[simem:s6], [sflag:s4] =	dma.local [hbm:s3], $0xF7A  }
0x26: {  	[smem:$0x3F96] =	sst s1;
	(tag) =	ssettag s2;
	_ =	strace s9  }
0x27: {  	s1 =	sld [smem:$0x3FA6]  }
0x28: {  	s2 =	sld [smem:$0x3FA7]  }
0x29: {  	s4 =	sld [smem:$0x3FA9]  }
0x2a: {  	p0 =	seq.s32 s5, $0x0;
	s5 =	sld [smem:$0x3FAA]  }
0x2b: {  	s6 =	sld [smem:$0x3FAB]  }
0x2c: {  	s7 =	sld [smem:$0x3FAC]  }
0x2d: {  	s3 =	simm.s32 $0x108;
	s8 =	sld [smem:$0x3FAD]  }
0x2e: {  	s3 =	simm.s32 @!p0 $0x1082;
	s9 =	sld [smem:$0x3FAE]  }
0x2f: {  	lr =	sadd.s32 s0, s3;
	s0 =	sld [smem:$0x3FA5]  }
0x30: {  	s3 =	sld [smem:$0x3FA8]  }
0x31: {  	[smem:$0x3FB1] =	sst s10  }
0x32: {  	s10 =	sld [smem:$0x3FAF];
	_ =	sdelay $0x3  }
0x33: {  	p0 =	seq.s32 s10, $0x1;
	s10 =	sld [smem:$0x3FB1];
	_ =	sdelay $0x3  }
0x34: {  	[smem:$0x3FB1] =	sst s10  }
0x35: {  	s10 =	sld [smem:$0x3FB0];
	_ =	sdelay $0x3  }
0x36: {  	p1 =	seq.s32 s10, $0x1;
	s10 =	sld [smem:$0x3FB1];
	_ =	sdelay $0x3  }
0x37: {  	[smem:$0x3FB1] =	sst s10  }
0x38: {  	s10 =	sld [smem:$0x3FB2]  }
0x39: {  	_ = 	snop;
	(pc) =	sbr.ind lr, $3  }
0x3a: {  	_ = 	snop  }
0x3b: {  	_ = 	snop  }
0x3c: {  	p2 =	seq.s32 s10, $0x1;
	s10 =	sld [smem:$0x3FB1]  }
0x3d: {  	_ =	shalt  }
0x3e: {  	_ =	shalt  }
0x3f: {  	_ =	shalt  }
0x40: {  	_ =	shalt  }
0x41: {  	_ =	shalt  }
0x42: {  	_ =	shalt  }
0x43: {  	_ =	shalt  }
0x44: {  	_ =	shalt  }
0x45: {  	_ =	shalt  }
0x46: {  	_ =	shalt  }
0x47: {  	_ =	shalt  }
0x48: {  	_ =	shalt  }
0x49: {  	_ =	shalt  }
0x4a: {  	_ =	shalt  }
0x4b: {  	_ =	shalt  }
0x4c: {  	_ =	shalt  }
0x4d: {  	_ =	shalt  }
0x4e: {  	_ =	shalt  }
0x4f: {  	_ =	shalt  }
0x50: {  	_ =	shalt  }
0x51: {  	_ =	shalt  }
0x52: {  	_ =	shalt  }
0x53: {  	_ =	shalt  }
0x54: {  	_ =	shalt  }
0x55: {  	_ =	shalt  }
0x56: {  	_ =	shalt  }
0x57: {  	_ =	shalt  }
0x58: {  	_ =	shalt  }
0x59: {  	_ =	shalt  }
0x5a: {  	_ =	shalt  }
0x5b: {  	_ =	shalt  }
0x5c: {  	_ =	shalt  }
0x5d: {  	_ =	shalt  }
0x5e: {  	_ =	shalt  }
0x5f: {  	_ =	shalt  }
0x60: {  	_ =	shalt  }
0x61: {  	_ =	shalt  }
0x62: {  	_ =	shalt  }
0x63: {  	_ =	shalt  }
0x64: {  	_ =	shalt  }
0x65: {  	_ =	shalt  }
0x66: {  	_ =	shalt  }
0x67: {  	_ =	shalt  }
0x68: {  	_ =	shalt  }
0x69: {  	_ =	shalt  }
0x6a: {  	_ =	shalt  }
0x6b: {  	_ =	shalt  }
0x6c: {  	_ =	shalt  }
0x6d: {  	_ =	shalt  }
0x6e: {  	_ =	shalt  }
0x6f: {  	_ =	shalt  }
0x70: {  	_ =	shalt  }
0x71: {  	_ =	shalt  }
0x72: {  	_ =	shalt  }
0x73: {  	_ =	shalt  }
0x74: {  	_ =	shalt  }
0x75: {  	_ =	shalt  }
0x76: {  	_ =	shalt  }
0x77: {  	_ =	shalt  }
0x78: {  	_ =	shalt  }
0x79: {  	_ =	shalt  }
0x7a: {  	_ =	shalt  }
0x7b: {  	_ =	shalt  }
0x7c: {  	_ =	shalt  }
0x7d: {  	_ =	shalt  }
0x7e: {  	_ =	shalt  }
0x7f: {  	_ =	shalt  }
0x80: {  	_ =	shalt  }
0x81: {  	_ =	shalt  }
0x82: {  	_ =	shalt  }
0x83: {  	_ =	shalt  }
0x84: {  	_ =	shalt  }
0x85: {  	_ =	shalt  }
0x86: {  	_ =	shalt  }
0x87: {  	_ =	shalt  }
.Lfunc_end0:
.L_simem_size_0:
called_computation.1_lowered:
.L_overlay_start_0:
0x88: {  	s2 =	sld [smem:$0x3FD9]  }
0x89: {  	s3 =	sld [smem:$0x3FFE];
	_ =	sdelay $0x1  }
0x8a: {  	s1 =	srdreg.scid  }
0x8b: {  	s0 =	sand.u32 $0x1, s1  }
0x8c: {  	s14 =	sshll.u32 s0, $0xA;
	s2 =	sadd.s32 s3, s2  }
0x8d: {  	s2 =	sadd.s32 s2, s14  }
0x8e: {  	[smem:$0x3FBD] =	sst s2  }
0x8f: {  	_ = 	snop  }
0x90: {  	s2 =	sld [smem:$0x3FD0];
	_ =	sdelay $0x2  }
0x91: {  	s15 =	simm.s32 $0xA;
	s4 =	simm.s32 $0x10  }
0x92: {  	[smem:s4], [sflag:s15] =	dma.local [hbm:s2], $0x1  }
0x93: {  	_ =	swait.eq [sflag:s15], $0x1  }
0x94: {  	[sflag:s15] =	ssyncset.done $0x0  }
0x95: {  	[sflag:s15] =	ssyncadd.s32 $0xFFFFFFFF  }
0x96: {  	s16 =	sld [smem:$0x12];
	(tm) =	ssettm $0x1  }
0x97: {  	s17 =	sld [smem:$0x3FFB];
	_ =	sdelay $0x3  }
0x98: {  	_ =	strace s17  }
0x99: {  	s3 =	sld [smem:$0x3FFC];
	_ =	sdelay $0x3  }
0x9a: {  	_ =	strace s3  }
0x9b: {  	s3 =	sld [smem:$0x3FFD];
	_ =	sdelay $0x3  }
0x9c: {  	_ =	strace s3  }
0x9d: {  	_ =	strace $0x8FFFFFFF  }
0x9e: {  	s18 =	sld [smem:$0x3FDB];
	_ =	sdelay $0x1  }
0x9f: {  	s19 =	simm.s32 $_scs_section_size  }
0xa0: {  	s5 =	simm.s32 $_size__tile_overlayer_lowered;
	s6 =	simm.s32 $_tile_overlayer_lowered  }
0xa1: {  	s22 =	simm.s32 $0x1BFF;
	s21 =	sshll.u32 s6, $0x1;
	s3 =	sadd.s32 s19, s18  }
0xa2: {  	s7 =	simm.s32 $0x0;
	s20 =	sshll.u32 s5, $0x1;
	s5 =	sadd.s32 s21, s3  }
0xa3: {  	[timem:s7], [sflag:s22] =	dma.local [hbm:s5], s20  }
0xa4: {  	_ =	swait.ge [sflag:s22], s20  }
0xa5: {  	s4 =	ssub.s32 $0x0, s20;
	[sflag:s22] =	ssyncset.done $0x0  }
0xa6: {  	[sflag:s22] =	ssyncadd.s32 s4;
	_ =	sdelay $0x1  }
0xa7: {  	s23 =	simm.s32 $0x1B8B  }
0xa8: {  	_ =	swait.ge [sflag:s23], $0x1  }
0xa9: {  	[sflag:s23] =	ssyncset.done $0x0  }
0xaa: {  	s25 =	simm.s32 $0x1B8E;
	s24 =	sld [smem:$0x3FFE];
	[sflag:s23] =	ssyncadd.s32 $0xFFFFFFFF  }
0xab: {  	s26 =	simm.s32 $execute0_lowered;
	[smem:$0x3FD2] =	sst s25  }
0xac: {  	s5 =	sshll.u32 s26, $0x1;
	_ =	strace $0x80000049;
	[dreg:$0x1] =	wrdreg $0xFFFFFFFF  }
0xad: {  	s28 =	simm.s32 $_size_execute0_lowered;
	s3 =	sadd.s32 s3, s5;
	[dreg:$0x0] =	wrdreg $0x0  }
0xae: {  	s5 =	sshll.u32 s28, $0x1;
	[dreg:$0x2] =	wrdreg s3  }
0xaf: {  	[dreg:$0x3] =	wrdreg s5  }
0xb0: {  	[dreg:$0x4] =	wrdreg $0xC0  }
0xb1: {  	_ =	task [dreg:s7], $0x5FFFF  }
0xb2: {  	[dreg:$0x1] =	wrdreg $0xFFFFFFFF  }
0xb3: {  	[dreg:$0x0] =	wrdreg $0x60  }
0xb4: {  	[dreg:$0x2] =	wrdreg s24  }
0xb5: {  	[dreg:$0x3] =	wrdreg s16  }
0xb6: {  	[dreg:$0x4] =	wrdreg $0xB7800  }
0xb7: {  	[dreg:$0x5] =	wrdreg $0x9  }
0xb8: {  	_ =	task.clear_ibuf [dreg:s7], $0x6FFFF;
	_ =	strace $0x90000049  }
0xb9: {  	s29 =	simm.s32 $0x9;
	_ =	strace $0x8000004B  }
0xba: {  	_ =	swait.ge [sflag:s29], $0x1  }
0xbb: {  	[sflag:s29] =	ssyncadd.s32 $0xFFFFFFFF  }
0xbc: {  	_ =	strace $0x9000004B  }
0xbd: {  	_ =	sfence  }
0xbe: {  	s30 =	sld [smem:$0x0];
	_ =	sdelay $0x2  }
0xbf: {  	s31 =	sshll.u32 s1, $0xD;
	s1 =	sshrl.u32 s1, $0x2  }
0xc0: {  	s3 =	sand.u32 $0x4000, s31;
	s1 =	sadd.s32 s1, s30  }
0xc1: {  	s0 =	sor.u32 s3, s0;
	s1 =	sshll.u32 s1, $0x11  }
0xc2: {  	s0 =	sor.u32 s1, s0  }
0xc3: {  	s0 =	sadd.s32 $0x8F2B, s0  }
0xc4: {  	[sflag:s0] =	ssyncadd.remote.s32 $0x1  }
0xc5: {  	_ =	sfence.sel $0xFFFF  }
0xc6: {  	[dreg:$0x0] =	wrdreg $0xFFFFFFFF;
	(pc) =	sbr.abs _section_cstart, $3  }
0xc7: {  	[dreg:$0x1] =	wrdreg $0xFFFFFFFF  }
0xc8: {  	_ =	task.clear_ibuf [dreg:s7], $0x2FFFF;
	_ =	strace $0x9FFFFFFF  }
0xc9: {  	(tm) =	ssettm $0x7FFFFFFF  }
tec
execute0_lowered:
.L_overlay_start_1:
0x0: {  	(tag) =	ssettag $0x1  }
0x1: {  	s13 =	rddreg [dreg:$0x0]  }
0x2: {  	s1 =	srdreg.scid;
	s2 =	rddreg [dreg:$0x1]  }
0x3: {  	s0 =	stileid.u32;
	s3 =	rddreg [dreg:$0x2];
	s4 =	simm.s32 $0x0  }
0x4: {  	s18 =	simm.s32 $0x2;
	s21 =	simm.s32 $0x6780;
	s22 =	simm.s32 $0x50  }
0x5: {  	s23 =	simm.s32 $0x1;
	s24 =	simm.s32 $0x6580;
	s10 =	smul.u32 $0x14000, s0  }
0x6: {  	s25 =	simm.s32 $0x0;
	s6 =	sand.u32 $0x1, s1;
	s11 =	smul.u32 $0x50000, s0  }
0x7: {  	s7 =	sshrl.u32 s0, $0x3;
	[smem:$0x7FF] =	sst s4;
	s5 =	smul.u32 $0x27800, s6  }
0x8: {  	s8 =	sshll.u32 s0, $0x7;
	s26 =	sshll.u32 s0, $0xB;
	s7 =	smul.u32 $0x13C00, s7  }
0x9: {  	s12 =	sadd.s32 $0xBB400, s13;
	s19 =	sshll.u32 s0, $0x6;
	s9 =	smul.u32 $0x500000, s6  }
0xa: {  	s8 =	sand.u32 $0x380, s8;
	_ =	strace $0x8000004A;
	s28 =	ssub.s32 $0x2, s6  }
0xb: {  	s6 =	sshll.u32 s6, $0xF;
	s19 =	sor.u32 $0x1C02, s19;
	s29 =	sshrl.u32 s28, $0x1  }
0xc: {  	s31 =	sshrl.u32 s11, $0x2;
	s7 =	sadd.s32 s5, s7;
	s5 =	sadd.s32 $0x6D200, s13  }
0xd: {  	s9 =	sadd.s32 s10, s9;
	s15 =	ssub.s32 s28, s29;
	s20 =	sadd.s32 s31, s3  }
0xe: {  	s7 =	sor.u32 s8, s7;
	s8 =	sadd.s32 s26, s13;
	s9 =	sshrl.u32 s9, $0x3  }
0xf: {  	s15 =	smax.u32 s15, $0x1;
	s20 =	sshrl.u32 s20, $0x3;
	s7 =	sshrl.u32 s7, $0x3  }
0x10: {  	s14 =	sadd.s32 s9, s13;
	s8 =	sadd.s32 s6, s8;
	s9 =	sadd.s32 $0x94300, s13  }
0x11: {  	s7 =	sadd.s32 s7, s13;
	s10 =	sadd.s32 $0x131600, s14;
	s11 =	sadd.s32 $0x159600, s14  }
0x12: {  	s13 =	sadd.s32 $0xE2500, s13;
	s30 =	sadd.s32 $0x63400, s7;
	s7 =	sadd.s32 $0x3400, s8  }
0x13: {  	s8 =	sadd.s32 $0x109600, s14;
	s14 =	sadd.s32 $0x181600, s14;
	[dreg:$0x4] =	wrdreg s30  }
.LBB2_1:
0x14: {  	s0 =	rddreg [dreg:$0x4];
	s1 =	simm.s32 $0x80;
	s6 =	simm.s32 $0x400  }
0x15: {  	[tilespmem:s4], [sflag:$0x2] =	stream.strided.gather [hbm4b:s0+s1], $0x2780, s6, s1, $0x38;
	[tilespmem:$0x1F780] =	vst v63  }
0x16: {  	_ =	swait.ge [sflag:s18], $0x2780  }
0x17: {  	[sflag:s18] =	ssyncset.done $0x0  }
0x18: {  	s26 =	simm.s32 $0x2780;
	[sflag:s18] =	ssyncadd.s32 $0xFFFFD880  }
0x19: {  	[tilespmem:s26], [sflag:$0x2] =	stream.linear.gather [hbm4b:s7+s4], $0x3E80, $0x38;
	[tilespmem:$0x1F780] =	vst v63  }
0x1a: {  	_ =	swait.ge [sflag:s18], $0x3E80  }
0x1b: {  	[sflag:s18] =	ssyncset.done $0x0  }
0x1c: {  	s28 =	sand.u32 $0x1, s4;
	[sflag:s18] =	ssyncadd.s32 $0xFFFFC180  }
0x1d: {  	[spmem:s20], [sflag:s19] =	dma.local [hbm:s2], $0x2800  }
0x1e: {  	s29 =	sxor.u32 $0x1, s28;
	_ =	swait.ge [sflag:s18], $0x2800  }
0x1f: {  	s29 =	smul.u32 $0xA000, s29;
	[sflag:s18] =	ssyncset.done $0x0  }
0x20: {  	[sflag:s18] =	ssyncadd.s32 $0xFFFFD800  }
0x21: {  	s29 =	sshrl.u32 s29, $0x2;
	[bflag:$0x0] =	sbarrier.arrive $0xFFFF  }
0x22: {  	[tilespmem:s21], [sflag:$0x1] =	stream.indirect.gather [hbm4b:s5+s22], $0x80, s4, s22, $0xb8;
	[tilespmem:$0x1F780] =	vst v63  }
0x23: {  	s28 =	smul.u32 $0xA000, s28;
	s29 =	sadd.s32 $0x6780, s29  }
0x24: {  	[tilespmem:s29], [sflag:$0x1] =	stream.indirect.gather [hbm4b:s5+s22], $0x80, s22, s22, $0xb8;
	[tilespmem:$0x1F780] =	vst v63  }
0x25: {  	s29 =	simm.s32 $0x1  }
0x26: {  	s28 =	sshrl.u32 s28, $0x2;
	_ =	swait.ge [sflag:s23], $0x2800;
	s29 =	sand.u32 $0x1, s29  }
0x27: {  	[sflag:s23] =	ssyncset.done $0x0;
	s17 =	sxor.u32 $0x1, s29;
	s29 =	smul.u32 $0xA000, s29  }
0x28: {  	s28 =	sadd.s32 $0x6780, s28;
	[sflag:s23] =	ssyncadd.s32 $0xFFFFD800;
	s31 =	smul.u32 $0xA000, s17  }
0x29: {  	[spmem:s3] =	stream.indirect.scatter.add.f32 [tilespmem:s28], [sflag:$0x2], $0x80, s26, s22, $0xb8;
	[tilespmem:$0x1F780] =	vst v63  }
0x2a: {  	s30 =	simm.s32 $0x2;
	s28 =	simm.s32 $0xA0;
	s26 =	simm.s32 $0x2800  }
.LBB2_2:
0x2b: {  	s31 =	sshrl.u32 s31, $0x2;
	s29 =	sshrl.u32 s29, $0x2  }
0x2c: {  	_ =	swait.ge [sflag:s18], $0x2800;
	s1 =	smov.u32 s30;
	s0 =	smov.u32 s26  }
0x2d: {  	s16 =	sadd.s32 $0x1, s30;
	s31 =	sadd.s32 $0x6780, s31;
	[sflag:s18] =	ssyncset.done $0x0  }
0x2e: {  	p0 =	sne.s32 s30, $0x7B;
	[sflag:s18] =	ssyncadd.s32 $0xFFFFD800  }
0x2f: {  	[tilespmem:s31], [sflag:$0x1] =	stream.indirect.gather [hbm4b:s5+s22], $0x80, s28, s22, $0xb8;
	[tilespmem:$0x1F780] =	vst v63  }
0x30: {  	s1 =	sand.u32 $0x1, s1;
	s28 =	sadd.s32 $0x50, s28  }
.Ltmp0:
0x31: {  	s30 =	sadd.s32 $0x6780, s29;
	_ =	swait.ge [sflag:s23], $0x2800;
	(pc) =	sbr.rel @p0 .LBB2_2-.Ltmp0, $4  }
0x32: {  	s29 =	smul.u32 $0xA000, s1;
	s31 =	sxor.u32 $0x1, s1;
	[sflag:s23] =	ssyncset.done $0x0  }
0x33: {  	s26 =	sadd.s32 $0x80, s26;
	s31 =	smul.u32 $0xA000, s31;
	[sflag:s23] =	ssyncadd.s32 $0xFFFFD800  }
0x34: {  	[spmem:s3] =	stream.indirect.scatter.add.f32 [tilespmem:s30], [sflag:$0x2], $0x80, s0, s22, $0xb8;
	[tilespmem:$0x1F780] =	vst v63  }
0x35: {  	s30 =	smov.u32 s16  }
0x36: {  	_ =	swait.ge [sflag:s18], $0x2800  }
0x37: {  	s0 =	sshrl.u32 s31, $0x2;
	[sflag:s18] =	ssyncset.done $0x0  }
0x38: {  	s0 =	sadd.s32 $0x6780, s0;
	[sflag:s18] =	ssyncadd.s32 $0xFFFFD800  }
0x39: {  	[tilespmem:s0], [sflag:$0x1] =	stream.indirect.gather [hbm4b:s5+s22], $0x80, s28, s22, $0xb8;
	[tilespmem:$0x1F780] =	vst v63  }
0x3a: {  	_ =	swait.ge [sflag:s23], $0x2800  }
0x3b: {  	s1 =	sshrl.u32 s29, $0x2;
	[sflag:s23] =	ssyncset.done $0x0  }
0x3c: {  	s0 =	sadd.s32 $0x6780, s1;
	[sflag:s23] =	ssyncadd.s32 $0xFFFFD800  }
0x3d: {  	[spmem:s3] =	stream.indirect.scatter.add.f32 [tilespmem:s0], [sflag:$0x2], $0x80, s26, s22, $0xb8;
	[tilespmem:$0x1F780] =	vst v63  }
0x3e: {  	_ =	swait.ge [sflag:s18], $0x2800  }
0x3f: {  	[sflag:s18] =	ssyncset.done $0x0  }
0x40: {  	[sflag:s18] =	ssyncadd.s32 $0xFFFFD800  }
0x41: {  	_ =	swait.ge [sflag:s23], $0x2800  }
0x42: {  	[sflag:s23] =	ssyncset.done $0x0  }
0x43: {  	s6 =	simm.s32 $0x50;
	[sflag:s23] =	ssyncadd.s32 $0xFFFFD800  }
0x44: {  	[spmem:s3] =	stream.indirect.scatter.add.f32 [tilespmem:s21], [sflag:$0x2], $0x80, s24, s6, $0xb8;
	[tilespmem:$0x1F780] =	vst v63  }
0x45: {  	_ =	swait.ge [sflag:s18], $0x2800  }
0x46: {  	[sflag:s18] =	ssyncset.done $0x0  }
0x47: {  	[sflag:s18] =	ssyncadd.s32 $0xFFFFD800  }
0x48: {  	[bflag:$0x0] =	sbarrier.arrive $0xFFFF  }
0x49: {  	[hbm:s8], [sflag:s19] =	dma.local [spmem:s20], $0x2800  }
0x4a: {  	_ =	swait.ge [sflag:s18], $0x2800  }
0x4b: {  	s1 =	simm.s32 $0x0;
	[sflag:s18] =	ssyncset.done $0x0  }
0x4c: {  	s16 =	sand.u32 $0x1, s1;
	[sflag:s18] =	ssyncadd.s32 $0xFFFFD800  }
0x4d: {  	[spmem:s20], [sflag:s19] =	dma.local [hbm:s2], $0x2800  }
0x4e: {  	s17 =	sxor.u32 $0x1, s16;
	s16 =	smul.u32 $0xA000, s16;
	_ =	swait.ge [sflag:s18], $0x2800  }
0x4f: {  	s26 =	smul.u32 $0xA000, s17;
	[sflag:s18] =	ssyncset.done $0x0  }
0x50: {  	s30 =	simm.s32 $0x2;
	s28 =	simm.s32 $0xA0;
	[sflag:s18] =	ssyncadd.s32 $0xFFFFD800  }
0x51: {  	s16 =	sshrl.u32 s16, $0x2;
	s26 =	sshrl.u32 s26, $0x2;
	[bflag:$0x0] =	sbarrier.arrive $0xFFFF  }
0x52: {  	[tilespmem:s21], [sflag:$0x1] =	stream.indirect.gather [hbm4b:s9+s6], $0x80, s1, s6, $0xb8;
	[tilespmem:$0x1F780] =	vst v63  }
0x53: {  	s17 =	simm.s32 $0x1;
	s16 =	sadd.s32 $0x6780, s16;
	s1 =	sadd.s32 $0x6780, s26  }
0x54: {  	[tilespmem:s1], [sflag:$0x1] =	stream.indirect.gather [hbm4b:s9+s22], $0x80, s6, s22, $0xb8;
	[tilespmem:$0x1F780] =	vst v63  }
0x55: {  	s6 =	simm.s32 $0x2780;
	s1 =	sand.u32 $0x1, s17;
	_ =	swait.ge [sflag:s23], $0x2800  }
0x56: {  	s26 =	sxor.u32 $0x1, s1;
	s29 =	smul.u32 $0xA000, s1;
	[sflag:s23] =	ssyncset.done $0x0  }
0x57: {  	s31 =	smul.u32 $0xA000, s26;
	s26 =	simm.s32 $0x2800;
	[sflag:s23] =	ssyncadd.s32 $0xFFFFD800  }
0x58: {  	[spmem:s3] =	stream.indirect.scatter.add.f32 [tilespmem:s16], [sflag:$0x2], $0x80, s6, s22, $0xb8;
	[tilespmem:$0x1F780] =	vst v63  }
.LBB2_4:
0x59: {  	s0 =	sshrl.u32 s31, $0x2;
	s1 =	sshrl.u32 s29, $0x2  }
0x5a: {  	_ =	swait.ge [sflag:s18], $0x2800;
	s16 =	smov.u32 s30;
	s17 =	smov.u32 s26  }
0x5b: {  	s6 =	sadd.s32 $0x1, s30;
	s0 =	sadd.s32 $0x6780, s0;
	[sflag:s18] =	ssyncset.done $0x0  }
0x5c: {  	p0 =	sne.s32 s30, $0x7B;
	[sflag:s18] =	ssyncadd.s32 $0xFFFFD800  }
0x5d: {  	[tilespmem:s0], [sflag:$0x1] =	stream.indirect.gather [hbm4b:s9+s22], $0x80, s28, s22, $0xb8;
	[tilespmem:$0x1F780] =	vst v63  }
.Ltmp1:
0x5e: {  	s26 =	sadd.s32 $0x80, s26;
	s28 =	sadd.s32 $0x50, s28;
	(pc) =	sbr.rel @p0 .LBB2_4-.Ltmp1, $4  }
0x5f: {  	s1 =	sadd.s32 $0x6780, s1;
	s0 =	sand.u32 $0x1, s16;
	_ =	swait.ge [sflag:s23], $0x2800  }
0x60: {  	s16 =	sxor.u32 $0x1, s0;
	s29 =	smul.u32 $0xA000, s0;
	[sflag:s23] =	ssyncset.done $0x0  }
0x61: {  	s30 =	smov.u32 s6;
	s31 =	smul.u32 $0xA000, s16;
	[sflag:s23] =	ssyncadd.s32 $0xFFFFD800  }
0x62: {  	[spmem:s3] =	stream.indirect.scatter.add.f32 [tilespmem:s1], [sflag:$0x2], $0x80, s17, s22, $0xb8;
	[tilespmem:$0x1F780] =	vst v63  }
0x63: {  	_ =	swait.ge [sflag:s18], $0x2800  }
0x64: {  	s0 =	sshrl.u32 s31, $0x2;
	[sflag:s18] =	ssyncset.done $0x0  }
0x65: {  	s0 =	sadd.s32 $0x6780, s0;
	[sflag:s18] =	ssyncadd.s32 $0xFFFFD800  }
0x66: {  	[tilespmem:s0], [sflag:$0x1] =	stream.indirect.gather [hbm4b:s9+s22], $0x80, s28, s22, $0xb8;
	[tilespmem:$0x1F780] =	vst v63  }
0x67: {  	_ =	swait.ge [sflag:s23], $0x2800  }
0x68: {  	s16 =	sshrl.u32 s29, $0x2;
	[sflag:s23] =	ssyncset.done $0x0  }
0x69: {  	s0 =	sadd.s32 $0x6780, s16;
	[sflag:s23] =	ssyncadd.s32 $0xFFFFD800  }
0x6a: {  	[spmem:s3] =	stream.indirect.scatter.add.f32 [tilespmem:s0], [sflag:$0x2], $0x80, s26, s22, $0xb8;
	[tilespmem:$0x1F780] =	vst v63  }
0x6b: {  	_ =	swait.ge [sflag:s18], $0x2800  }
0x6c: {  	[sflag:s18] =	ssyncset.done $0x0  }
0x6d: {  	[sflag:s18] =	ssyncadd.s32 $0xFFFFD800  }
0x6e: {  	_ =	swait.ge [sflag:s23], $0x2800  }
0x6f: {  	[sflag:s23] =	ssyncset.done $0x0  }
0x70: {  	s17 =	simm.s32 $0x50;
	[sflag:s23] =	ssyncadd.s32 $0xFFFFD800  }
0x71: {  	[spmem:s3] =	stream.indirect.scatter.add.f32 [tilespmem:s21], [sflag:$0x2], $0x80, s24, s17, $0xb8;
	[tilespmem:$0x1F780] =	vst v63  }
0x72: {  	_ =	swait.ge [sflag:s18], $0x2800  }
0x73: {  	[sflag:s18] =	ssyncset.done $0x0  }
0x74: {  	[sflag:s18] =	ssyncadd.s32 $0xFFFFD800  }
0x75: {  	[bflag:$0x0] =	sbarrier.arrive $0xFFFF  }
0x76: {  	[hbm:s10], [sflag:s19] =	dma.local [spmem:s20], $0x2800  }
0x77: {  	_ =	swait.ge [sflag:s18], $0x2800  }
0x78: {  	s1 =	simm.s32 $0x0;
	[sflag:s18] =	ssyncset.done $0x0  }
0x79: {  	s6 =	sand.u32 $0x1, s1;
	[sflag:s18] =	ssyncadd.s32 $0xFFFFD800  }
0x7a: {  	[spmem:s20], [sflag:s19] =	dma.local [hbm:s2], $0x2800  }
0x7b: {  	s16 =	sxor.u32 $0x1, s6;
	_ =	swait.ge [sflag:s18], $0x2800  }
0x7c: {  	s16 =	smul.u32 $0xA000, s16;
	[sflag:s18] =	ssyncset.done $0x0  }
0x7d: {  	[sflag:s18] =	ssyncadd.s32 $0xFFFFD800  }
0x7e: {  	s6 =	smul.u32 $0xA000, s6;
	s26 =	sshrl.u32 s16, $0x2;
	[bflag:$0x0] =	sbarrier.arrive $0xFFFF  }
0x7f: {  	[tilespmem:s21], [sflag:$0x1] =	stream.indirect.gather [hbm4b:s12+s17], $0x80, s1, s17, $0xb8;
	[tilespmem:$0x1F780] =	vst v63  }
0x80: {  	s30 =	simm.s32 $0x2;
	s6 =	sshrl.u32 s6, $0x2;
	s1 =	sadd.s32 $0x6780, s26  }
0x81: {  	[tilespmem:s1], [sflag:$0x1] =	stream.indirect.gather [hbm4b:s12+s22], $0x80, s17, s22, $0xb8;
	[tilespmem:$0x1F780] =	vst v63  }
0x82: {  	s28 =	simm.s32 $0xA0;
	s6 =	sadd.s32 $0x6780, s6;
	s17 =	simm.s32 $0x1  }
0x83: {  	s16 =	simm.s32 $0x2780;
	_ =	swait.ge [sflag:s23], $0x2800;
	s1 =	sand.u32 $0x1, s17  }
0x84: {  	[sflag:s23] =	ssyncset.done $0x0;
	s26 =	sxor.u32 $0x1, s1;
	s29 =	smul.u32 $0xA000, s1  }
0x85: {  	[sflag:s23] =	ssyncadd.s32 $0xFFFFD800;
	s31 =	smul.u32 $0xA000, s26;
	s26 =	simm.s32 $0x2800  }
0x86: {  	[spmem:s3] =	stream.indirect.scatter.add.f32 [tilespmem:s6], [sflag:$0x2], $0x80, s16, s22, $0xb8;
	[tilespmem:$0x1F780] =	vst v63  }
.LBB2_6:
0x87: {  	s0 =	sshrl.u32 s31, $0x2;
	s1 =	sshrl.u32 s29, $0x2  }
0x88: {  	_ =	swait.ge [sflag:s18], $0x2800;
	s6 =	smov.u32 s30;
	s16 =	smov.u32 s26  }
0x89: {  	s17 =	sadd.s32 $0x1, s30;
	s0 =	sadd.s32 $0x6780, s0;
	[sflag:s18] =	ssyncset.done $0x0  }
0x8a: {  	p0 =	sne.s32 s30, $0x7B;
	[sflag:s18] =	ssyncadd.s32 $0xFFFFD800  }
0x8b: {  	[tilespmem:s0], [sflag:$0x1] =	stream.indirect.gather [hbm4b:s12+s22], $0x80, s28, s22, $0xb8;
	[tilespmem:$0x1F780] =	vst v63  }
.Ltmp2:
0x8c: {  	s26 =	sadd.s32 $0x80, s26;
	s28 =	sadd.s32 $0x50, s28;
	(pc) =	sbr.rel @p0 .LBB2_6-.Ltmp2, $4  }
0x8d: {  	s1 =	sadd.s32 $0x6780, s1;
	s0 =	sand.u32 $0x1, s6;
	_ =	swait.ge [sflag:s23], $0x2800  }
0x8e: {  	s6 =	sxor.u32 $0x1, s0;
	s29 =	smul.u32 $0xA000, s0;
	[sflag:s23] =	ssyncset.done $0x0  }
0x8f: {  	s30 =	smov.u32 s17;
	s31 =	smul.u32 $0xA000, s6;
	[sflag:s23] =	ssyncadd.s32 $0xFFFFD800  }
0x90: {  	[spmem:s3] =	stream.indirect.scatter.add.f32 [tilespmem:s1], [sflag:$0x2], $0x80, s16, s22, $0xb8;
	[tilespmem:$0x1F780] =	vst v63  }
0x91: {  	_ =	swait.ge [sflag:s18], $0x2800  }
0x92: {  	s0 =	sshrl.u32 s31, $0x2;
	[sflag:s18] =	ssyncset.done $0x0  }
0x93: {  	s0 =	sadd.s32 $0x6780, s0;
	[sflag:s18] =	ssyncadd.s32 $0xFFFFD800  }
0x94: {  	[tilespmem:s0], [sflag:$0x1] =	stream.indirect.gather [hbm4b:s12+s22], $0x80, s28, s22, $0xb8;
	[tilespmem:$0x1F780] =	vst v63  }
0x95: {  	_ =	swait.ge [sflag:s23], $0x2800  }
0x96: {  	s16 =	sshrl.u32 s29, $0x2;
	[sflag:s23] =	ssyncset.done $0x0  }
0x97: {  	s0 =	sadd.s32 $0x6780, s16;
	[sflag:s23] =	ssyncadd.s32 $0xFFFFD800  }
0x98: {  	[spmem:s3] =	stream.indirect.scatter.add.f32 [tilespmem:s0], [sflag:$0x2], $0x80, s26, s22, $0xb8;
	[tilespmem:$0x1F780] =	vst v63  }
0x99: {  	_ =	swait.ge [sflag:s18], $0x2800  }
0x9a: {  	[sflag:s18] =	ssyncset.done $0x0  }
0x9b: {  	[sflag:s18] =	ssyncadd.s32 $0xFFFFD800  }
0x9c: {  	_ =	swait.ge [sflag:s23], $0x2800  }
0x9d: {  	[sflag:s23] =	ssyncset.done $0x0  }
0x9e: {  	s17 =	simm.s32 $0x50;
	[sflag:s23] =	ssyncadd.s32 $0xFFFFD800  }
0x9f: {  	[spmem:s3] =	stream.indirect.scatter.add.f32 [tilespmem:s21], [sflag:$0x2], $0x80, s24, s17, $0xb8;
	[tilespmem:$0x1F780] =	vst v63  }
0xa0: {  	_ =	swait.ge [sflag:s18], $0x2800  }
0xa1: {  	[sflag:s18] =	ssyncset.done $0x0  }
0xa2: {  	[sflag:s18] =	ssyncadd.s32 $0xFFFFD800  }
0xa3: {  	[bflag:$0x0] =	sbarrier.arrive $0xFFFF  }
0xa4: {  	[hbm:s11], [sflag:s19] =	dma.local [spmem:s20], $0x2800  }
0xa5: {  	_ =	swait.ge [sflag:s18], $0x2800  }
0xa6: {  	s1 =	simm.s32 $0x0;
	[sflag:s18] =	ssyncset.done $0x0  }
0xa7: {  	s6 =	sand.u32 $0x1, s1;
	[sflag:s18] =	ssyncadd.s32 $0xFFFFD800  }
0xa8: {  	[spmem:s20], [sflag:s19] =	dma.local [hbm:s2], $0x2800  }
0xa9: {  	s16 =	sxor.u32 $0x1, s6;
	_ =	swait.ge [sflag:s18], $0x2800  }
0xaa: {  	s16 =	smul.u32 $0xA000, s16;
	[sflag:s18] =	ssyncset.done $0x0  }
0xab: {  	[sflag:s18] =	ssyncadd.s32 $0xFFFFD800  }
0xac: {  	s6 =	smul.u32 $0xA000, s6;
	s26 =	sshrl.u32 s16, $0x2;
	[bflag:$0x0] =	sbarrier.arrive $0xFFFF  }
0xad: {  	[tilespmem:s21], [sflag:$0x1] =	stream.indirect.gather [hbm4b:s13+s17], $0x80, s1, s17, $0xb8;
	[tilespmem:$0x1F780] =	vst v63  }
0xae: {  	s30 =	simm.s32 $0x2;
	s6 =	sshrl.u32 s6, $0x2;
	s1 =	sadd.s32 $0x6780, s26  }
0xaf: {  	[tilespmem:s1], [sflag:$0x1] =	stream.indirect.gather [hbm4b:s13+s22], $0x80, s17, s22, $0xb8;
	[tilespmem:$0x1F780] =	vst v63  }
0xb0: {  	s28 =	simm.s32 $0xA0;
	s6 =	sadd.s32 $0x6780, s6;
	s17 =	simm.s32 $0x1  }
0xb1: {  	s16 =	simm.s32 $0x2780;
	_ =	swait.ge [sflag:s23], $0x2800;
	s1 =	sand.u32 $0x1, s17  }
0xb2: {  	[sflag:s23] =	ssyncset.done $0x0;
	s26 =	sxor.u32 $0x1, s1;
	s29 =	smul.u32 $0xA000, s1  }
0xb3: {  	[sflag:s23] =	ssyncadd.s32 $0xFFFFD800;
	s31 =	smul.u32 $0xA000, s26;
	s26 =	simm.s32 $0x2800  }
0xb4: {  	[spmem:s3] =	stream.indirect.scatter.add.f32 [tilespmem:s6], [sflag:$0x2], $0x80, s16, s22, $0xb8;
	[tilespmem:$0x1F780] =	vst v63  }
.LBB2_8:
0xb5: {  	s0 =	sshrl.u32 s31, $0x2;
	s1 =	sshrl.u32 s29, $0x2  }
0xb6: {  	_ =	swait.ge [sflag:s18], $0x2800;
	s6 =	smov.u32 s30;
	s16 =	smov.u32 s26  }
0xb7: {  	s17 =	sadd.s32 $0x1, s30;
	s0 =	sadd.s32 $0x6780, s0;
	[sflag:s18] =	ssyncset.done $0x0  }
0xb8: {  	p0 =	sne.s32 s30, $0x7B;
	[sflag:s18] =	ssyncadd.s32 $0xFFFFD800  }
0xb9: {  	[tilespmem:s0], [sflag:$0x1] =	stream.indirect.gather [hbm4b:s13+s22], $0x80, s28, s22, $0xb8;
	[tilespmem:$0x1F780] =	vst v63  }
.Ltmp3:
0xba: {  	s26 =	sadd.s32 $0x80, s26;
	s28 =	sadd.s32 $0x50, s28;
	(pc) =	sbr.rel @p0 .LBB2_8-.Ltmp3, $4  }
0xbb: {  	s1 =	sadd.s32 $0x6780, s1;
	s0 =	sand.u32 $0x1, s6;
	_ =	swait.ge [sflag:s23], $0x2800  }
0xbc: {  	s6 =	sxor.u32 $0x1, s0;
	s29 =	smul.u32 $0xA000, s0;
	[sflag:s23] =	ssyncset.done $0x0  }
0xbd: {  	s30 =	smov.u32 s17;
	s31 =	smul.u32 $0xA000, s6;
	[sflag:s23] =	ssyncadd.s32 $0xFFFFD800  }
0xbe: {  	[spmem:s3] =	stream.indirect.scatter.add.f32 [tilespmem:s1], [sflag:$0x2], $0x80, s16, s22, $0xb8;
	[tilespmem:$0x1F780] =	vst v63  }
0xbf: {  	_ =	swait.ge [sflag:s18], $0x2800  }
0xc0: {  	s0 =	sshrl.u32 s31, $0x2;
	[sflag:s18] =	ssyncset.done $0x0  }
0xc1: {  	s0 =	sadd.s32 $0x6780, s0;
	[sflag:s18] =	ssyncadd.s32 $0xFFFFD800  }
0xc2: {  	[tilespmem:s0], [sflag:$0x1] =	stream.indirect.gather [hbm4b:s13+s22], $0x80, s28, s22, $0xb8;
	[tilespmem:$0x1F780] =	vst v63  }
0xc3: {  	_ =	swait.ge [sflag:s23], $0x2800  }
0xc4: {  	s31 =	sshrl.u32 s29, $0x2;
	[sflag:s23] =	ssyncset.done $0x0  }
0xc5: {  	s0 =	sadd.s32 $0x6780, s31;
	[sflag:s23] =	ssyncadd.s32 $0xFFFFD800  }
0xc6: {  	[spmem:s3] =	stream.indirect.scatter.add.f32 [tilespmem:s0], [sflag:$0x2], $0x80, s26, s22, $0xb8;
	[tilespmem:$0x1F780] =	vst v63  }
0xc7: {  	_ =	swait.ge [sflag:s18], $0x2800  }
0xc8: {  	[sflag:s18] =	ssyncset.done $0x0  }
0xc9: {  	[sflag:s18] =	ssyncadd.s32 $0xFFFFD800  }
0xca: {  	_ =	swait.ge [sflag:s23], $0x2800  }
0xcb: {  	[sflag:s23] =	ssyncset.done $0x0  }
0xcc: {  	[sflag:s23] =	ssyncadd.s32 $0xFFFFD800  }
0xcd: {  	[spmem:s3] =	stream.indirect.scatter.add.f32 [tilespmem:s21], [sflag:$0x2], $0x80, s24, s22, $0xb8;
	[tilespmem:$0x1F780] =	vst v63  }
0xce: {  	_ =	swait.ge [sflag:s18], $0x2800  }
0xcf: {  	s25 =	sadd.s32 $0x1, s25;
	[sflag:s18] =	ssyncset.done $0x0  }
0xd0: {  	p0 =	sne.s32 s25, s15;
	[sflag:s18] =	ssyncadd.s32 $0xFFFFD800  }
.Ltmp4:
0xd1: {  	[bflag:$0x0] =	sbarrier.arrive $0xFFFF;
	(pc) =	sbr.rel @p0 .LBB2_1-.Ltmp4, $4  }
0xd2: {  	[hbm:s14], [sflag:s19] =	dma.local [spmem:s20], $0x2800  }
0xd3: {  	_ =	swait.ge [sflag:s18], $0x2800  }
0xd4: {  	[sflag:s18] =	ssyncset.done $0x0  }
0xd5: {  	[sflag:s18] =	ssyncadd.s32 $0xFFFFD800  }
0xd6: {  	_ =	sfence.sel $0x180000  }
0xd7: {  	[bflag:$0x0] =	sbarrier.arrive $0xFFFF  }
0xd8: {  	_ =	strace $0x9000004A  }
0xd9: {  	s0 =	stileid.u32;
	[bflag:$0x2] =	sbarrier.arrive $0xFFFF  }
0xda: {  	p0 =	sne.s32 s0, $0x0;
	s0 =	rddreg [dreg:$0x3]  }
0xdb: {  	s0 =	sadd.s32 @!p0 $0x100000, s0  }
0xdc: {  	[sflag:s0] =	ssyncadd.tile.s32 @!p0 $0x1;
	_ =	shalt  }
.Lfunc_end2:
_tile_overlayer_lowered:
.L_overlay_start_2:
0xdd: {  	(tag) =	ssettag $0x2  }
0xde: {  	s0 =	rddreg [dreg:$0x0];
	s2 =	stileid.u32  }
0xdf: {  	s1 =	rddreg [dreg:$0x1];
	p0 =	sne.s32 s2, $0x0  }
0xe0: {  	s3 =	rddreg [dreg:$0x2];
	[bflag:$0x3] =	sbarrier.arrive $0xFFFF;
	s2 =	simm.s32 @!p0 $0x1C02  }
0xe1: {  	[timem:s3], [sflag:s2] =	dma.local @!p0 [hbm:s0], s1  }
0xe2: {  	s0 =	simm.s32 @!p0 $0x2  }
0xe3: {  	_ =	swait.ge @!p0 [sflag:s0], s1  }
0xe4: {  	s1 =	ssub.s32 @!p0 $0x0, s1;
	[sflag:s0] =	ssyncset.done @!p0 $0x0  }
0xe5: {  	[sflag:s0] =	ssyncadd.s32 @!p0 s1  }
0xe6: {  	[bflag:$0x3] =	sbarrier.arrive $0xFFFF  }
0xe7: {  	_ =	shalt  }

// kernel: kernel.16.cloned.1.call-start
scs
__scs_entry_jumppad:
0x0: {  	(pc) =	sbr.rel $0x88, $3  }
0x1: {  	(tag) =	ssettag $0x0;
	lr =	simm.s32 $0x1  }
0x2: {  	[smem:$0x3F96] =	sst lr;
	_ =	strace $0xD0000000  }
0x3: {  	_ = 	snop  }
0x4: {  	_ = 	snop  }
0x5: {  	_ = 	snop  }
0x6: {  	_ = 	snop  }
0x7: {  	_ = 	snop  }
__scs_overlays_trampoline_lowered:
0x8: {  	[smem:$0x3FA5] =	sst s0  }
0x9: {  	[smem:$0x3FA6] =	sst s1  }
0xa: {  	[smem:$0x3FA7] =	sst s2  }
0xb: {  	[smem:$0x3FA8] =	sst s3  }
0xc: {  	[smem:$0x3FA9] =	sst s4  }
0xd: {  	[smem:$0x3FAA] =	sst s5  }
0xe: {  	[smem:$0x3FAB] =	sst s6  }
0xf: {  	[smem:$0x3FAC] =	sst s7  }
0x10: {  	[smem:$0x3FAD] =	sst s8  }
0x11: {  	[smem:$0x3FAE] =	sst s9;
	s0 =	simm.s32 @!p0 $0x0  }
0x12: {  	s1 =	sld [smem:$0x3F94];
	s0 =	simm.s32 @p0 $0x1  }
0x13: {  	[smem:$0x3FAF] =	sst s0;
	s0 =	simm.s32 @!p1 $0x0  }
0x14: {  	s2 =	sld [smem:$0x3F93];
	s0 =	simm.s32 @p1 $0x1  }
0x15: {  	[smem:$0x3FB0] =	sst s0;
	s0 =	simm.s32 @!p2 $0x0  }
0x16: {  	s3 =	sld [smem:$0x3FDB];
	s0 =	simm.s32 @p2 $0x1  }
0x17: {  	s4 =	simm.s32 $0x1BF5;
	[smem:$0x3FB2] =	sst s0  }
0x18: {  	s0 =	sld [smem:$0x3F95];
	_ =	swait.ge [sflag:s4], $0x0  }
0x19: {  	s7 =	sld [smem:$0x3F96]  }
0x1a: {  	s8 =	sadd.s32 $0xFFFFE003, lr  }
0x1b: {  	s9 =	sadd.s32 $0xFFFFFEF7, lr;
	s5 =	simm.s32 $0xFFFFFFFF;
	p2 =	slt.u32 s8, $0xFFFFF086  }
0x1c: {  	p1 =	slt.u32 s9, $0xF7A;
	s5 =	simm.s32 @!p2 $0x0  }
0x1d: {  	s5 =	simm.s32 @p1 $0x1;
	p0 =	seq.s32 s7, s2  }
0x1e: {  	s7 =	smul.u32 @!p0 $0xF7A, s2;
	p2 =	seq.s32 @!p0 s5, $0x0  }
0x1f: {  	s9 =	smul.u32 $0xF7A, s1;
	s8 =	simm.s32 @!p0 $0x1BF5;
	p2 =	por !p2, p0  }
0x20: {  	[sflag:s8] =	ssyncset.s32 @!p0 $0xFFFFF086;
	s6 =	sadd.s32 @!p0 s3, s7;
	s7 =	simm.s32 @!p0 $0x108  }
0x21: {  	s3 =	sadd.s32 s3, s9;
	s6 =	sadd.s32 @!p0 $0x88, s6;
	s7 =	simm.s32 @p2 $0x1082  }
0x22: {  	[simem:s7], [sflag:s8] =	dma.local @!p0 [hbm:s6], $0xF7A  }
0x23: {  	s9 =	sor.u32 $0xD0000000, s2;
	s6 =	simm.s32 $0x108;
	_ =	swait.ge @!p0 [sflag:s8], $0x0  }
0x24: {  	s3 =	sadd.s32 $0x88, s3;
	s6 =	simm.s32 @!p1 $0x1082;
	[sflag:s4] =	ssyncset.s32 $0xFFFFF086  }
0x25: {  	[simem:s6], [sflag:s4] =	dma.local [hbm:s3], $0xF7A  }
0x26: {  	[smem:$0x3F96] =	sst s1;
	(tag) =	ssettag s2;
	_ =	strace s9  }
0x27: {  	s1 =	sld [smem:$0x3FA6]  }
0x28: {  	s2 =	sld [smem:$0x3FA7]  }
0x29: {  	s4 =	sld [smem:$0x3FA9]  }
0x2a: {  	p0 =	seq.s32 s5, $0x0;
	s5 =	sld [smem:$0x3FAA]  }
0x2b: {  	s6 =	sld [smem:$0x3FAB]  }
0x2c: {  	s7 =	sld [smem:$0x3FAC]  }
0x2d: {  	s3 =	simm.s32 $0x108;
	s8 =	sld [smem:$0x3FAD]  }
0x2e: {  	s3 =	simm.s32 @!p0 $0x1082;
	s9 =	sld [smem:$0x3FAE]  }
0x2f: {  	lr =	sadd.s32 s0, s3;
	s0 =	sld [smem:$0x3FA5]  }
0x30: {  	s3 =	sld [smem:$0x3FA8]  }
0x31: {  	[smem:$0x3FB1] =	sst s10  }
0x32: {  	s10 =	sld [smem:$0x3FAF];
	_ =	sdelay $0x3  }
0x33: {  	p0 =	seq.s32 s10, $0x1;
	s10 =	sld [smem:$0x3FB1];
	_ =	sdelay $0x3  }
0x34: {  	[smem:$0x3FB1] =	sst s10  }
0x35: {  	s10 =	sld [smem:$0x3FB0];
	_ =	sdelay $0x3  }
0x36: {  	p1 =	seq.s32 s10, $0x1;
	s10 =	sld [smem:$0x3FB1];
	_ =	sdelay $0x3  }
0x37: {  	[smem:$0x3FB1] =	sst s10  }
0x38: {  	s10 =	sld [smem:$0x3FB2]  }
0x39: {  	_ = 	snop;
	(pc) =	sbr.ind lr, $3  }
0x3a: {  	_ = 	snop  }
0x3b: {  	_ = 	snop  }
0x3c: {  	p2 =	seq.s32 s10, $0x1;
	s10 =	sld [smem:$0x3FB1]  }
0x3d: {  	_ =	shalt  }
0x3e: {  	_ =	shalt  }
0x3f: {  	_ =	shalt  }
0x40: {  	_ =	shalt  }
0x41: {  	_ =	shalt  }
0x42: {  	_ =	shalt  }
0x43: {  	_ =	shalt  }
0x44: {  	_ =	shalt  }
0x45: {  	_ =	shalt  }
0x46: {  	_ =	shalt  }
0x47: {  	_ =	shalt  }
0x48: {  	_ =	shalt  }
0x49: {  	_ =	shalt  }
0x4a: {  	_ =	shalt  }
0x4b: {  	_ =	shalt  }
0x4c: {  	_ =	shalt  }
0x4d: {  	_ =	shalt  }
0x4e: {  	_ =	shalt  }
0x4f: {  	_ =	shalt  }
0x50: {  	_ =	shalt  }
0x51: {  	_ =	shalt  }
0x52: {  	_ =	shalt  }
0x53: {  	_ =	shalt  }
0x54: {  	_ =	shalt  }
0x55: {  	_ =	shalt  }
0x56: {  	_ =	shalt  }
0x57: {  	_ =	shalt  }
0x58: {  	_ =	shalt  }
0x59: {  	_ =	shalt  }
0x5a: {  	_ =	shalt  }
0x5b: {  	_ =	shalt  }
0x5c: {  	_ =	shalt  }
0x5d: {  	_ =	shalt  }
0x5e: {  	_ =	shalt  }
0x5f: {  	_ =	shalt  }
0x60: {  	_ =	shalt  }
0x61: {  	_ =	shalt  }
0x62: {  	_ =	shalt  }
0x63: {  	_ =	shalt  }
0x64: {  	_ =	shalt  }
0x65: {  	_ =	shalt  }
0x66: {  	_ =	shalt  }
0x67: {  	_ =	shalt  }
0x68: {  	_ =	shalt  }
0x69: {  	_ =	shalt  }
0x6a: {  	_ =	shalt  }
0x6b: {  	_ =	shalt  }
0x6c: {  	_ =	shalt  }
0x6d: {  	_ =	shalt  }
0x6e: {  	_ =	shalt  }
0x6f: {  	_ =	shalt  }
0x70: {  	_ =	shalt  }
0x71: {  	_ =	shalt  }
0x72: {  	_ =	shalt  }
0x73: {  	_ =	shalt  }
0x74: {  	_ =	shalt  }
0x75: {  	_ =	shalt  }
0x76: {  	_ =	shalt  }
0x77: {  	_ =	shalt  }
0x78: {  	_ =	shalt  }
0x79: {  	_ =	shalt  }
0x7a: {  	_ =	shalt  }
0x7b: {  	_ =	shalt  }
0x7c: {  	_ =	shalt  }
0x7d: {  	_ =	shalt  }
0x7e: {  	_ =	shalt  }
0x7f: {  	_ =	shalt  }
0x80: {  	_ =	shalt  }
0x81: {  	_ =	shalt  }
0x82: {  	_ =	shalt  }
0x83: {  	_ =	shalt  }
0x84: {  	_ =	shalt  }
0x85: {  	_ =	shalt  }
0x86: {  	_ =	shalt  }
0x87: {  	_ =	shalt  }
.Lfunc_end0:
.L_simem_size_0:
called_computation.2_lowered:
.L_overlay_start_0:
0x88: {  	s2 =	sld [smem:$0x3FD9]  }
0x89: {  	s3 =	sld [smem:$0x3FFE];
	_ =	sdelay $0x1  }
0x8a: {  	s1 =	srdreg.scid  }
0x8b: {  	s0 =	sand.u32 $0x1, s1  }
0x8c: {  	s14 =	sshll.u32 s0, $0xA;
	s2 =	sadd.s32 s3, s2  }
0x8d: {  	s2 =	sadd.s32 s2, s14  }
0x8e: {  	[smem:$0x3FBD] =	sst s2  }
0x8f: {  	_ = 	snop  }
0x90: {  	s2 =	sld [smem:$0x3FD0];
	_ =	sdelay $0x2  }
0x91: {  	s15 =	simm.s32 $0xA;
	s4 =	simm.s32 $0x10  }
0x92: {  	[smem:s4], [sflag:s15] =	dma.local [hbm:s2], $0x1  }
0x93: {  	_ =	swait.eq [sflag:s15], $0x1  }
0x94: {  	[sflag:s15] =	ssyncset.done $0x0  }
0x95: {  	[sflag:s15] =	ssyncadd.s32 $0xFFFFFFFF  }
0x96: {  	s16 =	sld [smem:$0x12];
	(tm) =	ssettm $0x1  }
0x97: {  	s17 =	sld [smem:$0x3FFB];
	_ =	sdelay $0x3  }
0x98: {  	_ =	strace s17  }
0x99: {  	s3 =	sld [smem:$0x3FFC];
	_ =	sdelay $0x3  }
0x9a: {  	_ =	strace s3  }
0x9b: {  	s3 =	sld [smem:$0x3FFD];
	_ =	sdelay $0x3  }
0x9c: {  	_ =	strace s3  }
0x9d: {  	_ =	strace $0x8FFFFFFF  }
0x9e: {  	s18 =	sld [smem:$0x3FDB];
	_ =	sdelay $0x1  }
0x9f: {  	s19 =	simm.s32 $_scs_section_size  }
0xa0: {  	s5 =	simm.s32 $_size__tile_overlayer_lowered;
	s6 =	simm.s32 $_tile_overlayer_lowered  }
0xa1: {  	s22 =	simm.s32 $0x1BFF;
	s21 =	sshll.u32 s6, $0x1;
	s3 =	sadd.s32 s19, s18  }
0xa2: {  	s7 =	simm.s32 $0x0;
	s20 =	sshll.u32 s5, $0x1;
	s5 =	sadd.s32 s21, s3  }
0xa3: {  	[timem:s7], [sflag:s22] =	dma.local [hbm:s5], s20  }
0xa4: {  	_ =	swait.ge [sflag:s22], s20  }
0xa5: {  	s4 =	ssub.s32 $0x0, s20;
	[sflag:s22] =	ssyncset.done $0x0  }
0xa6: {  	[sflag:s22] =	ssyncadd.s32 s4;
	_ =	sdelay $0x1  }
0xa7: {  	s23 =	simm.s32 $0x1B8B  }
0xa8: {  	_ =	swait.ge [sflag:s23], $0x1  }
0xa9: {  	[sflag:s23] =	ssyncset.done $0x0  }
0xaa: {  	s25 =	simm.s32 $0x1B8E;
	s24 =	sld [smem:$0x3FFE];
	[sflag:s23] =	ssyncadd.s32 $0xFFFFFFFF  }
0xab: {  	s26 =	simm.s32 $execute0_lowered;
	[smem:$0x3FD2] =	sst s25  }
0xac: {  	s5 =	sshll.u32 s26, $0x1;
	_ =	strace $0x8000004C;
	[dreg:$0x1] =	wrdreg $0xFFFFFFFF  }
0xad: {  	s28 =	simm.s32 $_size_execute0_lowered;
	s3 =	sadd.s32 s3, s5;
	[dreg:$0x0] =	wrdreg $0x0  }
0xae: {  	s5 =	sshll.u32 s28, $0x1;
	[dreg:$0x2] =	wrdreg s3  }
0xaf: {  	[dreg:$0x3] =	wrdreg s5  }
0xb0: {  	[dreg:$0x4] =	wrdreg $0xC0  }
0xb1: {  	_ =	task [dreg:s7], $0x5FFFF  }
0xb2: {  	[dreg:$0x1] =	wrdreg $0xFFFFFFFF  }
0xb3: {  	[dreg:$0x0] =	wrdreg $0x60  }
0xb4: {  	[dreg:$0x2] =	wrdreg s24  }
0xb5: {  	[dreg:$0x3] =	wrdreg s16  }
0xb6: {  	[dreg:$0x4] =	wrdreg $0xB7800  }
0xb7: {  	[dreg:$0x5] =	wrdreg $0x9  }
0xb8: {  	_ =	task.clear_ibuf [dreg:s7], $0x6FFFF;
	_ =	strace $0x9000004C  }
0xb9: {  	s29 =	simm.s32 $0x9;
	_ =	strace $0x8000004E  }
0xba: {  	_ =	swait.ge [sflag:s29], $0x1  }
0xbb: {  	[sflag:s29] =	ssyncadd.s32 $0xFFFFFFFF  }
0xbc: {  	_ =	strace $0x9000004E  }
0xbd: {  	_ =	sfence  }
0xbe: {  	s30 =	sld [smem:$0x0];
	_ =	sdelay $0x2  }
0xbf: {  	s31 =	sshll.u32 s1, $0xD;
	s1 =	sshrl.u32 s1, $0x2  }
0xc0: {  	s3 =	sand.u32 $0x4000, s31;
	s1 =	sadd.s32 s1, s30  }
0xc1: {  	s0 =	sor.u32 s3, s0;
	s1 =	sshll.u32 s1, $0x11  }
0xc2: {  	s0 =	sor.u32 s1, s0  }
0xc3: {  	s0 =	sadd.s32 $0x8F2B, s0  }
0xc4: {  	[sflag:s0] =	ssyncadd.remote.s32 $0x1  }
0xc5: {  	_ =	sfence.sel $0xFFFF  }
0xc6: {  	[dreg:$0x0] =	wrdreg $0xFFFFFFFF;
	(pc) =	sbr.abs _section_cstart, $3  }
0xc7: {  	[dreg:$0x1] =	wrdreg $0xFFFFFFFF  }
0xc8: {  	_ =	task.clear_ibuf [dreg:s7], $0x2FFFF;
	_ =	strace $0x9FFFFFFF  }
0xc9: {  	(tm) =	ssettm $0x7FFFFFFF  }
tec
execute0_lowered:
.L_overlay_start_1:
0x0: {  	(tag) =	ssettag $0x1  }
0x1: {  	s9 =	rddreg [dreg:$0x0];
	s1 =	srdreg.scid  }
0x2: {  	s2 =	rddreg [dreg:$0x1];
	s0 =	stileid.u32  }
0x3: {  	s3 =	rddreg [dreg:$0x2];
	s4 =	simm.s32 $0x0;
	s17 =	simm.s32 $0x6780  }
0x4: {  	s18 =	simm.s32 $0x50;
	s19 =	simm.s32 $0x1;
	s20 =	simm.s32 $0x6580  }
0x5: {  	s21 =	simm.s32 $0x0;
	s6 =	sand.u32 $0x1, s1;
	s10 =	smul.u32 $0x14000, s0  }
0x6: {  	s7 =	sshrl.u32 s0, $0x3;
	s1 =	rddreg [dreg:$0x3];
	s12 =	smul.u32 $0x50000, s0  }
0x7: {  	[smem:$0x7FF] =	sst s4;
	s8 =	sshll.u32 s0, $0x7;
	s5 =	smul.u32 $0x27800, s6  }
0x8: {  	s11 =	sshll.u32 s0, $0xB;
	s15 =	sshll.u32 s0, $0x6;
	s7 =	smul.u32 $0x13C00, s7  }
0x9: {  	s25 =	sand.u32 $0x380, s8;
	s26 =	smul.u32 $0x280000, s6;
	_ =	strace $0x8000004D  }
0xa: {  	s11 =	sadd.s32 s11, s9;
	s28 =	ssub.s32 $0x2, s6;
	s6 =	sshll.u32 s6, $0xF  }
0xb: {  	s15 =	sor.u32 $0x1C02, s15;
	s29 =	sshrl.u32 s28, $0x1;
	s30 =	sadd.s32 s6, s11  }
0xc: {  	s31 =	sshrl.u32 s12, $0x2;
	s12 =	simm.s32 $0x80;
	s5 =	sadd.s32 s5, s7  }
0xd: {  	s8 =	sadd.s32 s10, s26;
	s14 =	ssub.s32 s28, s29;
	s16 =	sadd.s32 s31, s3  }
0xe: {  	s7 =	sor.u32 s25, s5;
	s5 =	sadd.s32 $0x13400, s9;
	s8 =	sshrl.u32 s8, $0x3  }
0xf: {  	s11 =	smax.u32 s14, $0x1;
	s14 =	simm.s32 $0x2;
	s7 =	sshrl.u32 s7, $0x3  }
0x10: {  	s16 =	sshrl.u32 s16, $0x3;
	s13 =	sadd.s32 s8, s9;
	s7 =	sadd.s32 s7, s9  }
0x11: {  	s8 =	sadd.s32 $0x6D200, s13;
	s9 =	sadd.s32 $0x3A500, s9;
	s10 =	sadd.s32 $0x95200, s13  }
0x12: {  	s13 =	simm.s32 $0x400;
	s6 =	sadd.s32 $0x63400, s7;
	s7 =	sadd.s32 $0x3400, s30  }
.LBB2_1:
0x13: {  	[tilespmem:s4], [sflag:$0x2] =	stream.strided.gather [hbm4b:s6+s12], $0x2780, s13, s12, $0x38;
	[tilespmem:$0x1F780] =	vst v63  }
0x14: {  	_ =	swait.ge [sflag:s14], $0x2780  }
0x15: {  	[sflag:s14] =	ssyncset.done $0x0  }
0x16: {  	s22 =	simm.s32 $0x2780;
	[sflag:s14] =	ssyncadd.s32 $0xFFFFD880  }
0x17: {  	[tilespmem:s22], [sflag:$0x2] =	stream.linear.gather [hbm4b:s7+s4], $0x3E80, $0x38;
	[tilespmem:$0x1F780] =	vst v63  }
0x18: {  	_ =	swait.ge [sflag:s14], $0x3E80  }
0x19: {  	[sflag:s14] =	ssyncset.done $0x0  }
0x1a: {  	s23 =	sand.u32 $0x1, s4;
	[sflag:s14] =	ssyncadd.s32 $0xFFFFC180  }
0x1b: {  	[spmem:s16], [sflag:s15] =	dma.local [hbm:s2], $0x2800  }
0x1c: {  	s24 =	sxor.u32 $0x1, s23;
	_ =	swait.ge [sflag:s14], $0x2800  }
0x1d: {  	s24 =	smul.u32 $0xA000, s24;
	[sflag:s14] =	ssyncset.done $0x0  }
0x1e: {  	[sflag:s14] =	ssyncadd.s32 $0xFFFFD800  }
0x1f: {  	s24 =	sshrl.u32 s24, $0x2;
	[bflag:$0x0] =	sbarrier.arrive $0xFFFF  }
0x20: {  	[tilespmem:s17], [sflag:$0x1] =	stream.indirect.gather [hbm4b:s5+s18], $0x80, s4, s18, $0xb8;
	[tilespmem:$0x1F780] =	vst v63  }
0x21: {  	s30 =	simm.s32 $0x1;
	s23 =	smul.u32 $0xA000, s23;
	s24 =	sadd.s32 $0x6780, s24  }
0x22: {  	[tilespmem:s24], [sflag:$0x1] =	stream.indirect.gather [hbm4b:s5+s18], $0x80, s18, s18, $0xb8;
	[tilespmem:$0x1F780] =	vst v63  }
0x23: {  	s23 =	sshrl.u32 s23, $0x2;
	s24 =	sand.u32 $0x1, s30;
	_ =	swait.ge [sflag:s19], $0x2800  }
0x24: {  	s31 =	sxor.u32 $0x1, s24;
	s24 =	smul.u32 $0xA000, s24;
	[sflag:s19] =	ssyncset.done $0x0  }
0x25: {  	s23 =	sadd.s32 $0x6780, s23;
	s26 =	smul.u32 $0xA000, s31;
	[sflag:s19] =	ssyncadd.s32 $0xFFFFD800  }
0x26: {  	[spmem:s3] =	stream.indirect.scatter.add.f32 [tilespmem:s23], [sflag:$0x2], $0x80, s22, s18, $0xb8;
	[tilespmem:$0x1F780] =	vst v63  }
0x27: {  	s25 =	simm.s32 $0x2;
	s23 =	simm.s32 $0xA0;
	s22 =	simm.s32 $0x2800  }
.LBB2_2:
0x28: {  	s26 =	sshrl.u32 s26, $0x2;
	s24 =	sshrl.u32 s24, $0x2  }
0x29: {  	_ =	swait.ge [sflag:s14], $0x2800;
	s28 =	smov.u32 s25;
	s29 =	smov.u32 s22  }
0x2a: {  	s30 =	sadd.s32 $0x1, s25;
	s26 =	sadd.s32 $0x6780, s26;
	[sflag:s14] =	ssyncset.done $0x0  }
0x2b: {  	p0 =	sne.s32 s25, $0x7B;
	[sflag:s14] =	ssyncadd.s32 $0xFFFFD800  }
0x2c: {  	[tilespmem:s26], [sflag:$0x1] =	stream.indirect.gather [hbm4b:s5+s18], $0x80, s23, s18, $0xb8;
	[tilespmem:$0x1F780] =	vst v63  }
.Ltmp0:
0x2d: {  	s22 =	sadd.s32 $0x80, s22;
	s23 =	sadd.s32 $0x50, s23;
	(pc) =	sbr.rel @p0 .LBB2_2-.Ltmp0, $4  }
0x2e: {  	s25 =	sand.u32 $0x1, s28;
	s28 =	sadd.s32 $0x6780, s24;
	_ =	swait.ge [sflag:s19], $0x2800  }
0x2f: {  	s24 =	smul.u32 $0xA000, s25;
	s26 =	sxor.u32 $0x1, s25;
	[sflag:s19] =	ssyncset.done $0x0  }
0x30: {  	s25 =	smov.u32 s30;
	s26 =	smul.u32 $0xA000, s26;
	[sflag:s19] =	ssyncadd.s32 $0xFFFFD800  }
0x31: {  	[spmem:s3] =	stream.indirect.scatter.add.f32 [tilespmem:s28], [sflag:$0x2], $0x80, s29, s18, $0xb8;
	[tilespmem:$0x1F780] =	vst v63  }
0x32: {  	_ =	swait.ge [sflag:s14], $0x2800  }
0x33: {  	s25 =	sshrl.u32 s26, $0x2;
	[sflag:s14] =	ssyncset.done $0x0  }
0x34: {  	s25 =	sadd.s32 $0x6780, s25;
	[sflag:s14] =	ssyncadd.s32 $0xFFFFD800  }
0x35: {  	[tilespmem:s25], [sflag:$0x1] =	stream.indirect.gather [hbm4b:s5+s18], $0x80, s23, s18, $0xb8;
	[tilespmem:$0x1F780] =	vst v63  }
0x36: {  	_ =	swait.ge [sflag:s19], $0x2800  }
0x37: {  	s28 =	sshrl.u32 s24, $0x2;
	[sflag:s19] =	ssyncset.done $0x0  }
0x38: {  	s23 =	sadd.s32 $0x6780, s28;
	[sflag:s19] =	ssyncadd.s32 $0xFFFFD800  }
0x39: {  	[spmem:s3] =	stream.indirect.scatter.add.f32 [tilespmem:s23], [sflag:$0x2], $0x80, s22, s18, $0xb8;
	[tilespmem:$0x1F780] =	vst v63  }
0x3a: {  	_ =	swait.ge [sflag:s14], $0x2800  }
0x3b: {  	[sflag:s14] =	ssyncset.done $0x0  }
0x3c: {  	[sflag:s14] =	ssyncadd.s32 $0xFFFFD800  }
0x3d: {  	_ =	swait.ge [sflag:s19], $0x2800  }
0x3e: {  	[sflag:s19] =	ssyncset.done $0x0  }
0x3f: {  	s29 =	simm.s32 $0x50;
	[sflag:s19] =	ssyncadd.s32 $0xFFFFD800  }
0x40: {  	[spmem:s3] =	stream.indirect.scatter.add.f32 [tilespmem:s17], [sflag:$0x2], $0x80, s20, s29, $0xb8;
	[tilespmem:$0x1F780] =	vst v63  }
0x41: {  	_ =	swait.ge [sflag:s14], $0x2800  }
0x42: {  	[sflag:s14] =	ssyncset.done $0x0  }
0x43: {  	[sflag:s14] =	ssyncadd.s32 $0xFFFFD800  }
0x44: {  	[bflag:$0x0] =	sbarrier.arrive $0xFFFF  }
0x45: {  	[hbm:s8], [sflag:s15] =	dma.local [spmem:s16], $0x2800  }
0x46: {  	_ =	swait.ge [sflag:s14], $0x2800  }
0x47: {  	s30 =	simm.s32 $0x0;
	[sflag:s14] =	ssyncset.done $0x0  }
0x48: {  	s31 =	sand.u32 $0x1, s30;
	[sflag:s14] =	ssyncadd.s32 $0xFFFFD800  }
0x49: {  	[spmem:s16], [sflag:s15] =	dma.local [hbm:s2], $0x2800  }
0x4a: {  	s26 =	sxor.u32 $0x1, s31;
	_ =	swait.ge [sflag:s14], $0x2800  }
0x4b: {  	s25 =	smul.u32 $0xA000, s26;
	[sflag:s14] =	ssyncset.done $0x0  }
0x4c: {  	[sflag:s14] =	ssyncadd.s32 $0xFFFFD800  }
0x4d: {  	s28 =	sshrl.u32 s25, $0x2;
	[bflag:$0x0] =	sbarrier.arrive $0xFFFF  }
0x4e: {  	[tilespmem:s17], [sflag:$0x1] =	stream.indirect.gather [hbm4b:s9+s29], $0x80, s30, s29, $0xb8;
	[tilespmem:$0x1F780] =	vst v63  }
0x4f: {  	s24 =	smul.u32 $0xA000, s31;
	s23 =	sadd.s32 $0x6780, s28;
	s30 =	simm.s32 $0x1  }
0x50: {  	[tilespmem:s23], [sflag:$0x1] =	stream.indirect.gather [hbm4b:s9+s18], $0x80, s29, s18, $0xb8;
	[tilespmem:$0x1F780] =	vst v63  }
0x51: {  	s24 =	sshrl.u32 s24, $0x2;
	s23 =	sand.u32 $0x1, s30;
	_ =	swait.ge [sflag:s19], $0x2800  }
0x52: {  	s24 =	sadd.s32 $0x6780, s24;
	s31 =	sxor.u32 $0x1, s23;
	[sflag:s19] =	ssyncset.done $0x0  }
0x53: {  	s29 =	simm.s32 $0x2780;
	s26 =	smul.u32 $0xA000, s31;
	[sflag:s19] =	ssyncadd.s32 $0xFFFFD800  }
0x54: {  	[spmem:s3] =	stream.indirect.scatter.add.f32 [tilespmem:s24], [sflag:$0x2], $0x80, s29, s18, $0xb8;
	[tilespmem:$0x1F780] =	vst v63  }
0x55: {  	s24 =	smul.u32 $0xA000, s23  }
0x56: {  	s25 =	simm.s32 $0x2;
	s22 =	simm.s32 $0x2800;
	s23 =	simm.s32 $0xA0  }
.LBB2_4:
0x57: {  	s26 =	sshrl.u32 s26, $0x2;
	s24 =	sshrl.u32 s24, $0x2  }
0x58: {  	_ =	swait.ge [sflag:s14], $0x2800;
	s28 =	smov.u32 s25;
	s29 =	smov.u32 s22  }
0x59: {  	s30 =	sadd.s32 $0x1, s25;
	s26 =	sadd.s32 $0x6780, s26;
	[sflag:s14] =	ssyncset.done $0x0  }
0x5a: {  	p0 =	sne.s32 s25, $0x7B;
	[sflag:s14] =	ssyncadd.s32 $0xFFFFD800  }
0x5b: {  	[tilespmem:s26], [sflag:$0x1] =	stream.indirect.gather [hbm4b:s9+s18], $0x80, s23, s18, $0xb8;
	[tilespmem:$0x1F780] =	vst v63  }
.Ltmp1:
0x5c: {  	s22 =	sadd.s32 $0x80, s22;
	s23 =	sadd.s32 $0x50, s23;
	(pc) =	sbr.rel @p0 .LBB2_4-.Ltmp1, $4  }
0x5d: {  	s25 =	sand.u32 $0x1, s28;
	s28 =	sadd.s32 $0x6780, s24;
	_ =	swait.ge [sflag:s19], $0x2800  }
0x5e: {  	s24 =	smul.u32 $0xA000, s25;
	s26 =	sxor.u32 $0x1, s25;
	[sflag:s19] =	ssyncset.done $0x0  }
0x5f: {  	s25 =	smov.u32 s30;
	s26 =	smul.u32 $0xA000, s26;
	[sflag:s19] =	ssyncadd.s32 $0xFFFFD800  }
0x60: {  	[spmem:s3] =	stream.indirect.scatter.add.f32 [tilespmem:s28], [sflag:$0x2], $0x80, s29, s18, $0xb8;
	[tilespmem:$0x1F780] =	vst v63  }
0x61: {  	_ =	swait.ge [sflag:s14], $0x2800  }
0x62: {  	s25 =	sshrl.u32 s26, $0x2;
	[sflag:s14] =	ssyncset.done $0x0  }
0x63: {  	s25 =	sadd.s32 $0x6780, s25;
	[sflag:s14] =	ssyncadd.s32 $0xFFFFD800  }
0x64: {  	[tilespmem:s25], [sflag:$0x1] =	stream.indirect.gather [hbm4b:s9+s18], $0x80, s23, s18, $0xb8;
	[tilespmem:$0x1F780] =	vst v63  }
0x65: {  	_ =	swait.ge [sflag:s19], $0x2800  }
0x66: {  	s31 =	sshrl.u32 s24, $0x2;
	[sflag:s19] =	ssyncset.done $0x0  }
0x67: {  	s23 =	sadd.s32 $0x6780, s31;
	[sflag:s19] =	ssyncadd.s32 $0xFFFFD800  }
0x68: {  	[spmem:s3] =	stream.indirect.scatter.add.f32 [tilespmem:s23], [sflag:$0x2], $0x80, s22, s18, $0xb8;
	[tilespmem:$0x1F780] =	vst v63  }
0x69: {  	_ =	swait.ge [sflag:s14], $0x2800  }
0x6a: {  	[sflag:s14] =	ssyncset.done $0x0  }
0x6b: {  	[sflag:s14] =	ssyncadd.s32 $0xFFFFD800  }
0x6c: {  	_ =	swait.ge [sflag:s19], $0x2800  }
0x6d: {  	[sflag:s19] =	ssyncset.done $0x0  }
0x6e: {  	[sflag:s19] =	ssyncadd.s32 $0xFFFFD800  }
0x6f: {  	[spmem:s3] =	stream.indirect.scatter.add.f32 [tilespmem:s17], [sflag:$0x2], $0x80, s20, s18, $0xb8;
	[tilespmem:$0x1F780] =	vst v63  }
0x70: {  	_ =	swait.ge [sflag:s14], $0x2800  }
0x71: {  	s21 =	sadd.s32 $0x1, s21;
	[sflag:s14] =	ssyncset.done $0x0  }
0x72: {  	p0 =	sne.s32 s21, s11;
	[sflag:s14] =	ssyncadd.s32 $0xFFFFD800  }
.Ltmp2:
0x73: {  	[bflag:$0x0] =	sbarrier.arrive $0xFFFF;
	(pc) =	sbr.rel @p0 .LBB2_1-.Ltmp2, $4  }
0x74: {  	[hbm:s10], [sflag:s15] =	dma.local [spmem:s16], $0x2800  }
0x75: {  	_ =	swait.ge [sflag:s14], $0x2800  }
0x76: {  	[sflag:s14] =	ssyncset.done $0x0  }
0x77: {  	[sflag:s14] =	ssyncadd.s32 $0xFFFFD800  }
0x78: {  	_ =	sfence.sel $0x180000  }
0x79: {  	[bflag:$0x0] =	sbarrier.arrive $0xFFFF  }
0x7a: {  	p0 =	sne.s32 s0, $0x0;
	_ =	strace $0x9000004D  }
0x7b: {  	s0 =	sadd.s32 @!p0 $0x100000, s1;
	[bflag:$0x2] =	sbarrier.arrive $0xFFFF  }
0x7c: {  	[sflag:s0] =	ssyncadd.tile.s32 @!p0 $0x1;
	_ =	shalt  }
.Lfunc_end2:
_tile_overlayer_lowered:
.L_overlay_start_2:
0x7d: {  	(tag) =	ssettag $0x2  }
0x7e: {  	s0 =	rddreg [dreg:$0x0];
	s2 =	stileid.u32  }
0x7f: {  	s1 =	rddreg [dreg:$0x1];
	p0 =	sne.s32 s2, $0x0  }
0x80: {  	s3 =	rddreg [dreg:$0x2];
	[bflag:$0x3] =	sbarrier.arrive $0xFFFF;
	s2 =	simm.s32 @!p0 $0x1C02  }
0x81: {  	[timem:s3], [sflag:s2] =	dma.local @!p0 [hbm:s0], s1  }
0x82: {  	s0 =	simm.s32 @!p0 $0x2  }
0x83: {  	_ =	swait.ge @!p0 [sflag:s0], s1  }
0x84: {  	s1 =	ssub.s32 @!p0 $0x0, s1;
	[sflag:s0] =	ssyncset.done @!p0 $0x0  }
0x85: {  	[sflag:s0] =	ssyncadd.s32 @!p0 s1  }
0x86: {  	[bflag:$0x3] =	sbarrier.arrive $0xFFFF  }
0x87: {  	_ =	shalt  }

// kernel: kernel.19.cloned.1.call-start
scs
__scs_entry_jumppad:
0x0: {  	(pc) =	sbr.rel $0x88, $3  }
0x1: {  	(tag) =	ssettag $0x0;
	lr =	simm.s32 $0x1  }
0x2: {  	[smem:$0x3F96] =	sst lr;
	_ =	strace $0xD0000000  }
0x3: {  	_ = 	snop  }
0x4: {  	_ = 	snop  }
0x5: {  	_ = 	snop  }
0x6: {  	_ = 	snop  }
0x7: {  	_ = 	snop  }
__scs_overlays_trampoline_lowered:
0x8: {  	[smem:$0x3FA5] =	sst s0  }
0x9: {  	[smem:$0x3FA6] =	sst s1  }
0xa: {  	[smem:$0x3FA7] =	sst s2  }
0xb: {  	[smem:$0x3FA8] =	sst s3  }
0xc: {  	[smem:$0x3FA9] =	sst s4  }
0xd: {  	[smem:$0x3FAA] =	sst s5  }
0xe: {  	[smem:$0x3FAB] =	sst s6  }
0xf: {  	[smem:$0x3FAC] =	sst s7  }
0x10: {  	[smem:$0x3FAD] =	sst s8  }
0x11: {  	[smem:$0x3FAE] =	sst s9;
	s0 =	simm.s32 @!p0 $0x0  }
0x12: {  	s1 =	sld [smem:$0x3F94];
	s0 =	simm.s32 @p0 $0x1  }
0x13: {  	[smem:$0x3FAF] =	sst s0;
	s0 =	simm.s32 @!p1 $0x0  }
0x14: {  	s2 =	sld [smem:$0x3F93];
	s0 =	simm.s32 @p1 $0x1  }
0x15: {  	[smem:$0x3FB0] =	sst s0;
	s0 =	simm.s32 @!p2 $0x0  }
0x16: {  	s3 =	sld [smem:$0x3FDB];
	s0 =	simm.s32 @p2 $0x1  }
0x17: {  	s4 =	simm.s32 $0x1BF5;
	[smem:$0x3FB2] =	sst s0  }
0x18: {  	s0 =	sld [smem:$0x3F95];
	_ =	swait.ge [sflag:s4], $0x0  }
0x19: {  	s7 =	sld [smem:$0x3F96]  }
0x1a: {  	s8 =	sadd.s32 $0xFFFFE003, lr  }
0x1b: {  	s9 =	sadd.s32 $0xFFFFFEF7, lr;
	s5 =	simm.s32 $0xFFFFFFFF;
	p2 =	slt.u32 s8, $0xFFFFF086  }
0x1c: {  	p1 =	slt.u32 s9, $0xF7A;
	s5 =	simm.s32 @!p2 $0x0  }
0x1d: {  	s5 =	simm.s32 @p1 $0x1;
	p0 =	seq.s32 s7, s2  }
0x1e: {  	s7 =	smul.u32 @!p0 $0xF7A, s2;
	p2 =	seq.s32 @!p0 s5, $0x0  }
0x1f: {  	s9 =	smul.u32 $0xF7A, s1;
	s8 =	simm.s32 @!p0 $0x1BF5;
	p2 =	por !p2, p0  }
0x20: {  	[sflag:s8] =	ssyncset.s32 @!p0 $0xFFFFF086;
	s6 =	sadd.s32 @!p0 s3, s7;
	s7 =	simm.s32 @!p0 $0x108  }
0x21: {  	s3 =	sadd.s32 s3, s9;
	s6 =	sadd.s32 @!p0 $0x88, s6;
	s7 =	simm.s32 @p2 $0x1082  }
0x22: {  	[simem:s7], [sflag:s8] =	dma.local @!p0 [hbm:s6], $0xF7A  }
0x23: {  	s9 =	sor.u32 $0xD0000000, s2;
	s6 =	simm.s32 $0x108;
	_ =	swait.ge @!p0 [sflag:s8], $0x0  }
0x24: {  	s3 =	sadd.s32 $0x88, s3;
	s6 =	simm.s32 @!p1 $0x1082;
	[sflag:s4] =	ssyncset.s32 $0xFFFFF086  }
0x25: {  	[simem:s6], [sflag:s4] =	dma.local [hbm:s3], $0xF7A  }
0x26: {  	[smem:$0x3F96] =	sst s1;
	(tag) =	ssettag s2;
	_ =	strace s9  }
0x27: {  	s1 =	sld [smem:$0x3FA6]  }
0x28: {  	s2 =	sld [smem:$0x3FA7]  }
0x29: {  	s4 =	sld [smem:$0x3FA9]  }
0x2a: {  	p0 =	seq.s32 s5, $0x0;
	s5 =	sld [smem:$0x3FAA]  }
0x2b: {  	s6 =	sld [smem:$0x3FAB]  }
0x2c: {  	s7 =	sld [smem:$0x3FAC]  }
0x2d: {  	s3 =	simm.s32 $0x108;
	s8 =	sld [smem:$0x3FAD]  }
0x2e: {  	s3 =	simm.s32 @!p0 $0x1082;
	s9 =	sld [smem:$0x3FAE]  }
0x2f: {  	lr =	sadd.s32 s0, s3;
	s0 =	sld [smem:$0x3FA5]  }
0x30: {  	s3 =	sld [smem:$0x3FA8]  }
0x31: {  	[smem:$0x3FB1] =	sst s10  }
0x32: {  	s10 =	sld [smem:$0x3FAF];
	_ =	sdelay $0x3  }
0x33: {  	p0 =	seq.s32 s10, $0x1;
	s10 =	sld [smem:$0x3FB1];
	_ =	sdelay $0x3  }
0x34: {  	[smem:$0x3FB1] =	sst s10  }
0x35: {  	s10 =	sld [smem:$0x3FB0];
	_ =	sdelay $0x3  }
0x36: {  	p1 =	seq.s32 s10, $0x1;
	s10 =	sld [smem:$0x3FB1];
	_ =	sdelay $0x3  }
0x37: {  	[smem:$0x3FB1] =	sst s10  }
0x38: {  	s10 =	sld [smem:$0x3FB2]  }
0x39: {  	_ = 	snop;
	(pc) =	sbr.ind lr, $3  }
0x3a: {  	_ = 	snop  }
0x3b: {  	_ = 	snop  }
0x3c: {  	p2 =	seq.s32 s10, $0x1;
	s10 =	sld [smem:$0x3FB1]  }
0x3d: {  	_ =	shalt  }
0x3e: {  	_ =	shalt  }
0x3f: {  	_ =	shalt  }
0x40: {  	_ =	shalt  }
0x41: {  	_ =	shalt  }
0x42: {  	_ =	shalt  }
0x43: {  	_ =	shalt  }
0x44: {  	_ =	shalt  }
0x45: {  	_ =	shalt  }
0x46: {  	_ =	shalt  }
0x47: {  	_ =	shalt  }
0x48: {  	_ =	shalt  }
0x49: {  	_ =	shalt  }
0x4a: {  	_ =	shalt  }
0x4b: {  	_ =	shalt  }
0x4c: {  	_ =	shalt  }
0x4d: {  	_ =	shalt  }
0x4e: {  	_ =	shalt  }
0x4f: {  	_ =	shalt  }
0x50: {  	_ =	shalt  }
0x51: {  	_ =	shalt  }
0x52: {  	_ =	shalt  }
0x53: {  	_ =	shalt  }
0x54: {  	_ =	shalt  }
0x55: {  	_ =	shalt  }
0x56: {  	_ =	shalt  }
0x57: {  	_ =	shalt  }
0x58: {  	_ =	shalt  }
0x59: {  	_ =	shalt  }
0x5a: {  	_ =	shalt  }
0x5b: {  	_ =	shalt  }
0x5c: {  	_ =	shalt  }
0x5d: {  	_ =	shalt  }
0x5e: {  	_ =	shalt  }
0x5f: {  	_ =	shalt  }
0x60: {  	_ =	shalt  }
0x61: {  	_ =	shalt  }
0x62: {  	_ =	shalt  }
0x63: {  	_ =	shalt  }
0x64: {  	_ =	shalt  }
0x65: {  	_ =	shalt  }
0x66: {  	_ =	shalt  }
0x67: {  	_ =	shalt  }
0x68: {  	_ =	shalt  }
0x69: {  	_ =	shalt  }
0x6a: {  	_ =	shalt  }
0x6b: {  	_ =	shalt  }
0x6c: {  	_ =	shalt  }
0x6d: {  	_ =	shalt  }
0x6e: {  	_ =	shalt  }
0x6f: {  	_ =	shalt  }
0x70: {  	_ =	shalt  }
0x71: {  	_ =	shalt  }
0x72: {  	_ =	shalt  }
0x73: {  	_ =	shalt  }
0x74: {  	_ =	shalt  }
0x75: {  	_ =	shalt  }
0x76: {  	_ =	shalt  }
0x77: {  	_ =	shalt  }
0x78: {  	_ =	shalt  }
0x79: {  	_ =	shalt  }
0x7a: {  	_ =	shalt  }
0x7b: {  	_ =	shalt  }
0x7c: {  	_ =	shalt  }
0x7d: {  	_ =	shalt  }
0x7e: {  	_ =	shalt  }
0x7f: {  	_ =	shalt  }
0x80: {  	_ =	shalt  }
0x81: {  	_ =	shalt  }
0x82: {  	_ =	shalt  }
0x83: {  	_ =	shalt  }
0x84: {  	_ =	shalt  }
0x85: {  	_ =	shalt  }
0x86: {  	_ =	shalt  }
0x87: {  	_ =	shalt  }
.Lfunc_end0:
.L_simem_size_0:
called_computation.3_lowered:
.L_overlay_start_0:
0x88: {  	s2 =	sld [smem:$0x3FD9]  }
0x89: {  	s3 =	sld [smem:$0x3FFE];
	_ =	sdelay $0x1  }
0x8a: {  	s1 =	srdreg.scid  }
0x8b: {  	s0 =	sand.u32 $0x1, s1  }
0x8c: {  	s14 =	sshll.u32 s0, $0xA;
	s2 =	sadd.s32 s3, s2  }
0x8d: {  	s2 =	sadd.s32 s2, s14  }
0x8e: {  	[smem:$0x3FBD] =	sst s2  }
0x8f: {  	_ = 	snop  }
0x90: {  	s2 =	sld [smem:$0x3FD0];
	_ =	sdelay $0x2  }
0x91: {  	s15 =	simm.s32 $0xA;
	s4 =	simm.s32 $0x10  }
0x92: {  	[smem:s4], [sflag:s15] =	dma.local [hbm:s2], $0x1  }
0x93: {  	_ =	swait.eq [sflag:s15], $0x1  }
0x94: {  	[sflag:s15] =	ssyncset.done $0x0  }
0x95: {  	[sflag:s15] =	ssyncadd.s32 $0xFFFFFFFF  }
0x96: {  	s16 =	sld [smem:$0x12];
	(tm) =	ssettm $0x1  }
0x97: {  	s17 =	sld [smem:$0x3FFB];
	_ =	sdelay $0x3  }
0x98: {  	_ =	strace s17  }
0x99: {  	s3 =	sld [smem:$0x3FFC];
	_ =	sdelay $0x3  }
0x9a: {  	_ =	strace s3  }
0x9b: {  	s3 =	sld [smem:$0x3FFD];
	_ =	sdelay $0x3  }
0x9c: {  	_ =	strace s3  }
0x9d: {  	_ =	strace $0x8FFFFFFF  }
0x9e: {  	s18 =	sld [smem:$0x3FDB];
	_ =	sdelay $0x1  }
0x9f: {  	s19 =	simm.s32 $_scs_section_size  }
0xa0: {  	s5 =	simm.s32 $_size__tile_overlayer_lowered;
	s6 =	simm.s32 $_tile_overlayer_lowered  }
0xa1: {  	s22 =	simm.s32 $0x1BFF;
	s21 =	sshll.u32 s6, $0x1;
	s3 =	sadd.s32 s19, s18  }
0xa2: {  	s7 =	simm.s32 $0x0;
	s20 =	sshll.u32 s5, $0x1;
	s5 =	sadd.s32 s21, s3  }
0xa3: {  	[timem:s7], [sflag:s22] =	dma.local [hbm:s5], s20  }
0xa4: {  	_ =	swait.ge [sflag:s22], s20  }
0xa5: {  	s4 =	ssub.s32 $0x0, s20;
	[sflag:s22] =	ssyncset.done $0x0  }
0xa6: {  	[sflag:s22] =	ssyncadd.s32 s4;
	_ =	sdelay $0x1  }
0xa7: {  	s23 =	simm.s32 $0x1B8B  }
0xa8: {  	_ =	swait.ge [sflag:s23], $0x1  }
0xa9: {  	[sflag:s23] =	ssyncset.done $0x0  }
0xaa: {  	s25 =	simm.s32 $0x1B8E;
	s24 =	sld [smem:$0x3FFE];
	[sflag:s23] =	ssyncadd.s32 $0xFFFFFFFF  }
0xab: {  	s26 =	simm.s32 $execute0_lowered;
	[smem:$0x3FD2] =	sst s25  }
0xac: {  	s5 =	sshll.u32 s26, $0x1;
	_ =	strace $0x8000004F;
	[dreg:$0x1] =	wrdreg $0xFFFFFFFF  }
0xad: {  	s28 =	simm.s32 $_size_execute0_lowered;
	s3 =	sadd.s32 s3, s5;
	[dreg:$0x0] =	wrdreg $0x0  }
0xae: {  	s5 =	sshll.u32 s28, $0x1;
	[dreg:$0x2] =	wrdreg s3  }
0xaf: {  	[dreg:$0x3] =	wrdreg s5  }
0xb0: {  	[dreg:$0x4] =	wrdreg $0xC0  }
0xb1: {  	_ =	task [dreg:s7], $0x5FFFF  }
0xb2: {  	[dreg:$0x1] =	wrdreg $0xFFFFFFFF  }
0xb3: {  	[dreg:$0x0] =	wrdreg $0x60  }
0xb4: {  	[dreg:$0x2] =	wrdreg s24  }
0xb5: {  	[dreg:$0x3] =	wrdreg s16  }
0xb6: {  	[dreg:$0x4] =	wrdreg $0xB7800  }
0xb7: {  	[dreg:$0x5] =	wrdreg $0x9  }
0xb8: {  	_ =	task.clear_ibuf [dreg:s7], $0x6FFFF;
	_ =	strace $0x9000004F  }
0xb9: {  	s29 =	simm.s32 $0x9;
	_ =	strace $0x80000051  }
0xba: {  	_ =	swait.ge [sflag:s29], $0x1  }
0xbb: {  	[sflag:s29] =	ssyncadd.s32 $0xFFFFFFFF  }
0xbc: {  	_ =	strace $0x90000051  }
0xbd: {  	_ =	sfence  }
0xbe: {  	s30 =	sld [smem:$0x0];
	_ =	sdelay $0x2  }
0xbf: {  	s31 =	sshll.u32 s1, $0xD;
	s1 =	sshrl.u32 s1, $0x2  }
0xc0: {  	s3 =	sand.u32 $0x4000, s31;
	s1 =	sadd.s32 s1, s30  }
0xc1: {  	s0 =	sor.u32 s3, s0;
	s1 =	sshll.u32 s1, $0x11  }
0xc2: {  	s0 =	sor.u32 s1, s0  }
0xc3: {  	s0 =	sadd.s32 $0x8F2B, s0  }
0xc4: {  	[sflag:s0] =	ssyncadd.remote.s32 $0x1  }
0xc5: {  	_ =	sfence.sel $0xFFFF  }
0xc6: {  	[dreg:$0x0] =	wrdreg $0xFFFFFFFF;
	(pc) =	sbr.abs _section_cstart, $3  }
0xc7: {  	[dreg:$0x1] =	wrdreg $0xFFFFFFFF  }
0xc8: {  	_ =	task.clear_ibuf [dreg:s7], $0x2FFFF;
	_ =	strace $0x9FFFFFFF  }
0xc9: {  	(tm) =	ssettm $0x7FFFFFFF  }
tec
execute0_lowered:
.L_overlay_start_1:
0x0: {  	(tag) =	ssettag $0x1  }
0x1: {  	s6 =	rddreg [dreg:$0x0]  }
0x2: {  	s1 =	srdreg.scid;
	s2 =	rddreg [dreg:$0x1]  }
0x3: {  	s0 =	stileid.u32;
	s3 =	rddreg [dreg:$0x2]  }
0x4: {  	s4 =	simm.s32 $0x0;
	s15 =	simm.s32 $0x6780;
	s16 =	simm.s32 $0x50  }
0x5: {  	s17 =	simm.s32 $0x1;
	s18 =	simm.s32 $0x6580;
	s19 =	simm.s32 $0x0  }
0x6: {  	s7 =	sand.u32 $0x1, s1;
	s24 =	sshrl.u32 s0, $0x3;
	s10 =	smul.u32 $0x14000, s0  }
0x7: {  	s1 =	rddreg [dreg:$0x3];
	s9 =	sshll.u32 s0, $0x7;
	s13 =	smul.u32 $0x50000, s0  }
0x8: {  	[smem:$0x7FF] =	sst s4;
	s11 =	sshll.u32 s0, $0xB;
	s5 =	smul.u32 $0x27800, s7  }
0x9: {  	s31 =	sshll.u32 s0, $0x6;
	s8 =	smul.u32 $0x13C00, s24;
	s25 =	sand.u32 $0x380, s9  }
0xa: {  	s26 =	smul.u32 $0x140000, s7;
	_ =	strace $0x80000050;
	s29 =	ssub.s32 $0x2, s7  }
0xb: {  	s11 =	sadd.s32 s11, s6;
	s7 =	sshll.u32 s7, $0xF;
	s12 =	sshrl.u32 s29, $0x1  }
0xc: {  	s7 =	sadd.s32 s7, s11;
	s30 =	sshrl.u32 s13, $0x2;
	s11 =	simm.s32 $0x400  }
0xd: {  	s13 =	sor.u32 $0x1C02, s31;
	s5 =	sadd.s32 s5, s8;
	s8 =	sadd.s32 s10, s26  }
0xe: {  	s10 =	ssub.s32 s29, s12;
	s7 =	sadd.s32 $0x3400, s7;
	s14 =	sadd.s32 s30, s3  }
0xf: {  	s12 =	simm.s32 $0x2;
	s5 =	sor.u32 s25, s5;
	s8 =	sshrl.u32 s8, $0x3  }
0x10: {  	s14 =	sshrl.u32 s14, $0x3;
	s28 =	sshrl.u32 s5, $0x3;
	s8 =	sadd.s32 s8, s6  }
0x11: {  	s5 =	sadd.s32 $0x13400, s6;
	s9 =	sadd.s32 s28, s6;
	s8 =	sadd.s32 $0x6D200, s8  }
0x12: {  	s6 =	sadd.s32 $0x63400, s9;
	s9 =	smax.u32 s10, $0x1;
	s10 =	simm.s32 $0x80  }
.LBB2_1:
0x13: {  	[tilespmem:s4], [sflag:$0x2] =	stream.strided.gather [hbm4b:s6+s10], $0x2780, s11, s10, $0x38;
	[tilespmem:$0x1F780] =	vst v63  }
0x14: {  	_ =	swait.ge [sflag:s12], $0x2780  }
0x15: {  	[sflag:s12] =	ssyncset.done $0x0  }
0x16: {  	s20 =	simm.s32 $0x2780;
	[sflag:s12] =	ssyncadd.s32 $0xFFFFD880  }
0x17: {  	[tilespmem:s20], [sflag:$0x2] =	stream.linear.gather [hbm4b:s7+s4], $0x3E80, $0x38;
	[tilespmem:$0x1F780] =	vst v63  }
0x18: {  	_ =	swait.ge [sflag:s12], $0x3E80  }
0x19: {  	[sflag:s12] =	ssyncset.done $0x0  }
0x1a: {  	s21 =	sand.u32 $0x1, s4;
	[sflag:s12] =	ssyncadd.s32 $0xFFFFC180  }
0x1b: {  	[spmem:s14], [sflag:s13] =	dma.local [hbm:s2], $0x2800  }
0x1c: {  	s22 =	sxor.u32 $0x1, s21;
	_ =	swait.ge [sflag:s12], $0x2800  }
0x1d: {  	s22 =	smul.u32 $0xA000, s22;
	[sflag:s12] =	ssyncset.done $0x0  }
0x1e: {  	[sflag:s12] =	ssyncadd.s32 $0xFFFFD800  }
0x1f: {  	s22 =	sshrl.u32 s22, $0x2;
	[bflag:$0x0] =	sbarrier.arrive $0xFFFF  }
0x20: {  	[tilespmem:s15], [sflag:$0x1] =	stream.indirect.gather [hbm4b:s5+s16], $0x80, s4, s16, $0xb8;
	[tilespmem:$0x1F780] =	vst v63  }
0x21: {  	s30 =	simm.s32 $0x1;
	s21 =	smul.u32 $0xA000, s21;
	s22 =	sadd.s32 $0x6780, s22  }
0x22: {  	[tilespmem:s22], [sflag:$0x1] =	stream.indirect.gather [hbm4b:s5+s16], $0x80, s16, s16, $0xb8;
	[tilespmem:$0x1F780] =	vst v63  }
0x23: {  	s21 =	sshrl.u32 s21, $0x2;
	s22 =	sand.u32 $0x1, s30;
	_ =	swait.ge [sflag:s17], $0x2800  }
0x24: {  	s31 =	sxor.u32 $0x1, s22;
	s22 =	smul.u32 $0xA000, s22;
	[sflag:s17] =	ssyncset.done $0x0  }
0x25: {  	s21 =	sadd.s32 $0x6780, s21;
	s24 =	smul.u32 $0xA000, s31;
	[sflag:s17] =	ssyncadd.s32 $0xFFFFD800  }
0x26: {  	[spmem:s3] =	stream.indirect.scatter.add.f32 [tilespmem:s21], [sflag:$0x2], $0x80, s20, s16, $0xb8;
	[tilespmem:$0x1F780] =	vst v63  }
0x27: {  	s23 =	simm.s32 $0x2;
	s21 =	simm.s32 $0xA0;
	s20 =	simm.s32 $0x2800  }
.LBB2_2:
0x28: {  	s24 =	sshrl.u32 s24, $0x2;
	s22 =	sshrl.u32 s22, $0x2  }
0x29: {  	_ =	swait.ge [sflag:s12], $0x2800;
	s25 =	smov.u32 s23;
	s26 =	smov.u32 s20  }
0x2a: {  	s28 =	sadd.s32 $0x1, s23;
	s24 =	sadd.s32 $0x6780, s24;
	[sflag:s12] =	ssyncset.done $0x0  }
0x2b: {  	p0 =	sne.s32 s23, $0x7B;
	[sflag:s12] =	ssyncadd.s32 $0xFFFFD800  }
0x2c: {  	[tilespmem:s24], [sflag:$0x1] =	stream.indirect.gather [hbm4b:s5+s16], $0x80, s21, s16, $0xb8;
	[tilespmem:$0x1F780] =	vst v63  }
.Ltmp0:
0x2d: {  	s20 =	sadd.s32 $0x80, s20;
	s21 =	sadd.s32 $0x50, s21;
	(pc) =	sbr.rel @p0 .LBB2_2-.Ltmp0, $4  }
0x2e: {  	s23 =	sand.u32 $0x1, s25;
	s25 =	sadd.s32 $0x6780, s22;
	_ =	swait.ge [sflag:s17], $0x2800  }
0x2f: {  	s22 =	smul.u32 $0xA000, s23;
	s24 =	sxor.u32 $0x1, s23;
	[sflag:s17] =	ssyncset.done $0x0  }
0x30: {  	s23 =	smov.u32 s28;
	s24 =	smul.u32 $0xA000, s24;
	[sflag:s17] =	ssyncadd.s32 $0xFFFFD800  }
0x31: {  	[spmem:s3] =	stream.indirect.scatter.add.f32 [tilespmem:s25], [sflag:$0x2], $0x80, s26, s16, $0xb8;
	[tilespmem:$0x1F780] =	vst v63  }
0x32: {  	_ =	swait.ge [sflag:s12], $0x2800  }
0x33: {  	s23 =	sshrl.u32 s24, $0x2;
	[sflag:s12] =	ssyncset.done $0x0  }
0x34: {  	s23 =	sadd.s32 $0x6780, s23;
	[sflag:s12] =	ssyncadd.s32 $0xFFFFD800  }
0x35: {  	[tilespmem:s23], [sflag:$0x1] =	stream.indirect.gather [hbm4b:s5+s16], $0x80, s21, s16, $0xb8;
	[tilespmem:$0x1F780] =	vst v63  }
0x36: {  	_ =	swait.ge [sflag:s17], $0x2800  }
0x37: {  	s31 =	sshrl.u32 s22, $0x2;
	[sflag:s17] =	ssyncset.done $0x0  }
0x38: {  	s21 =	sadd.s32 $0x6780, s31;
	[sflag:s17] =	ssyncadd.s32 $0xFFFFD800  }
0x39: {  	[spmem:s3] =	stream.indirect.scatter.add.f32 [tilespmem:s21], [sflag:$0x2], $0x80, s20, s16, $0xb8;
	[tilespmem:$0x1F780] =	vst v63  }
0x3a: {  	_ =	swait.ge [sflag:s12], $0x2800  }
0x3b: {  	[sflag:s12] =	ssyncset.done $0x0  }
0x3c: {  	[sflag:s12] =	ssyncadd.s32 $0xFFFFD800  }
0x3d: {  	_ =	swait.ge [sflag:s17], $0x2800  }
0x3e: {  	[sflag:s17] =	ssyncset.done $0x0  }
0x3f: {  	[sflag:s17] =	ssyncadd.s32 $0xFFFFD800  }
0x40: {  	[spmem:s3] =	stream.indirect.scatter.add.f32 [tilespmem:s15], [sflag:$0x2], $0x80, s18, s16, $0xb8;
	[tilespmem:$0x1F780] =	vst v63  }
0x41: {  	_ =	swait.ge [sflag:s12], $0x2800  }
0x42: {  	s19 =	sadd.s32 $0x1, s19;
	[sflag:s12] =	ssyncset.done $0x0  }
0x43: {  	p0 =	sne.s32 s19, s9;
	[sflag:s12] =	ssyncadd.s32 $0xFFFFD800  }
.Ltmp1:
0x44: {  	[bflag:$0x0] =	sbarrier.arrive $0xFFFF;
	(pc) =	sbr.rel @p0 .LBB2_1-.Ltmp1, $4  }
0x45: {  	[hbm:s8], [sflag:s13] =	dma.local [spmem:s14], $0x2800  }
0x46: {  	_ =	swait.ge [sflag:s12], $0x2800  }
0x47: {  	[sflag:s12] =	ssyncset.done $0x0  }
0x48: {  	[sflag:s12] =	ssyncadd.s32 $0xFFFFD800  }
0x49: {  	_ =	sfence.sel $0x180000  }
0x4a: {  	[bflag:$0x0] =	sbarrier.arrive $0xFFFF  }
0x4b: {  	p0 =	sne.s32 s0, $0x0;
	_ =	strace $0x90000050  }
0x4c: {  	s0 =	sadd.s32 @!p0 $0x100000, s1;
	[bflag:$0x2] =	sbarrier.arrive $0xFFFF  }
0x4d: {  	[sflag:s0] =	ssyncadd.tile.s32 @!p0 $0x1;
	_ =	shalt  }
.Lfunc_end2:
_tile_overlayer_lowered:
.L_overlay_start_2:
0x4e: {  	(tag) =	ssettag $0x2  }
0x4f: {  	s0 =	rddreg [dreg:$0x0];
	s2 =	stileid.u32  }
0x50: {  	s1 =	rddreg [dreg:$0x1];
	p0 =	sne.s32 s2, $0x0  }
0x51: {  	s3 =	rddreg [dreg:$0x2];
	[bflag:$0x3] =	sbarrier.arrive $0xFFFF;
	s2 =	simm.s32 @!p0 $0x1C02  }
0x52: {  	[timem:s3], [sflag:s2] =	dma.local @!p0 [hbm:s0], s1  }
0x53: {  	s0 =	simm.s32 @!p0 $0x2  }
0x54: {  	_ =	swait.ge @!p0 [sflag:s0], s1  }
0x55: {  	s1 =	ssub.s32 @!p0 $0x0, s1;
	[sflag:s0] =	ssyncset.done @!p0 $0x0  }
0x56: {  	[sflag:s0] =	ssyncadd.s32 @!p0 s1  }
0x57: {  	[bflag:$0x3] =	sbarrier.arrive $0xFFFF  }
0x58: {  	_ =	shalt  }

</sc_bundles>
